<compile_context>
chip_gen: v7x
topology: tpu7x:2x2x1
jax: 0.10.2.dev20260603
libtpu: 0.0.44.dev20260713+nightly
codegen_flags: <defaults>
</compile_context>

<pallas_src>
import functools

import jax
import jax.numpy as jnp
from jax import lax
from jax.experimental import pallas as pl
from jax.experimental.pallas import tpu as pltpu
from jax.experimental.pallas import tpu_sc as plsc

NK = 16
RB = 256
RN = 256


def _knn_body(xt_ref, xc_ref, pt_ref, wct_ref, wpt_ref,
              idx_ref, a_ref, c_ref):
    r = pl.program_id(0)
    x = xt_ref[...]
    xc = xc_ref[...]
    p = pt_ref[...]
    c = jnp.dot(x, wct_ref[...], preferred_element_type=jnp.float32)
    a = c + jnp.dot(p, wpt_ref[...], preferred_element_type=jnp.float32)
    c_ref[...] = c
    a_ref[...] = jnp.concatenate([a, jnp.zeros_like(a)], axis=1)
    ssc = jnp.sum(xc * xc, axis=0, keepdims=True)
    bmat = jnp.concatenate([-2.0 * xc, ssc], axis=0)
    xa = jnp.concatenate(
        [x, jnp.ones((x.shape[0], 1), jnp.float32)], axis=1)
    d = jnp.dot(xa, bmat, preferred_element_type=jnp.float32)
    iota = lax.broadcasted_iota(jnp.int32, d.shape, 1)
    big = jnp.int32(2 ** 30)
    inf = jnp.float32(jnp.inf)
    row_ids = lax.broadcasted_iota(jnp.int32, (RB, 1), 0) + r * RB
    d = jnp.where(iota == row_ids, inf, d)
    cols = [row_ids]
    for _ in range(NK - 1):
        m = jnp.min(d, axis=1, keepdims=True)
        eqm = d == m
        j = jnp.min(jnp.where(eqm, iota, big), axis=1, keepdims=True)
        d = jnp.where(eqm, inf, d)
        cols.append(j)
    idx_ref[...] = jnp.concatenate(cols, axis=1)


def _knn_call(xyz_t, xyz, points_t, wct, wpt):
    n = xyz_t.shape[0]
    return pl.pallas_call(
        _knn_body,
        grid=(n // RB,),
        in_specs=[
            pl.BlockSpec((RB, 3), lambda r: (r, 0)),
            pl.BlockSpec((3, n), lambda r: (0, 0)),
            pl.BlockSpec((RB, 64), lambda r: (r, 0)),
            pl.BlockSpec((3, 64), lambda r: (0, 0)),
            pl.BlockSpec((64, 64), lambda r: (0, 0)),
        ],
        out_specs=[
            pl.BlockSpec((RB, NK), lambda r: (r, 0)),
            pl.BlockSpec((RB, 128), lambda r: (r, 0)),
            pl.BlockSpec((RB, 64), lambda r: (r, 0)),
        ],
        out_shape=[
            jax.ShapeDtypeStruct((n, NK), jnp.int32),
            jax.ShapeDtypeStruct((n, 128), jnp.float32),
            jax.ShapeDtypeStruct((n, 64), jnp.float32),
        ],
    )(xyz_t, xyz, points_t, wct, wpt)


def _mlp_body(g_ref, c_ref, w1t_ref, w2t_ref, o_ref):
    g = g_ref[..., :64]
    c = c_ref[...]
    h0 = g - c[:, None, :]
    h0 = jnp.where(h0 > 0, h0, 0.1 * h0)
    h0f = h0.reshape(RN * NK, 64)
    h1 = jnp.dot(h0f, w1t_ref[...], preferred_element_type=jnp.float32)
    h1 = jnp.where(h1 > 0, h1, 0.1 * h1)
    h2 = jnp.dot(h1, w2t_ref[...], preferred_element_type=jnp.float32)
    h2 = jnp.where(h2 > 0, h2, 0.1 * h2)
    x3 = h2.reshape(RN, NK, 128)
    acc = x3[:, 0, :]
    for k in range(1, NK):
        acc = jnp.maximum(acc, x3[:, k, :])
    o_ref[...] = acc


def _mlp_call(g, c, w1t, w2t):
    m = c.shape[0]
    return pl.pallas_call(
        _mlp_body,
        grid=(m // RN,),
        in_specs=[
            pl.BlockSpec((RN, NK, 128), lambda i: (i, 0, 0)),
            pl.BlockSpec((RN, 64), lambda i: (i, 0)),
            pl.BlockSpec((64, 64), lambda i: (0, 0)),
            pl.BlockSpec((64, 128), lambda i: (0, 0)),
        ],
        out_specs=pl.BlockSpec((RN, 128), lambda i: (i, 0)),
        out_shape=jax.ShapeDtypeStruct((m, 128), jnp.float32),
    )(g, c, w1t, w2t)



def _sc_gather(table, idx3):
    info = plsc.get_sparse_core_info()
    ncores, nsub = info.num_cores, info.num_subcores
    nchunks = idx3.shape[1]
    total = idx3.shape[0] * nchunks * 128
    cpw = nchunks * 128
    gpb = 4
    nbund = nchunks // gpb
    mesh = plsc.VectorSubcoreMesh(core_axis_name="c", subcore_axis_name="s")

    @functools.partial(
        pl.kernel,
        mesh=mesh,
        out_type=jax.ShapeDtypeStruct((total, 128), jnp.float32),
        scratch_types=[
            pltpu.VMEM((nchunks, 128), jnp.int32),
            pltpu.VMEM((gpb * 128, 128), jnp.float32),
            pltpu.SemaphoreType.DMA,
        ],
    )
    def k(table_hbm, idx_hbm, out_hbm, idx_v, rows_v, sem):
        wid = lax.axis_index("s") * ncores + lax.axis_index("c")
        pltpu.sync_copy(idx_hbm.at[wid], idx_v)

        def body(gi, carry):
            hs = []
            for j in range(gpb):
                hs.append(pltpu.async_copy(
                    table_hbm.at[idx_v.at[gi * gpb + j]],
                    rows_v.at[pl.ds(j * 128, 128)], sem))
            for h in hs:
                h.wait()
            pltpu.sync_copy(
                rows_v,
                out_hbm.at[pl.ds(wid * cpw + gi * (gpb * 128), gpb * 128)])
            return carry

        lax.fori_loop(0, nbund, body, 0)

    return k(table, idx3)


def kernel(xyz, points, W0, W1, W2):
    bsz, _, n = xyz.shape
    xyz_t = jnp.transpose(xyz, (0, 2, 1))
    points_t = jnp.transpose(points, (0, 2, 1))
    wct = jnp.transpose(W0[:, :3])
    wpt = jnp.transpose(W0[:, 3:])
    w1t = jnp.transpose(W1)
    w2t = jnp.transpose(W2)
    outs = []
    for b in range(bsz):
        idx, a_t, c_t = _knn_call(xyz_t[b], xyz[b], points_t[b], wct, wpt)
        idx3 = idx.reshape(32, (n * NK) // (32 * 128), 128)
        g = _sc_gather(a_t, idx3)
        outs.append(_mlp_call(g.reshape(n, NK, 128), c_t, w1t, w2t))
    return jnp.transpose(jnp.stack(outs), (0, 2, 1))

# --- scband reference (transcript-rebuilt; emitter-appended) ---
"""Pipeline reference for scband-set-abstract-51170240364929 (READ-ONLY COPY).

The authoritative reference and input builder live on the scoring server;
editing this copy changes nothing except your own understanding.
"""

import jax, jax.numpy as jnp
import numpy as np

NSAMPLE = 16

def setup_inputs(seed: int = 0) -> dict:
    key = jax.random.key(seed)
    k1, k2, k3, k4, k5 = jax.random.split(key, 5)
    xyz = jax.random.normal(k1, (4, 3, 4096), dtype=jnp.float32)
    points = jax.random.normal(k2, (4, 64, 4096), dtype=jnp.float32)
    # mlp_convs[0]: Conv2d(67 -> 64, 1x1, bias=False), stored as [out, in]
    W0 = jax.random.normal(k3, (64, 67), dtype=jnp.float32) * 0.1
    # mlp_convs[1]: Conv2d(64 -> 64)
    W1 = jax.random.normal(k4, (64, 64), dtype=jnp.float32) * 0.1
    # mlp_convs[2]: Conv2d(64 -> 128)
    W2 = jax.random.normal(k5, (128, 64), dtype=jnp.float32) * 0.1
    return {"xyz": xyz, "points": points, "W0": W0, "W1": W1, "W2": W2}


def _leaky(x):
    return jnp.where(x > 0, x, 0.1 * x)


def reference(xyz, points, W0, W1, W2):
    # xyz: [B, 3, N], points: [B, 64, N]
    K = NSAMPLE
    xyz_t = jnp.transpose(xyz, (0, 2, 1))  # [B, N, 3]
    # F.conv1d(points, W0[:, 3:]) -> feature projection, then permute to [B, N, 64]
    pts = jnp.einsum('oi,bin->bno', W0[:, 3:], points)  # [B, N, 64]
    # knn_point: pairwise squared distances [B, N, N], k smallest
    sqr = -2.0 * jnp.einsum('bnc,bmc->bnm', xyz_t, xyz_t)
    ss = jnp.sum(xyz_t ** 2, axis=-1)
    sqr = sqr + ss[:, :, None] + ss[:, None, :]
    _, idx = jax.lax.top_k(-sqr, K)  # [B, N, K] indices of K nearest
    # grouping (gather)
    gather = jax.vmap(lambda p, i: p[i])  # p: [N, C], i: [N, K] -> [N, K, C]
    grouped_xyz = gather(xyz_t, idx)  # [B, N, K, 3]
    grouped_xyz_norm = grouped_xyz - xyz_t[:, :, None, :]  # [B, N, K, 3]
    grouped_pts = gather(pts, idx)  # [B, N, K, 64]
    new_points = jnp.concatenate([grouped_xyz_norm, grouped_pts], axis=-1)  # [B, N, K, 67]
    gxn = jnp.transpose(grouped_xyz_norm, (0, 3, 1, 2))  # [B, 3, N, K]
    npts = jnp.transpose(new_points, (0, 3, 1, 2))  # [B, 67, N, K]
    # i == 0: conv2d(grouped_xyz_norm, W0[:, :3]) + new_points[:, 3:]
    x = jnp.einsum('oi,bink->bonk', W0[:, :3], gxn) + npts[:, 3:, :, :]
    x = _leaky(x)
    x = _leaky(jnp.einsum('oi,bink->bonk', W1, x))
    x = _leaky(jnp.einsum('oi,bink->bonk', W2, x))
    out = jnp.max(x, axis=-1)  # [B, 128, N]
    return out

if __name__ == "__main__":
    import jax
    _d = setup_inputs()
    print(jax.jit(kernel)(*tuple(_d.values())))

</pallas_src>

<mosaic_0001>
#map = affine_map<(d0, d1) -> (0, 0)>
#map1 = affine_map<(d0, d1) -> (0, 0, 0)>
module attributes {stable_mosaic.version = 14 : i64} {
  func.func @k(%arg0: i32, %arg1: i32, %arg2: memref<4096x128xf32, #tpu.memory_space<hbm>>, %arg3: memref<32x16x128xi32, #tpu.memory_space<hbm>>, %arg4: memref<65536x128xf32, #tpu.memory_space<hbm>>, %arg5: memref<16x128xi32, #tpu.memory_space<vmem>>, %arg6: memref<512x128xf32, #tpu.memory_space<vmem>>, %arg7: memref<!tpu.dma_semaphore, #tpu.memory_space<semaphore_mem>>) attributes {dimension_semantics = [#tpu.dimension_semantics<core_parallel>, #tpu.dimension_semantics<subcore_parallel>], iteration_bounds = array<i64: 2, 16>, scalar_prefetch = 0 : i64, scratch_operands = 3 : i64, tpu.core_type = #tpu.core_type<sc_vector_subcore>, window_params = [{transform_indices = #map}, {transform_indices = #map1}, {transform_indices = #map}]} {
    %mul3A = arith.constant 2 : i32
    %mul3A_0 = arith.muli %arg1, %mul3A : i32
    %add3A = arith.addi %mul3A_0, %arg0 : i32
    "tpu.region"() ({
      %run_scoped3A = tpu.sem_alloc : memref<!tpu.dma_semaphore, #tpu.memory_space<semaphore_mem>>
      %dma_start3A = arith.constant 0 : i32
      %dma_start3A_6 = arith.constant 0 : i32
      %dma_start3A_7 = tpu.memref_slice %arg3[%add3A, %dma_start3A, %dma_start3A_6] : memref<32x16x128xi32, #tpu.memory_space<hbm>> -> memref<1x16x128xi32, #tpu.memory_space<hbm>>
      %dma_start3A_8 = tpu.memref_squeeze %dma_start3A_7 : memref<1x16x128xi32, #tpu.memory_space<hbm>> -> memref<16x128xi32, #tpu.memory_space<hbm>>
      %dma_start3A_9 = arith.constant 0 : i32
      %dma_start3A_10 = arith.constant 0 : i32
      %dma_start3A_11 = tpu.memref_slice %arg3[%add3A, %dma_start3A_9, %dma_start3A_10] : memref<32x16x128xi32, #tpu.memory_space<hbm>> -> memref<1x16x128xi32, #tpu.memory_space<hbm>>
      %dma_start3A_12 = tpu.memref_squeeze %dma_start3A_11 : memref<1x16x128xi32, #tpu.memory_space<hbm>> -> memref<16x128xi32, #tpu.memory_space<hbm>>
      tpu.enqueue_dma source(%dma_start3A_12 : memref<16x128xi32, #tpu.memory_space<hbm>>) target(%arg5 : memref<16x128xi32, #tpu.memory_space<vmem>>) target_semaphore(%run_scoped3A : memref<!tpu.dma_semaphore, #tpu.memory_space<semaphore_mem>>)
      %dma_wait3A = arith.constant 0 : i32
      %dma_wait3A_13 = arith.constant 0 : i32
      %dma_wait3A_14 = tpu.memref_slice %arg3[%add3A, %dma_wait3A, %dma_wait3A_13] : memref<32x16x128xi32, #tpu.memory_space<hbm>> -> memref<1x16x128xi32, #tpu.memory_space<hbm>>
      %dma_wait3A_15 = tpu.memref_squeeze %dma_wait3A_14 : memref<1x16x128xi32, #tpu.memory_space<hbm>> -> memref<16x128xi32, #tpu.memory_space<hbm>>
      %dma_wait3A_16 = arith.constant 0 : i32
      %dma_wait3A_17 = arith.constant 0 : i32
      %dma_wait3A_18 = tpu.memref_slice %arg3[%add3A, %dma_wait3A_16, %dma_wait3A_17] : memref<32x16x128xi32, #tpu.memory_space<hbm>> -> memref<1x16x128xi32, #tpu.memory_space<hbm>>
      %dma_wait3A_19 = tpu.memref_squeeze %dma_wait3A_18 : memref<1x16x128xi32, #tpu.memory_space<hbm>> -> memref<16x128xi32, #tpu.memory_space<hbm>>
      tpu.wait_dma2 semaphore(%run_scoped3A : memref<!tpu.dma_semaphore, #tpu.memory_space<semaphore_mem>>) src(%dma_wait3A_19 : memref<16x128xi32, #tpu.memory_space<hbm>>) dst(%arg5 : memref<16x128xi32, #tpu.memory_space<vmem>>)
      tpu.yield
    }) : () -> ()
    %scan3A = arith.constant 0 : i32
    %scan3A_1 = arith.constant 0 : i32
    %scan3A_2 = arith.constant 4 : i32
    %scan3A_3 = arith.addi %scan3A_1, %scan3A_2 : i32
    %scan3A_4 = arith.constant 1 : i32
    scf.for %scan3A_6 = %scan3A_1 to %scan3A_3 step %scan3A_4  : i32 {
      %mul3A_7 = arith.constant 4 : i32
      %mul3A_8 = arith.muli %scan3A_6, %mul3A_7 : i32
      %add3A_9 = arith.constant 0 : i32
      %add3A_10 = arith.addi %mul3A_8, %add3A_9 : i32
      %dma_start3A = arith.constant 0 : i32
      %dma_start3A_11 = arith.constant 0 : i32
      %dma_start3A_12 = tpu.memref_slice %arg6[%dma_start3A, %dma_start3A_11] : memref<512x128xf32, #tpu.memory_space<vmem>> -> memref<128x128xf32, #tpu.memory_space<vmem>>
      %dma_start3A_13 = arith.constant 0 : i32
      %dma_start3A_14 = tpu.memref_slice %arg5[%add3A_10, %dma_start3A_13] : memref<16x128xi32, #tpu.memory_space<vmem>> -> memref<1x128xi32, #tpu.memory_space<vmem>>
      %dma_start3A_15 = tpu.memref_squeeze %dma_start3A_14 : memref<1x128xi32, #tpu.memory_space<vmem>> -> memref<128xi32, #tpu.memory_space<vmem>>
      %dma_start3A_16 = arith.constant 0 : i32
      %dma_start3A_17 = arith.constant 0 : i32
      %dma_start3A_18 = tpu.memref_slice %arg2[%dma_start3A_16, %dma_start3A_17] : memref<4096x128xf32, #tpu.memory_space<hbm>> -> memref<4096x128xf32, #tpu.memory_space<hbm>>
      tpu.enqueue_indirect_dma source(%dma_start3A_18 : memref<4096x128xf32, #tpu.memory_space<hbm>>) target(%dma_start3A_12 : memref<128x128xf32, #tpu.memory_space<vmem>>) offsets(%dma_start3A_15 : memref<128xi32, #tpu.memory_space<vmem>>) semaphore(%arg7 : memref<!tpu.dma_semaphore, #tpu.memory_space<semaphore_mem>>)
      %mul3A_19 = arith.constant 4 : i32
      %mul3A_20 = arith.muli %scan3A_6, %mul3A_19 : i32
      %add3A_21 = arith.constant 1 : i32
      %add3A_22 = arith.addi %mul3A_20, %add3A_21 : i32
      %dma_start3A_23 = arith.constant 128 : i32
      %dma_start3A_24 = arith.constant 0 : i32
      %dma_start3A_25 = tpu.memref_slice %arg6[%dma_start3A_23, %dma_start3A_24] : memref<512x128xf32, #tpu.memory_space<vmem>> -> memref<128x128xf32, #tpu.memory_space<vmem>>
      %dma_start3A_26 = arith.constant 0 : i32
      %dma_start3A_27 = tpu.memref_slice %arg5[%add3A_22, %dma_start3A_26] : memref<16x128xi32, #tpu.memory_space<vmem>> -> memref<1x128xi32, #tpu.memory_space<vmem>>
      %dma_start3A_28 = tpu.memref_squeeze %dma_start3A_27 : memref<1x128xi32, #tpu.memory_space<vmem>> -> memref<128xi32, #tpu.memory_space<vmem>>
      %dma_start3A_29 = arith.constant 0 : i32
      %dma_start3A_30 = arith.constant 0 : i32
      %dma_start3A_31 = tpu.memref_slice %arg2[%dma_start3A_29, %dma_start3A_30] : memref<4096x128xf32, #tpu.memory_space<hbm>> -> memref<4096x128xf32, #tpu.memory_space<hbm>>
      tpu.enqueue_indirect_dma source(%dma_start3A_31 : memref<4096x128xf32, #tpu.memory_space<hbm>>) target(%dma_start3A_25 : memref<128x128xf32, #tpu.memory_space<vmem>>) offsets(%dma_start3A_28 : memref<128xi32, #tpu.memory_space<vmem>>) semaphore(%arg7 : memref<!tpu.dma_semaphore, #tpu.memory_space<semaphore_mem>>)
      %mul3A_32 = arith.constant 4 : i32
      %mul3A_33 = arith.muli %scan3A_6, %mul3A_32 : i32
      %add3A_34 = arith.constant 2 : i32
      %add3A_35 = arith.addi %mul3A_33, %add3A_34 : i32
      %dma_start3A_36 = arith.constant 256 : i32
      %dma_start3A_37 = arith.constant 0 : i32
      %dma_start3A_38 = tpu.memref_slice %arg6[%dma_start3A_36, %dma_start3A_37] : memref<512x128xf32, #tpu.memory_space<vmem>> -> memref<128x128xf32, #tpu.memory_space<vmem>>
      %dma_start3A_39 = arith.constant 0 : i32
      %dma_start3A_40 = tpu.memref_slice %arg5[%add3A_35, %dma_start3A_39] : memref<16x128xi32, #tpu.memory_space<vmem>> -> memref<1x128xi32, #tpu.memory_space<vmem>>
      %dma_start3A_41 = tpu.memref_squeeze %dma_start3A_40 : memref<1x128xi32, #tpu.memory_space<vmem>> -> memref<128xi32, #tpu.memory_space<vmem>>
      %dma_start3A_42 = arith.constant 0 : i32
      %dma_start3A_43 = arith.constant 0 : i32
      %dma_start3A_44 = tpu.memref_slice %arg2[%dma_start3A_42, %dma_start3A_43] : memref<4096x128xf32, #tpu.memory_space<hbm>> -> memref<4096x128xf32, #tpu.memory_space<hbm>>
      tpu.enqueue_indirect_dma source(%dma_start3A_44 : memref<4096x128xf32, #tpu.memory_space<hbm>>) target(%dma_start3A_38 : memref<128x128xf32, #tpu.memory_space<vmem>>) offsets(%dma_start3A_41 : memref<128xi32, #tpu.memory_space<vmem>>) semaphore(%arg7 : memref<!tpu.dma_semaphore, #tpu.memory_space<semaphore_mem>>)
      %mul3A_45 = arith.constant 4 : i32
      %mul3A_46 = arith.muli %scan3A_6, %mul3A_45 : i32
      %add3A_47 = arith.constant 3 : i32
      %add3A_48 = arith.addi %mul3A_46, %add3A_47 : i32
      %dma_start3A_49 = arith.constant 384 : i32
      %dma_start3A_50 = arith.constant 0 : i32
      %dma_start3A_51 = tpu.memref_slice %arg6[%dma_start3A_49, %dma_start3A_50] : memref<512x128xf32, #tpu.memory_space<vmem>> -> memref<128x128xf32, #tpu.memory_space<vmem>>
      %dma_start3A_52 = arith.constant 0 : i32
      %dma_start3A_53 = tpu.memref_slice %arg5[%add3A_48, %dma_start3A_52] : memref<16x128xi32, #tpu.memory_space<vmem>> -> memref<1x128xi32, #tpu.memory_space<vmem>>
      %dma_start3A_54 = tpu.memref_squeeze %dma_start3A_53 : memref<1x128xi32, #tpu.memory_space<vmem>> -> memref<128xi32, #tpu.memory_space<vmem>>
      %dma_start3A_55 = arith.constant 0 : i32
      %dma_start3A_56 = arith.constant 0 : i32
      %dma_start3A_57 = tpu.memref_slice %arg2[%dma_start3A_55, %dma_start3A_56] : memref<4096x128xf32, #tpu.memory_space<hbm>> -> memref<4096x128xf32, #tpu.memory_space<hbm>>
      tpu.enqueue_indirect_dma source(%dma_start3A_57 : memref<4096x128xf32, #tpu.memory_space<hbm>>) target(%dma_start3A_51 : memref<128x128xf32, #tpu.memory_space<vmem>>) offsets(%dma_start3A_54 : memref<128xi32, #tpu.memory_space<vmem>>) semaphore(%arg7 : memref<!tpu.dma_semaphore, #tpu.memory_space<semaphore_mem>>)
      %dma_wait3A = arith.constant 0 : i32
      %dma_wait3A_58 = arith.constant 0 : i32
      %dma_wait3A_59 = tpu.memref_slice %arg6[%dma_wait3A, %dma_wait3A_58] : memref<512x128xf32, #tpu.memory_space<vmem>> -> memref<128x128xf32, #tpu.memory_space<vmem>>
      %dma_wait3A_60 = arith.constant 0 : i32
      %dma_wait3A_61 = tpu.memref_slice %arg5[%add3A_10, %dma_wait3A_60] : memref<16x128xi32, #tpu.memory_space<vmem>> -> memref<1x128xi32, #tpu.memory_space<vmem>>
      %dma_wait3A_62 = tpu.memref_squeeze %dma_wait3A_61 : memref<1x128xi32, #tpu.memory_space<vmem>> -> memref<128xi32, #tpu.memory_space<vmem>>
      %dma_wait3A_63 = arith.constant 0 : i32
      %dma_wait3A_64 = arith.constant 0 : i32
      %dma_wait3A_65 = tpu.memref_slice %arg2[%dma_wait3A_63, %dma_wait3A_64] : memref<4096x128xf32, #tpu.memory_space<hbm>> -> memref<4096x128xf32, #tpu.memory_space<hbm>>
      tpu.wait_indirect_dma semaphore(%arg7 : memref<!tpu.dma_semaphore, #tpu.memory_space<semaphore_mem>>) src(%dma_wait3A_65 : memref<4096x128xf32, #tpu.memory_space<hbm>>) dst(%dma_wait3A_59 : memref<128x128xf32, #tpu.memory_space<vmem>>)
      %dma_wait3A_66 = arith.constant 128 : i32
      %dma_wait3A_67 = arith.constant 0 : i32
      %dma_wait3A_68 = tpu.memref_slice %arg6[%dma_wait3A_66, %dma_wait3A_67] : memref<512x128xf32, #tpu.memory_space<vmem>> -> memref<128x128xf32, #tpu.memory_space<vmem>>
      %dma_wait3A_69 = arith.constant 0 : i32
      %dma_wait3A_70 = tpu.memref_slice %arg5[%add3A_22, %dma_wait3A_69] : memref<16x128xi32, #tpu.memory_space<vmem>> -> memref<1x128xi32, #tpu.memory_space<vmem>>
      %dma_wait3A_71 = tpu.memref_squeeze %dma_wait3A_70 : memref<1x128xi32, #tpu.memory_space<vmem>> -> memref<128xi32, #tpu.memory_space<vmem>>
      %dma_wait3A_72 = arith.constant 0 : i32
      %dma_wait3A_73 = arith.constant 0 : i32
      %dma_wait3A_74 = tpu.memref_slice %arg2[%dma_wait3A_72, %dma_wait3A_73] : memref<4096x128xf32, #tpu.memory_space<hbm>> -> memref<4096x128xf32, #tpu.memory_space<hbm>>
      tpu.wait_indirect_dma semaphore(%arg7 : memref<!tpu.dma_semaphore, #tpu.memory_space<semaphore_mem>>) src(%dma_wait3A_74 : memref<4096x128xf32, #tpu.memory_space<hbm>>) dst(%dma_wait3A_68 : memref<128x128xf32, #tpu.memory_space<vmem>>)
      %dma_wait3A_75 = arith.constant 256 : i32
      %dma_wait3A_76 = arith.constant 0 : i32
      %dma_wait3A_77 = tpu.memref_slice %arg6[%dma_wait3A_75, %dma_wait3A_76] : memref<512x128xf32, #tpu.memory_space<vmem>> -> memref<128x128xf32, #tpu.memory_space<vmem>>
      %dma_wait3A_78 = arith.constant 0 : i32
      %dma_wait3A_79 = tpu.memref_slice %arg5[%add3A_35, %dma_wait3A_78] : memref<16x128xi32, #tpu.memory_space<vmem>> -> memref<1x128xi32, #tpu.memory_space<vmem>>
      %dma_wait3A_80 = tpu.memref_squeeze %dma_wait3A_79 : memref<1x128xi32, #tpu.memory_space<vmem>> -> memref<128xi32, #tpu.memory_space<vmem>>
      %dma_wait3A_81 = arith.constant 0 : i32
      %dma_wait3A_82 = arith.constant 0 : i32
      %dma_wait3A_83 = tpu.memref_slice %arg2[%dma_wait3A_81, %dma_wait3A_82] : memref<4096x128xf32, #tpu.memory_space<hbm>> -> memref<4096x128xf32, #tpu.memory_space<hbm>>
      tpu.wait_indirect_dma semaphore(%arg7 : memref<!tpu.dma_semaphore, #tpu.memory_space<semaphore_mem>>) src(%dma_wait3A_83 : memref<4096x128xf32, #tpu.memory_space<hbm>>) dst(%dma_wait3A_77 : memref<128x128xf32, #tpu.memory_space<vmem>>)
      %dma_wait3A_84 = arith.constant 384 : i32
      %dma_wait3A_85 = arith.constant 0 : i32
      %dma_wait3A_86 = tpu.memref_slice %arg6[%dma_wait3A_84, %dma_wait3A_85] : memref<512x128xf32, #tpu.memory_space<vmem>> -> memref<128x128xf32, #tpu.memory_space<vmem>>
      %dma_wait3A_87 = arith.constant 0 : i32
      %dma_wait3A_88 = tpu.memref_slice %arg5[%add3A_48, %dma_wait3A_87] : memref<16x128xi32, #tpu.memory_space<vmem>> -> memref<1x128xi32, #tpu.memory_space<vmem>>
      %dma_wait3A_89 = tpu.memref_squeeze %dma_wait3A_88 : memref<1x128xi32, #tpu.memory_space<vmem>> -> memref<128xi32, #tpu.memory_space<vmem>>
      %dma_wait3A_90 = arith.constant 0 : i32
      %dma_wait3A_91 = arith.constant 0 : i32
      %dma_wait3A_92 = tpu.memref_slice %arg2[%dma_wait3A_90, %dma_wait3A_91] : memref<4096x128xf32, #tpu.memory_space<hbm>> -> memref<4096x128xf32, #tpu.memory_space<hbm>>
      tpu.wait_indirect_dma semaphore(%arg7 : memref<!tpu.dma_semaphore, #tpu.memory_space<semaphore_mem>>) src(%dma_wait3A_92 : memref<4096x128xf32, #tpu.memory_space<hbm>>) dst(%dma_wait3A_86 : memref<128x128xf32, #tpu.memory_space<vmem>>)
      %mul3A_93 = arith.constant 2048 : i32
      %mul3A_94 = arith.muli %add3A, %mul3A_93 : i32
      %mul3A_95 = arith.constant 512 : i32
      %mul3A_96 = arith.muli %scan3A_6, %mul3A_95 : i32
      %add3A_97 = arith.addi %mul3A_94, %mul3A_96 : i32
      "tpu.region"() ({
        %run_scoped3A = tpu.sem_alloc : memref<!tpu.dma_semaphore, #tpu.memory_space<semaphore_mem>>
        %dma_start3A_98 = arith.constant 0 : i32
        %dma_start3A_99 = tpu.memref_slice %arg4[%add3A_97, %dma_start3A_98] : memref<65536x128xf32, #tpu.memory_space<hbm>> -> memref<512x128xf32, #tpu.memory_space<hbm>>
        %dma_start3A_100 = arith.constant 0 : i32
        %dma_start3A_101 = tpu.memref_slice %arg4[%add3A_97, %dma_start3A_100] : memref<65536x128xf32, #tpu.memory_space<hbm>> -> memref<512x128xf32, #tpu.memory_space<hbm>>
        tpu.enqueue_dma source(%arg6 : memref<512x128xf32, #tpu.memory_space<vmem>>) target(%dma_start3A_101 : memref<512x128xf32, #tpu.memory_space<hbm>>) target_semaphore(%run_scoped3A : memref<!tpu.dma_semaphore, #tpu.memory_space<semaphore_mem>>)
        %dma_wait3A_102 = arith.constant 0 : i32
        %dma_wait3A_103 = tpu.memref_slice %arg4[%add3A_97, %dma_wait3A_102] : memref<65536x128xf32, #tpu.memory_space<hbm>> -> memref<512x128xf32, #tpu.memory_space<hbm>>
        %dma_wait3A_104 = arith.constant 0 : i32
        %dma_wait3A_105 = tpu.memref_slice %arg4[%add3A_97, %dma_wait3A_104] : memref<65536x128xf32, #tpu.memory_space<hbm>> -> memref<512x128xf32, #tpu.memory_space<hbm>>
        tpu.wait_dma2 semaphore(%run_scoped3A : memref<!tpu.dma_semaphore, #tpu.memory_space<semaphore_mem>>) src(%arg6 : memref<512x128xf32, #tpu.memory_space<vmem>>) dst(%dma_wait3A_105 : memref<512x128xf32, #tpu.memory_space<hbm>>)
        tpu.yield
      }) : () -> ()
    }
    %scan3A_5 = arith.constant 4 : i32
    return
  }
}

#map = affine_map<(d0, d1) -> (0, 0)>
#map1 = affine_map<(d0, d1) -> (0, 0, 0)>
module attributes {stable_mosaic.version = 14 : i64} {
  func.func @k(%arg0: i32, %arg1: i32, %arg2: memref<4096x128xf32, #tpu.memory_space<hbm>>, %arg3: memref<32x16x128xi32, #tpu.memory_space<hbm>>, %arg4: memref<65536x128xf32, #tpu.memory_space<hbm>>, %arg5: memref<16x128xi32, #tpu.memory_space<vmem>>, %arg6: memref<512x128xf32, #tpu.memory_space<vmem>>, %arg7: memref<!tpu.dma_semaphore, #tpu.memory_space<semaphore_mem>>) attributes {dimension_semantics = [#tpu.dimension_semantics<core_parallel>, #tpu.dimension_semantics<subcore_parallel>], iteration_bounds = array<i64: 2, 16>, scalar_prefetch = 0 : i64, scratch_operands = 3 : i64, tpu.core_type = #tpu.core_type<sc_vector_subcore>, window_params = [{transform_indices = #map}, {transform_indices = #map1}, {transform_indices = #map}]} {
    %mul3A = arith.constant 2 : i32
    %mul3A_0 = arith.muli %arg1, %mul3A : i32
    %add3A = arith.addi %mul3A_0, %arg0 : i32
    "tpu.region"() ({
      %run_scoped3A = tpu.sem_alloc : memref<!tpu.dma_semaphore, #tpu.memory_space<semaphore_mem>>
      %dma_start3A = arith.constant 0 : i32
      %dma_start3A_6 = arith.constant 0 : i32
      %dma_start3A_7 = tpu.memref_slice %arg3[%add3A, %dma_start3A, %dma_start3A_6] : memref<32x16x128xi32, #tpu.memory_space<hbm>> -> memref<1x16x128xi32, #tpu.memory_space<hbm>>
      %dma_start3A_8 = tpu.memref_squeeze %dma_start3A_7 : memref<1x16x128xi32, #tpu.memory_space<hbm>> -> memref<16x128xi32, #tpu.memory_space<hbm>>
      %dma_start3A_9 = arith.constant 0 : i32
      %dma_start3A_10 = arith.constant 0 : i32
      %dma_start3A_11 = tpu.memref_slice %arg3[%add3A, %dma_start3A_9, %dma_start3A_10] : memref<32x16x128xi32, #tpu.memory_space<hbm>> -> memref<1x16x128xi32, #tpu.memory_space<hbm>>
      %dma_start3A_12 = tpu.memref_squeeze %dma_start3A_11 : memref<1x16x128xi32, #tpu.memory_space<hbm>> -> memref<16x128xi32, #tpu.memory_space<hbm>>
      tpu.enqueue_dma source(%dma_start3A_12 : memref<16x128xi32, #tpu.memory_space<hbm>>) target(%arg5 : memref<16x128xi32, #tpu.memory_space<vmem>>) target_semaphore(%run_scoped3A : memref<!tpu.dma_semaphore, #tpu.memory_space<semaphore_mem>>)
      %dma_wait3A = arith.constant 0 : i32
      %dma_wait3A_13 = arith.constant 0 : i32
      %dma_wait3A_14 = tpu.memref_slice %arg3[%add3A, %dma_wait3A, %dma_wait3A_13] : memref<32x16x128xi32, #tpu.memory_space<hbm>> -> memref<1x16x128xi32, #tpu.memory_space<hbm>>
      %dma_wait3A_15 = tpu.memref_squeeze %dma_wait3A_14 : memref<1x16x128xi32, #tpu.memory_space<hbm>> -> memref<16x128xi32, #tpu.memory_space<hbm>>
      %dma_wait3A_16 = arith.constant 0 : i32
      %dma_wait3A_17 = arith.constant 0 : i32
      %dma_wait3A_18 = tpu.memref_slice %arg3[%add3A, %dma_wait3A_16, %dma_wait3A_17] : memref<32x16x128xi32, #tpu.memory_space<hbm>> -> memref<1x16x128xi32, #tpu.memory_space<hbm>>
      %dma_wait3A_19 = tpu.memref_squeeze %dma_wait3A_18 : memref<1x16x128xi32, #tpu.memory_space<hbm>> -> memref<16x128xi32, #tpu.memory_space<hbm>>
      tpu.wait_dma2 semaphore(%run_scoped3A : memref<!tpu.dma_semaphore, #tpu.memory_space<semaphore_mem>>) src(%dma_wait3A_19 : memref<16x128xi32, #tpu.memory_space<hbm>>) dst(%arg5 : memref<16x128xi32, #tpu.memory_space<vmem>>)
      tpu.yield
    }) : () -> ()
    %scan3A = arith.constant 0 : i32
    %scan3A_1 = arith.constant 0 : i32
    %scan3A_2 = arith.constant 4 : i32
    %scan3A_3 = arith.addi %scan3A_1, %scan3A_2 : i32
    %scan3A_4 = arith.constant 1 : i32
    scf.for %scan3A_6 = %scan3A_1 to %scan3A_3 step %scan3A_4  : i32 {
      %mul3A_7 = arith.constant 4 : i32
      %mul3A_8 = arith.muli %scan3A_6, %mul3A_7 : i32
      %add3A_9 = arith.constant 0 : i32
      %add3A_10 = arith.addi %mul3A_8, %add3A_9 : i32
      %dma_start3A = arith.constant 0 : i32
      %dma_start3A_11 = arith.constant 0 : i32
      %dma_start3A_12 = tpu.memref_slice %arg6[%dma_start3A, %dma_start3A_11] : memref<512x128xf32, #tpu.memory_space<vmem>> -> memref<128x128xf32, #tpu.memory_space<vmem>>
      %dma_start3A_13 = arith.constant 0 : i32
      %dma_start3A_14 = tpu.memref_slice %arg5[%add3A_10, %dma_start3A_13] : memref<16x128xi32, #tpu.memory_space<vmem>> -> memref<1x128xi32, #tpu.memory_space<vmem>>
      %dma_start3A_15 = tpu.memref_squeeze %dma_start3A_14 : memref<1x128xi32, #tpu.memory_space<vmem>> -> memref<128xi32, #tpu.memory_space<vmem>>
      %dma_start3A_16 = arith.constant 0 : i32
      %dma_start3A_17 = arith.constant 0 : i32
      %dma_start3A_18 = tpu.memref_slice %arg2[%dma_start3A_16, %dma_start3A_17] : memref<4096x128xf32, #tpu.memory_space<hbm>> -> memref<4096x128xf32, #tpu.memory_space<hbm>>
      tpu.enqueue_indirect_dma source(%dma_start3A_18 : memref<4096x128xf32, #tpu.memory_space<hbm>>) target(%dma_start3A_12 : memref<128x128xf32, #tpu.memory_space<vmem>>) offsets(%dma_start3A_15 : memref<128xi32, #tpu.memory_space<vmem>>) semaphore(%arg7 : memref<!tpu.dma_semaphore, #tpu.memory_space<semaphore_mem>>)
      %mul3A_19 = arith.constant 4 : i32
      %mul3A_20 = arith.muli %scan3A_6, %mul3A_19 : i32
      %add3A_21 = arith.constant 1 : i32
      %add3A_22 = arith.addi %mul3A_20, %add3A_21 : i32
      %dma_start3A_23 = arith.constant 128 : i32
      %dma_start3A_24 = arith.constant 0 : i32
      %dma_start3A_25 = tpu.memref_slice %arg6[%dma_start3A_23, %dma_start3A_24] : memref<512x128xf32, #tpu.memory_space<vmem>> -> memref<128x128xf32, #tpu.memory_space<vmem>>
      %dma_start3A_26 = arith.constant 0 : i32
      %dma_start3A_27 = tpu.memref_slice %arg5[%add3A_22, %dma_start3A_26] : memref<16x128xi32, #tpu.memory_space<vmem>> -> memref<1x128xi32, #tpu.memory_space<vmem>>
      %dma_start3A_28 = tpu.memref_squeeze %dma_start3A_27 : memref<1x128xi32, #tpu.memory_space<vmem>> -> memref<128xi32, #tpu.memory_space<vmem>>
      %dma_start3A_29 = arith.constant 0 : i32
      %dma_start3A_30 = arith.constant 0 : i32
      %dma_start3A_31 = tpu.memref_slice %arg2[%dma_start3A_29, %dma_start3A_30] : memref<4096x128xf32, #tpu.memory_space<hbm>> -> memref<4096x128xf32, #tpu.memory_space<hbm>>
      tpu.enqueue_indirect_dma source(%dma_start3A_31 : memref<4096x128xf32, #tpu.memory_space<hbm>>) target(%dma_start3A_25 : memref<128x128xf32, #tpu.memory_space<vmem>>) offsets(%dma_start3A_28 : memref<128xi32, #tpu.memory_space<vmem>>) semaphore(%arg7 : memref<!tpu.dma_semaphore, #tpu.memory_space<semaphore_mem>>)
      %mul3A_32 = arith.constant 4 : i32
      %mul3A_33 = arith.muli %scan3A_6, %mul3A_32 : i32
      %add3A_34 = arith.constant 2 : i32
      %add3A_35 = arith.addi %mul3A_33, %add3A_34 : i32
      %dma_start3A_36 = arith.constant 256 : i32
      %dma_start3A_37 = arith.constant 0 : i32
      %dma_start3A_38 = tpu.memref_slice %arg6[%dma_start3A_36, %dma_start3A_37] : memref<512x128xf32, #tpu.memory_space<vmem>> -> memref<128x128xf32, #tpu.memory_space<vmem>>
      %dma_start3A_39 = arith.constant 0 : i32
      %dma_start3A_40 = tpu.memref_slice %arg5[%add3A_35, %dma_start3A_39] : memref<16x128xi32, #tpu.memory_space<vmem>> -> memref<1x128xi32, #tpu.memory_space<vmem>>
      %dma_start3A_41 = tpu.memref_squeeze %dma_start3A_40 : memref<1x128xi32, #tpu.memory_space<vmem>> -> memref<128xi32, #tpu.memory_space<vmem>>
      %dma_start3A_42 = arith.constant 0 : i32
      %dma_start3A_43 = arith.constant 0 : i32
      %dma_start3A_44 = tpu.memref_slice %arg2[%dma_start3A_42, %dma_start3A_43] : memref<4096x128xf32, #tpu.memory_space<hbm>> -> memref<4096x128xf32, #tpu.memory_space<hbm>>
      tpu.enqueue_indirect_dma source(%dma_start3A_44 : memref<4096x128xf32, #tpu.memory_space<hbm>>) target(%dma_start3A_38 : memref<128x128xf32, #tpu.memory_space<vmem>>) offsets(%dma_start3A_41 : memref<128xi32, #tpu.memory_space<vmem>>) semaphore(%arg7 : memref<!tpu.dma_semaphore, #tpu.memory_space<semaphore_mem>>)
      %mul3A_45 = arith.constant 4 : i32
      %mul3A_46 = arith.muli %scan3A_6, %mul3A_45 : i32
      %add3A_47 = arith.constant 3 : i32
      %add3A_48 = arith.addi %mul3A_46, %add3A_47 : i32
      %dma_start3A_49 = arith.constant 384 : i32
      %dma_start3A_50 = arith.constant 0 : i32
      %dma_start3A_51 = tpu.memref_slice %arg6[%dma_start3A_49, %dma_start3A_50] : memref<512x128xf32, #tpu.memory_space<vmem>> -> memref<128x128xf32, #tpu.memory_space<vmem>>
      %dma_start3A_52 = arith.constant 0 : i32
      %dma_start3A_53 = tpu.memref_slice %arg5[%add3A_48, %dma_start3A_52] : memref<16x128xi32, #tpu.memory_space<vmem>> -> memref<1x128xi32, #tpu.memory_space<vmem>>
      %dma_start3A_54 = tpu.memref_squeeze %dma_start3A_53 : memref<1x128xi32, #tpu.memory_space<vmem>> -> memref<128xi32, #tpu.memory_space<vmem>>
      %dma_start3A_55 = arith.constant 0 : i32
      %dma_start3A_56 = arith.constant 0 : i32
      %dma_start3A_57 = tpu.memref_slice %arg2[%dma_start3A_55, %dma_start3A_56] : memref<4096x128xf32, #tpu.memory_space<hbm>> -> memref<4096x128xf32, #tpu.memory_space<hbm>>
      tpu.enqueue_indirect_dma source(%dma_start3A_57 : memref<4096x128xf32, #tpu.memory_space<hbm>>) target(%dma_start3A_51 : memref<128x128xf32, #tpu.memory_space<vmem>>) offsets(%dma_start3A_54 : memref<128xi32, #tpu.memory_space<vmem>>) semaphore(%arg7 : memref<!tpu.dma_semaphore, #tpu.memory_space<semaphore_mem>>)
      %dma_wait3A = arith.constant 0 : i32
      %dma_wait3A_58 = arith.constant 0 : i32
      %dma_wait3A_59 = tpu.memref_slice %arg6[%dma_wait3A, %dma_wait3A_58] : memref<512x128xf32, #tpu.memory_space<vmem>> -> memref<128x128xf32, #tpu.memory_space<vmem>>
      %dma_wait3A_60 = arith.constant 0 : i32
      %dma_wait3A_61 = tpu.memref_slice %arg5[%add3A_10, %dma_wait3A_60] : memref<16x128xi32, #tpu.memory_space<vmem>> -> memref<1x128xi32, #tpu.memory_space<vmem>>
      %dma_wait3A_62 = tpu.memref_squeeze %dma_wait3A_61 : memref<1x128xi32, #tpu.memory_space<vmem>> -> memref<128xi32, #tpu.memory_space<vmem>>
      %dma_wait3A_63 = arith.constant 0 : i32
      %dma_wait3A_64 = arith.constant 0 : i32
      %dma_wait3A_65 = tpu.memref_slice %arg2[%dma_wait3A_63, %dma_wait3A_64] : memref<4096x128xf32, #tpu.memory_space<hbm>> -> memref<4096x128xf32, #tpu.memory_space<hbm>>
      tpu.wait_indirect_dma semaphore(%arg7 : memref<!tpu.dma_semaphore, #tpu.memory_space<semaphore_mem>>) src(%dma_wait3A_65 : memref<4096x128xf32, #tpu.memory_space<hbm>>) dst(%dma_wait3A_59 : memref<128x128xf32, #tpu.memory_space<vmem>>)
      %dma_wait3A_66 = arith.constant 128 : i32
      %dma_wait3A_67 = arith.constant 0 : i32
      %dma_wait3A_68 = tpu.memref_slice %arg6[%dma_wait3A_66, %dma_wait3A_67] : memref<512x128xf32, #tpu.memory_space<vmem>> -> memref<128x128xf32, #tpu.memory_space<vmem>>
      %dma_wait3A_69 = arith.constant 0 : i32
      %dma_wait3A_70 = tpu.memref_slice %arg5[%add3A_22, %dma_wait3A_69] : memref<16x128xi32, #tpu.memory_space<vmem>> -> memref<1x128xi32, #tpu.memory_space<vmem>>
      %dma_wait3A_71 = tpu.memref_squeeze %dma_wait3A_70 : memref<1x128xi32, #tpu.memory_space<vmem>> -> memref<128xi32, #tpu.memory_space<vmem>>
      %dma_wait3A_72 = arith.constant 0 : i32
      %dma_wait3A_73 = arith.constant 0 : i32
      %dma_wait3A_74 = tpu.memref_slice %arg2[%dma_wait3A_72, %dma_wait3A_73] : memref<4096x128xf32, #tpu.memory_space<hbm>> -> memref<4096x128xf32, #tpu.memory_space<hbm>>
      tpu.wait_indirect_dma semaphore(%arg7 : memref<!tpu.dma_semaphore, #tpu.memory_space<semaphore_mem>>) src(%dma_wait3A_74 : memref<4096x128xf32, #tpu.memory_space<hbm>>) dst(%dma_wait3A_68 : memref<128x128xf32, #tpu.memory_space<vmem>>)
      %dma_wait3A_75 = arith.constant 256 : i32
      %dma_wait3A_76 = arith.constant 0 : i32
      %dma_wait3A_77 = tpu.memref_slice %arg6[%dma_wait3A_75, %dma_wait3A_76] : memref<512x128xf32, #tpu.memory_space<vmem>> -> memref<128x128xf32, #tpu.memory_space<vmem>>
      %dma_wait3A_78 = arith.constant 0 : i32
      %dma_wait3A_79 = tpu.memref_slice %arg5[%add3A_35, %dma_wait3A_78] : memref<16x128xi32, #tpu.memory_space<vmem>> -> memref<1x128xi32, #tpu.memory_space<vmem>>
      %dma_wait3A_80 = tpu.memref_squeeze %dma_wait3A_79 : memref<1x128xi32, #tpu.memory_space<vmem>> -> memref<128xi32, #tpu.memory_space<vmem>>
      %dma_wait3A_81 = arith.constant 0 : i32
      %dma_wait3A_82 = arith.constant 0 : i32
      %dma_wait3A_83 = tpu.memref_slice %arg2[%dma_wait3A_81, %dma_wait3A_82] : memref<4096x128xf32, #tpu.memory_space<hbm>> -> memref<4096x128xf32, #tpu.memory_space<hbm>>
      tpu.wait_indirect_dma semaphore(%arg7 : memref<!tpu.dma_semaphore, #tpu.memory_space<semaphore_mem>>) src(%dma_wait3A_83 : memref<4096x128xf32, #tpu.memory_space<hbm>>) dst(%dma_wait3A_77 : memref<128x128xf32, #tpu.memory_space<vmem>>)
      %dma_wait3A_84 = arith.constant 384 : i32
      %dma_wait3A_85 = arith.constant 0 : i32
      %dma_wait3A_86 = tpu.memref_slice %arg6[%dma_wait3A_84, %dma_wait3A_85] : memref<512x128xf32, #tpu.memory_space<vmem>> -> memref<128x128xf32, #tpu.memory_space<vmem>>
      %dma_wait3A_87 = arith.constant 0 : i32
      %dma_wait3A_88 = tpu.memref_slice %arg5[%add3A_48, %dma_wait3A_87] : memref<16x128xi32, #tpu.memory_space<vmem>> -> memref<1x128xi32, #tpu.memory_space<vmem>>
      %dma_wait3A_89 = tpu.memref_squeeze %dma_wait3A_88 : memref<1x128xi32, #tpu.memory_space<vmem>> -> memref<128xi32, #tpu.memory_space<vmem>>
      %dma_wait3A_90 = arith.constant 0 : i32
      %dma_wait3A_91 = arith.constant 0 : i32
      %dma_wait3A_92 = tpu.memref_slice %arg2[%dma_wait3A_90, %dma_wait3A_91] : memref<4096x128xf32, #tpu.memory_space<hbm>> -> memref<4096x128xf32, #tpu.memory_space<hbm>>
      tpu.wait_indirect_dma semaphore(%arg7 : memref<!tpu.dma_semaphore, #tpu.memory_space<semaphore_mem>>) src(%dma_wait3A_92 : memref<4096x128xf32, #tpu.memory_space<hbm>>) dst(%dma_wait3A_86 : memref<128x128xf32, #tpu.memory_space<vmem>>)
      %mul3A_93 = arith.constant 2048 : i32
      %mul3A_94 = arith.muli %add3A, %mul3A_93 : i32
      %mul3A_95 = arith.constant 512 : i32
      %mul3A_96 = arith.muli %scan3A_6, %mul3A_95 : i32
      %add3A_97 = arith.addi %mul3A_94, %mul3A_96 : i32
      "tpu.region"() ({
        %run_scoped3A = tpu.sem_alloc : memref<!tpu.dma_semaphore, #tpu.memory_space<semaphore_mem>>
        %dma_start3A_98 = arith.constant 0 : i32
        %dma_start3A_99 = tpu.memref_slice %arg4[%add3A_97, %dma_start3A_98] : memref<65536x128xf32, #tpu.memory_space<hbm>> -> memref<512x128xf32, #tpu.memory_space<hbm>>
        %dma_start3A_100 = arith.constant 0 : i32
        %dma_start3A_101 = tpu.memref_slice %arg4[%add3A_97, %dma_start3A_100] : memref<65536x128xf32, #tpu.memory_space<hbm>> -> memref<512x128xf32, #tpu.memory_space<hbm>>
        tpu.enqueue_dma source(%arg6 : memref<512x128xf32, #tpu.memory_space<vmem>>) target(%dma_start3A_101 : memref<512x128xf32, #tpu.memory_space<hbm>>) target_semaphore(%run_scoped3A : memref<!tpu.dma_semaphore, #tpu.memory_space<semaphore_mem>>)
        %dma_wait3A_102 = arith.constant 0 : i32
        %dma_wait3A_103 = tpu.memref_slice %arg4[%add3A_97, %dma_wait3A_102] : memref<65536x128xf32, #tpu.memory_space<hbm>> -> memref<512x128xf32, #tpu.memory_space<hbm>>
        %dma_wait3A_104 = arith.constant 0 : i32
        %dma_wait3A_105 = tpu.memref_slice %arg4[%add3A_97, %dma_wait3A_104] : memref<65536x128xf32, #tpu.memory_space<hbm>> -> memref<512x128xf32, #tpu.memory_space<hbm>>
        tpu.wait_dma2 semaphore(%run_scoped3A : memref<!tpu.dma_semaphore, #tpu.memory_space<semaphore_mem>>) src(%arg6 : memref<512x128xf32, #tpu.memory_space<vmem>>) dst(%dma_wait3A_105 : memref<512x128xf32, #tpu.memory_space<hbm>>)
        tpu.yield
      }) : () -> ()
    }
    %scan3A_5 = arith.constant 4 : i32
    return
  }
}

#map = affine_map<(d0, d1) -> (0, 0)>
#map1 = affine_map<(d0, d1) -> (0, 0, 0)>
module attributes {stable_mosaic.version = 14 : i64} {
  func.func @k(%arg0: i32, %arg1: i32, %arg2: memref<4096x128xf32, #tpu.memory_space<hbm>>, %arg3: memref<32x16x128xi32, #tpu.memory_space<hbm>>, %arg4: memref<65536x128xf32, #tpu.memory_space<hbm>>, %arg5: memref<16x128xi32, #tpu.memory_space<vmem>>, %arg6: memref<512x128xf32, #tpu.memory_space<vmem>>, %arg7: memref<!tpu.dma_semaphore, #tpu.memory_space<semaphore_mem>>) attributes {dimension_semantics = [#tpu.dimension_semantics<core_parallel>, #tpu.dimension_semantics<subcore_parallel>], iteration_bounds = array<i64: 2, 16>, scalar_prefetch = 0 : i64, scratch_operands = 3 : i64, tpu.core_type = #tpu.core_type<sc_vector_subcore>, window_params = [{transform_indices = #map}, {transform_indices = #map1}, {transform_indices = #map}]} {
    %mul3A = arith.constant 2 : i32
    %mul3A_0 = arith.muli %arg1, %mul3A : i32
    %add3A = arith.addi %mul3A_0, %arg0 : i32
    "tpu.region"() ({
      %run_scoped3A = tpu.sem_alloc : memref<!tpu.dma_semaphore, #tpu.memory_space<semaphore_mem>>
      %dma_start3A = arith.constant 0 : i32
      %dma_start3A_6 = arith.constant 0 : i32
      %dma_start3A_7 = tpu.memref_slice %arg3[%add3A, %dma_start3A, %dma_start3A_6] : memref<32x16x128xi32, #tpu.memory_space<hbm>> -> memref<1x16x128xi32, #tpu.memory_space<hbm>>
      %dma_start3A_8 = tpu.memref_squeeze %dma_start3A_7 : memref<1x16x128xi32, #tpu.memory_space<hbm>> -> memref<16x128xi32, #tpu.memory_space<hbm>>
      %dma_start3A_9 = arith.constant 0 : i32
      %dma_start3A_10 = arith.constant 0 : i32
      %dma_start3A_11 = tpu.memref_slice %arg3[%add3A, %dma_start3A_9, %dma_start3A_10] : memref<32x16x128xi32, #tpu.memory_space<hbm>> -> memref<1x16x128xi32, #tpu.memory_space<hbm>>
      %dma_start3A_12 = tpu.memref_squeeze %dma_start3A_11 : memref<1x16x128xi32, #tpu.memory_space<hbm>> -> memref<16x128xi32, #tpu.memory_space<hbm>>
      tpu.enqueue_dma source(%dma_start3A_12 : memref<16x128xi32, #tpu.memory_space<hbm>>) target(%arg5 : memref<16x128xi32, #tpu.memory_space<vmem>>) target_semaphore(%run_scoped3A : memref<!tpu.dma_semaphore, #tpu.memory_space<semaphore_mem>>)
      %dma_wait3A = arith.constant 0 : i32
      %dma_wait3A_13 = arith.constant 0 : i32
      %dma_wait3A_14 = tpu.memref_slice %arg3[%add3A, %dma_wait3A, %dma_wait3A_13] : memref<32x16x128xi32, #tpu.memory_space<hbm>> -> memref<1x16x128xi32, #tpu.memory_space<hbm>>
      %dma_wait3A_15 = tpu.memref_squeeze %dma_wait3A_14 : memref<1x16x128xi32, #tpu.memory_space<hbm>> -> memref<16x128xi32, #tpu.memory_space<hbm>>
      %dma_wait3A_16 = arith.constant 0 : i32
      %dma_wait3A_17 = arith.constant 0 : i32
      %dma_wait3A_18 = tpu.memref_slice %arg3[%add3A, %dma_wait3A_16, %dma_wait3A_17] : memref<32x16x128xi32, #tpu.memory_space<hbm>> -> memref<1x16x128xi32, #tpu.memory_space<hbm>>
      %dma_wait3A_19 = tpu.memref_squeeze %dma_wait3A_18 : memref<1x16x128xi32, #tpu.memory_space<hbm>> -> memref<16x128xi32, #tpu.memory_space<hbm>>
      tpu.wait_dma2 semaphore(%run_scoped3A : memref<!tpu.dma_semaphore, #tpu.memory_space<semaphore_mem>>) src(%dma_wait3A_19 : memref<16x128xi32, #tpu.memory_space<hbm>>) dst(%arg5 : memref<16x128xi32, #tpu.memory_space<vmem>>)
      tpu.yield
    }) : () -> ()
    %scan3A = arith.constant 0 : i32
    %scan3A_1 = arith.constant 0 : i32
    %scan3A_2 = arith.constant 4 : i32
    %scan3A_3 = arith.addi %scan3A_1, %scan3A_2 : i32
    %scan3A_4 = arith.constant 1 : i32
    scf.for %scan3A_6 = %scan3A_1 to %scan3A_3 step %scan3A_4  : i32 {
      %mul3A_7 = arith.constant 4 : i32
      %mul3A_8 = arith.muli %scan3A_6, %mul3A_7 : i32
      %add3A_9 = arith.constant 0 : i32
      %add3A_10 = arith.addi %mul3A_8, %add3A_9 : i32
      %dma_start3A = arith.constant 0 : i32
      %dma_start3A_11 = arith.constant 0 : i32
      %dma_start3A_12 = tpu.memref_slice %arg6[%dma_start3A, %dma_start3A_11] : memref<512x128xf32, #tpu.memory_space<vmem>> -> memref<128x128xf32, #tpu.memory_space<vmem>>
      %dma_start3A_13 = arith.constant 0 : i32
      %dma_start3A_14 = tpu.memref_slice %arg5[%add3A_10, %dma_start3A_13] : memref<16x128xi32, #tpu.memory_space<vmem>> -> memref<1x128xi32, #tpu.memory_space<vmem>>
      %dma_start3A_15 = tpu.memref_squeeze %dma_start3A_14 : memref<1x128xi32, #tpu.memory_space<vmem>> -> memref<128xi32, #tpu.memory_space<vmem>>
      %dma_start3A_16 = arith.constant 0 : i32
      %dma_start3A_17 = arith.constant 0 : i32
      %dma_start3A_18 = tpu.memref_slice %arg2[%dma_start3A_16, %dma_start3A_17] : memref<4096x128xf32, #tpu.memory_space<hbm>> -> memref<4096x128xf32, #tpu.memory_space<hbm>>
      tpu.enqueue_indirect_dma source(%dma_start3A_18 : memref<4096x128xf32, #tpu.memory_space<hbm>>) target(%dma_start3A_12 : memref<128x128xf32, #tpu.memory_space<vmem>>) offsets(%dma_start3A_15 : memref<128xi32, #tpu.memory_space<vmem>>) semaphore(%arg7 : memref<!tpu.dma_semaphore, #tpu.memory_space<semaphore_mem>>)
      %mul3A_19 = arith.constant 4 : i32
      %mul3A_20 = arith.muli %scan3A_6, %mul3A_19 : i32
      %add3A_21 = arith.constant 1 : i32
      %add3A_22 = arith.addi %mul3A_20, %add3A_21 : i32
      %dma_start3A_23 = arith.constant 128 : i32
      %dma_start3A_24 = arith.constant 0 : i32
      %dma_start3A_25 = tpu.memref_slice %arg6[%dma_start3A_23, %dma_start3A_24] : memref<512x128xf32, #tpu.memory_space<vmem>> -> memref<128x128xf32, #tpu.memory_space<vmem>>
      %dma_start3A_26 = arith.constant 0 : i32
      %dma_start3A_27 = tpu.memref_slice %arg5[%add3A_22, %dma_start3A_26] : memref<16x128xi32, #tpu.memory_space<vmem>> -> memref<1x128xi32, #tpu.memory_space<vmem>>
      %dma_start3A_28 = tpu.memref_squeeze %dma_start3A_27 : memref<1x128xi32, #tpu.memory_space<vmem>> -> memref<128xi32, #tpu.memory_space<vmem>>
      %dma_start3A_29 = arith.constant 0 : i32
      %dma_start3A_30 = arith.constant 0 : i32
      %dma_start3A_31 = tpu.memref_slice %arg2[%dma_start3A_29, %dma_start3A_30] : memref<4096x128xf32, #tpu.memory_space<hbm>> -> memref<4096x128xf32, #tpu.memory_space<hbm>>
      tpu.enqueue_indirect_dma source(%dma_start3A_31 : memref<4096x128xf32, #tpu.memory_space<hbm>>) target(%dma_start3A_25 : memref<128x128xf32, #tpu.memory_space<vmem>>) offsets(%dma_start3A_28 : memref<128xi32, #tpu.memory_space<vmem>>) semaphore(%arg7 : memref<!tpu.dma_semaphore, #tpu.memory_space<semaphore_mem>>)
      %mul3A_32 = arith.constant 4 : i32
      %mul3A_33 = arith.muli %scan3A_6, %mul3A_32 : i32
      %add3A_34 = arith.constant 2 : i32
      %add3A_35 = arith.addi %mul3A_33, %add3A_34 : i32
      %dma_start3A_36 = arith.constant 256 : i32
      %dma_start3A_37 = arith.constant 0 : i32
      %dma_start3A_38 = tpu.memref_slice %arg6[%dma_start3A_36, %dma_start3A_37] : memref<512x128xf32, #tpu.memory_space<vmem>> -> memref<128x128xf32, #tpu.memory_space<vmem>>
      %dma_start3A_39 = arith.constant 0 : i32
      %dma_start3A_40 = tpu.memref_slice %arg5[%add3A_35, %dma_start3A_39] : memref<16x128xi32, #tpu.memory_space<vmem>> -> memref<1x128xi32, #tpu.memory_space<vmem>>
      %dma_start3A_41 = tpu.memref_squeeze %dma_start3A_40 : memref<1x128xi32, #tpu.memory_space<vmem>> -> memref<128xi32, #tpu.memory_space<vmem>>
      %dma_start3A_42 = arith.constant 0 : i32
      %dma_start3A_43 = arith.constant 0 : i32
      %dma_start3A_44 = tpu.memref_slice %arg2[%dma_start3A_42, %dma_start3A_43] : memref<4096x128xf32, #tpu.memory_space<hbm>> -> memref<4096x128xf32, #tpu.memory_space<hbm>>
      tpu.enqueue_indirect_dma source(%dma_start3A_44 : memref<4096x128xf32, #tpu.memory_space<hbm>>) target(%dma_start3A_38 : memref<128x128xf32, #tpu.memory_space<vmem>>) offsets(%dma_start3A_41 : memref<128xi32, #tpu.memory_space<vmem>>) semaphore(%arg7 : memref<!tpu.dma_semaphore, #tpu.memory_space<semaphore_mem>>)
      %mul3A_45 = arith.constant 4 : i32
      %mul3A_46 = arith.muli %scan3A_6, %mul3A_45 : i32
      %add3A_47 = arith.constant 3 : i32
      %add3A_48 = arith.addi %mul3A_46, %add3A_47 : i32
      %dma_start3A_49 = arith.constant 384 : i32
      %dma_start3A_50 = arith.constant 0 : i32
      %dma_start3A_51 = tpu.memref_slice %arg6[%dma_start3A_49, %dma_start3A_50] : memref<512x128xf32, #tpu.memory_space<vmem>> -> memref<128x128xf32, #tpu.memory_space<vmem>>
      %dma_start3A_52 = arith.constant 0 : i32
      %dma_start3A_53 = tpu.memref_slice %arg5[%add3A_48, %dma_start3A_52] : memref<16x128xi32, #tpu.memory_space<vmem>> -> memref<1x128xi32, #tpu.memory_space<vmem>>
      %dma_start3A_54 = tpu.memref_squeeze %dma_start3A_53 : memref<1x128xi32, #tpu.memory_space<vmem>> -> memref<128xi32, #tpu.memory_space<vmem>>
      %dma_start3A_55 = arith.constant 0 : i32
      %dma_start3A_56 = arith.constant 0 : i32
      %dma_start3A_57 = tpu.memref_slice %arg2[%dma_start3A_55, %dma_start3A_56] : memref<4096x128xf32, #tpu.memory_space<hbm>> -> memref<4096x128xf32, #tpu.memory_space<hbm>>
      tpu.enqueue_indirect_dma source(%dma_start3A_57 : memref<4096x128xf32, #tpu.memory_space<hbm>>) target(%dma_start3A_51 : memref<128x128xf32, #tpu.memory_space<vmem>>) offsets(%dma_start3A_54 : memref<128xi32, #tpu.memory_space<vmem>>) semaphore(%arg7 : memref<!tpu.dma_semaphore, #tpu.memory_space<semaphore_mem>>)
      %dma_wait3A = arith.constant 0 : i32
      %dma_wait3A_58 = arith.constant 0 : i32
      %dma_wait3A_59 = tpu.memref_slice %arg6[%dma_wait3A, %dma_wait3A_58] : memref<512x128xf32, #tpu.memory_space<vmem>> -> memref<128x128xf32, #tpu.memory_space<vmem>>
      %dma_wait3A_60 = arith.constant 0 : i32
      %dma_wait3A_61 = tpu.memref_slice %arg5[%add3A_10, %dma_wait3A_60] : memref<16x128xi32, #tpu.memory_space<vmem>> -> memref<1x128xi32, #tpu.memory_space<vmem>>
      %dma_wait3A_62 = tpu.memref_squeeze %dma_wait3A_61 : memref<1x128xi32, #tpu.memory_space<vmem>> -> memref<128xi32, #tpu.memory_space<vmem>>
      %dma_wait3A_63 = arith.constant 0 : i32
      %dma_wait3A_64 = arith.constant 0 : i32
      %dma_wait3A_65 = tpu.memref_slice %arg2[%dma_wait3A_63, %dma_wait3A_64] : memref<4096x128xf32, #tpu.memory_space<hbm>> -> memref<4096x128xf32, #tpu.memory_space<hbm>>
      tpu.wait_indirect_dma semaphore(%arg7 : memref<!tpu.dma_semaphore, #tpu.memory_space<semaphore_mem>>) src(%dma_wait3A_65 : memref<4096x128xf32, #tpu.memory_space<hbm>>) dst(%dma_wait3A_59 : memref<128x128xf32, #tpu.memory_space<vmem>>)
      %dma_wait3A_66 = arith.constant 128 : i32
      %dma_wait3A_67 = arith.constant 0 : i32
      %dma_wait3A_68 = tpu.memref_slice %arg6[%dma_wait3A_66, %dma_wait3A_67] : memref<512x128xf32, #tpu.memory_space<vmem>> -> memref<128x128xf32, #tpu.memory_space<vmem>>
      %dma_wait3A_69 = arith.constant 0 : i32
      %dma_wait3A_70 = tpu.memref_slice %arg5[%add3A_22, %dma_wait3A_69] : memref<16x128xi32, #tpu.memory_space<vmem>> -> memref<1x128xi32, #tpu.memory_space<vmem>>
      %dma_wait3A_71 = tpu.memref_squeeze %dma_wait3A_70 : memref<1x128xi32, #tpu.memory_space<vmem>> -> memref<128xi32, #tpu.memory_space<vmem>>
      %dma_wait3A_72 = arith.constant 0 : i32
      %dma_wait3A_73 = arith.constant 0 : i32
      %dma_wait3A_74 = tpu.memref_slice %arg2[%dma_wait3A_72, %dma_wait3A_73] : memref<4096x128xf32, #tpu.memory_space<hbm>> -> memref<4096x128xf32, #tpu.memory_space<hbm>>
      tpu.wait_indirect_dma semaphore(%arg7 : memref<!tpu.dma_semaphore, #tpu.memory_space<semaphore_mem>>) src(%dma_wait3A_74 : memref<4096x128xf32, #tpu.memory_space<hbm>>) dst(%dma_wait3A_68 : memref<128x128xf32, #tpu.memory_space<vmem>>)
      %dma_wait3A_75 = arith.constant 256 : i32
      %dma_wait3A_76 = arith.constant 0 : i32
      %dma_wait3A_77 = tpu.memref_slice %arg6[%dma_wait3A_75, %dma_wait3A_76] : memref<512x128xf32, #tpu.memory_space<vmem>> -> memref<128x128xf32, #tpu.memory_space<vmem>>
      %dma_wait3A_78 = arith.constant 0 : i32
      %dma_wait3A_79 = tpu.memref_slice %arg5[%add3A_35, %dma_wait3A_78] : memref<16x128xi32, #tpu.memory_space<vmem>> -> memref<1x128xi32, #tpu.memory_space<vmem>>
      %dma_wait3A_80 = tpu.memref_squeeze %dma_wait3A_79 : memref<1x128xi32, #tpu.memory_space<vmem>> -> memref<128xi32, #tpu.memory_space<vmem>>
      %dma_wait3A_81 = arith.constant 0 : i32
      %dma_wait3A_82 = arith.constant 0 : i32
      %dma_wait3A_83 = tpu.memref_slice %arg2[%dma_wait3A_81, %dma_wait3A_82] : memref<4096x128xf32, #tpu.memory_space<hbm>> -> memref<4096x128xf32, #tpu.memory_space<hbm>>
      tpu.wait_indirect_dma semaphore(%arg7 : memref<!tpu.dma_semaphore, #tpu.memory_space<semaphore_mem>>) src(%dma_wait3A_83 : memref<4096x128xf32, #tpu.memory_space<hbm>>) dst(%dma_wait3A_77 : memref<128x128xf32, #tpu.memory_space<vmem>>)
      %dma_wait3A_84 = arith.constant 384 : i32
      %dma_wait3A_85 = arith.constant 0 : i32
      %dma_wait3A_86 = tpu.memref_slice %arg6[%dma_wait3A_84, %dma_wait3A_85] : memref<512x128xf32, #tpu.memory_space<vmem>> -> memref<128x128xf32, #tpu.memory_space<vmem>>
      %dma_wait3A_87 = arith.constant 0 : i32
      %dma_wait3A_88 = tpu.memref_slice %arg5[%add3A_48, %dma_wait3A_87] : memref<16x128xi32, #tpu.memory_space<vmem>> -> memref<1x128xi32, #tpu.memory_space<vmem>>
      %dma_wait3A_89 = tpu.memref_squeeze %dma_wait3A_88 : memref<1x128xi32, #tpu.memory_space<vmem>> -> memref<128xi32, #tpu.memory_space<vmem>>
      %dma_wait3A_90 = arith.constant 0 : i32
      %dma_wait3A_91 = arith.constant 0 : i32
      %dma_wait3A_92 = tpu.memref_slice %arg2[%dma_wait3A_90, %dma_wait3A_91] : memref<4096x128xf32, #tpu.memory_space<hbm>> -> memref<4096x128xf32, #tpu.memory_space<hbm>>
      tpu.wait_indirect_dma semaphore(%arg7 : memref<!tpu.dma_semaphore, #tpu.memory_space<semaphore_mem>>) src(%dma_wait3A_92 : memref<4096x128xf32, #tpu.memory_space<hbm>>) dst(%dma_wait3A_86 : memref<128x128xf32, #tpu.memory_space<vmem>>)
      %mul3A_93 = arith.constant 2048 : i32
      %mul3A_94 = arith.muli %add3A, %mul3A_93 : i32
      %mul3A_95 = arith.constant 512 : i32
      %mul3A_96 = arith.muli %scan3A_6, %mul3A_95 : i32
      %add3A_97 = arith.addi %mul3A_94, %mul3A_96 : i32
      "tpu.region"() ({
        %run_scoped3A = tpu.sem_alloc : memref<!tpu.dma_semaphore, #tpu.memory_space<semaphore_mem>>
        %dma_start3A_98 = arith.constant 0 : i32
        %dma_start3A_99 = tpu.memref_slice %arg4[%add3A_97, %dma_start3A_98] : memref<65536x128xf32, #tpu.memory_space<hbm>> -> memref<512x128xf32, #tpu.memory_space<hbm>>
        %dma_start3A_100 = arith.constant 0 : i32
        %dma_start3A_101 = tpu.memref_slice %arg4[%add3A_97, %dma_start3A_100] : memref<65536x128xf32, #tpu.memory_space<hbm>> -> memref<512x128xf32, #tpu.memory_space<hbm>>
        tpu.enqueue_dma source(%arg6 : memref<512x128xf32, #tpu.memory_space<vmem>>) target(%dma_start3A_101 : memref<512x128xf32, #tpu.memory_space<hbm>>) target_semaphore(%run_scoped3A : memref<!tpu.dma_semaphore, #tpu.memory_space<semaphore_mem>>)
        %dma_wait3A_102 = arith.constant 0 : i32
        %dma_wait3A_103 = tpu.memref_slice %arg4[%add3A_97, %dma_wait3A_102] : memref<65536x128xf32, #tpu.memory_space<hbm>> -> memref<512x128xf32, #tpu.memory_space<hbm>>
        %dma_wait3A_104 = arith.constant 0 : i32
        %dma_wait3A_105 = tpu.memref_slice %arg4[%add3A_97, %dma_wait3A_104] : memref<65536x128xf32, #tpu.memory_space<hbm>> -> memref<512x128xf32, #tpu.memory_space<hbm>>
        tpu.wait_dma2 semaphore(%run_scoped3A : memref<!tpu.dma_semaphore, #tpu.memory_space<semaphore_mem>>) src(%arg6 : memref<512x128xf32, #tpu.memory_space<vmem>>) dst(%dma_wait3A_105 : memref<512x128xf32, #tpu.memory_space<hbm>>)
        tpu.yield
      }) : () -> ()
    }
    %scan3A_5 = arith.constant 4 : i32
    return
  }
}

#map = affine_map<(d0, d1) -> (0, 0)>
#map1 = affine_map<(d0, d1) -> (0, 0, 0)>
module attributes {stable_mosaic.version = 14 : i64} {
  func.func @k(%arg0: i32, %arg1: i32, %arg2: memref<4096x128xf32, #tpu.memory_space<hbm>>, %arg3: memref<32x16x128xi32, #tpu.memory_space<hbm>>, %arg4: memref<65536x128xf32, #tpu.memory_space<hbm>>, %arg5: memref<16x128xi32, #tpu.memory_space<vmem>>, %arg6: memref<512x128xf32, #tpu.memory_space<vmem>>, %arg7: memref<!tpu.dma_semaphore, #tpu.memory_space<semaphore_mem>>) attributes {dimension_semantics = [#tpu.dimension_semantics<core_parallel>, #tpu.dimension_semantics<subcore_parallel>], iteration_bounds = array<i64: 2, 16>, scalar_prefetch = 0 : i64, scratch_operands = 3 : i64, tpu.core_type = #tpu.core_type<sc_vector_subcore>, window_params = [{transform_indices = #map}, {transform_indices = #map1}, {transform_indices = #map}]} {
    %mul3A = arith.constant 2 : i32
    %mul3A_0 = arith.muli %arg1, %mul3A : i32
    %add3A = arith.addi %mul3A_0, %arg0 : i32
    "tpu.region"() ({
      %run_scoped3A = tpu.sem_alloc : memref<!tpu.dma_semaphore, #tpu.memory_space<semaphore_mem>>
      %dma_start3A = arith.constant 0 : i32
      %dma_start3A_6 = arith.constant 0 : i32
      %dma_start3A_7 = tpu.memref_slice %arg3[%add3A, %dma_start3A, %dma_start3A_6] : memref<32x16x128xi32, #tpu.memory_space<hbm>> -> memref<1x16x128xi32, #tpu.memory_space<hbm>>
      %dma_start3A_8 = tpu.memref_squeeze %dma_start3A_7 : memref<1x16x128xi32, #tpu.memory_space<hbm>> -> memref<16x128xi32, #tpu.memory_space<hbm>>
      %dma_start3A_9 = arith.constant 0 : i32
      %dma_start3A_10 = arith.constant 0 : i32
      %dma_start3A_11 = tpu.memref_slice %arg3[%add3A, %dma_start3A_9, %dma_start3A_10] : memref<32x16x128xi32, #tpu.memory_space<hbm>> -> memref<1x16x128xi32, #tpu.memory_space<hbm>>
      %dma_start3A_12 = tpu.memref_squeeze %dma_start3A_11 : memref<1x16x128xi32, #tpu.memory_space<hbm>> -> memref<16x128xi32, #tpu.memory_space<hbm>>
      tpu.enqueue_dma source(%dma_start3A_12 : memref<16x128xi32, #tpu.memory_space<hbm>>) target(%arg5 : memref<16x128xi32, #tpu.memory_space<vmem>>) target_semaphore(%run_scoped3A : memref<!tpu.dma_semaphore, #tpu.memory_space<semaphore_mem>>)
      %dma_wait3A = arith.constant 0 : i32
      %dma_wait3A_13 = arith.constant 0 : i32
      %dma_wait3A_14 = tpu.memref_slice %arg3[%add3A, %dma_wait3A, %dma_wait3A_13] : memref<32x16x128xi32, #tpu.memory_space<hbm>> -> memref<1x16x128xi32, #tpu.memory_space<hbm>>
      %dma_wait3A_15 = tpu.memref_squeeze %dma_wait3A_14 : memref<1x16x128xi32, #tpu.memory_space<hbm>> -> memref<16x128xi32, #tpu.memory_space<hbm>>
      %dma_wait3A_16 = arith.constant 0 : i32
      %dma_wait3A_17 = arith.constant 0 : i32
      %dma_wait3A_18 = tpu.memref_slice %arg3[%add3A, %dma_wait3A_16, %dma_wait3A_17] : memref<32x16x128xi32, #tpu.memory_space<hbm>> -> memref<1x16x128xi32, #tpu.memory_space<hbm>>
      %dma_wait3A_19 = tpu.memref_squeeze %dma_wait3A_18 : memref<1x16x128xi32, #tpu.memory_space<hbm>> -> memref<16x128xi32, #tpu.memory_space<hbm>>
      tpu.wait_dma2 semaphore(%run_scoped3A : memref<!tpu.dma_semaphore, #tpu.memory_space<semaphore_mem>>) src(%dma_wait3A_19 : memref<16x128xi32, #tpu.memory_space<hbm>>) dst(%arg5 : memref<16x128xi32, #tpu.memory_space<vmem>>)
      tpu.yield
    }) : () -> ()
    %scan3A = arith.constant 0 : i32
    %scan3A_1 = arith.constant 0 : i32
    %scan3A_2 = arith.constant 4 : i32
    %scan3A_3 = arith.addi %scan3A_1, %scan3A_2 : i32
    %scan3A_4 = arith.constant 1 : i32
    scf.for %scan3A_6 = %scan3A_1 to %scan3A_3 step %scan3A_4  : i32 {
      %mul3A_7 = arith.constant 4 : i32
      %mul3A_8 = arith.muli %scan3A_6, %mul3A_7 : i32
      %add3A_9 = arith.constant 0 : i32
      %add3A_10 = arith.addi %mul3A_8, %add3A_9 : i32
      %dma_start3A = arith.constant 0 : i32
      %dma_start3A_11 = arith.constant 0 : i32
      %dma_start3A_12 = tpu.memref_slice %arg6[%dma_start3A, %dma_start3A_11] : memref<512x128xf32, #tpu.memory_space<vmem>> -> memref<128x128xf32, #tpu.memory_space<vmem>>
      %dma_start3A_13 = arith.constant 0 : i32
      %dma_start3A_14 = tpu.memref_slice %arg5[%add3A_10, %dma_start3A_13] : memref<16x128xi32, #tpu.memory_space<vmem>> -> memref<1x128xi32, #tpu.memory_space<vmem>>
      %dma_start3A_15 = tpu.memref_squeeze %dma_start3A_14 : memref<1x128xi32, #tpu.memory_space<vmem>> -> memref<128xi32, #tpu.memory_space<vmem>>
      %dma_start3A_16 = arith.constant 0 : i32
      %dma_start3A_17 = arith.constant 0 : i32
      %dma_start3A_18 = tpu.memref_slice %arg2[%dma_start3A_16, %dma_start3A_17] : memref<4096x128xf32, #tpu.memory_space<hbm>> -> memref<4096x128xf32, #tpu.memory_space<hbm>>
      tpu.enqueue_indirect_dma source(%dma_start3A_18 : memref<4096x128xf32, #tpu.memory_space<hbm>>) target(%dma_start3A_12 : memref<128x128xf32, #tpu.memory_space<vmem>>) offsets(%dma_start3A_15 : memref<128xi32, #tpu.memory_space<vmem>>) semaphore(%arg7 : memref<!tpu.dma_semaphore, #tpu.memory_space<semaphore_mem>>)
      %mul3A_19 = arith.constant 4 : i32
      %mul3A_20 = arith.muli %scan3A_6, %mul3A_19 : i32
      %add3A_21 = arith.constant 1 : i32
      %add3A_22 = arith.addi %mul3A_20, %add3A_21 : i32
      %dma_start3A_23 = arith.constant 128 : i32
      %dma_start3A_24 = arith.constant 0 : i32
      %dma_start3A_25 = tpu.memref_slice %arg6[%dma_start3A_23, %dma_start3A_24] : memref<512x128xf32, #tpu.memory_space<vmem>> -> memref<128x128xf32, #tpu.memory_space<vmem>>
      %dma_start3A_26 = arith.constant 0 : i32
      %dma_start3A_27 = tpu.memref_slice %arg5[%add3A_22, %dma_start3A_26] : memref<16x128xi32, #tpu.memory_space<vmem>> -> memref<1x128xi32, #tpu.memory_space<vmem>>
      %dma_start3A_28 = tpu.memref_squeeze %dma_start3A_27 : memref<1x128xi32, #tpu.memory_space<vmem>> -> memref<128xi32, #tpu.memory_space<vmem>>
      %dma_start3A_29 = arith.constant 0 : i32
      %dma_start3A_30 = arith.constant 0 : i32
      %dma_start3A_31 = tpu.memref_slice %arg2[%dma_start3A_29, %dma_start3A_30] : memref<4096x128xf32, #tpu.memory_space<hbm>> -> memref<4096x128xf32, #tpu.memory_space<hbm>>
      tpu.enqueue_indirect_dma source(%dma_start3A_31 : memref<4096x128xf32, #tpu.memory_space<hbm>>) target(%dma_start3A_25 : memref<128x128xf32, #tpu.memory_space<vmem>>) offsets(%dma_start3A_28 : memref<128xi32, #tpu.memory_space<vmem>>) semaphore(%arg7 : memref<!tpu.dma_semaphore, #tpu.memory_space<semaphore_mem>>)
      %mul3A_32 = arith.constant 4 : i32
      %mul3A_33 = arith.muli %scan3A_6, %mul3A_32 : i32
      %add3A_34 = arith.constant 2 : i32
      %add3A_35 = arith.addi %mul3A_33, %add3A_34 : i32
      %dma_start3A_36 = arith.constant 256 : i32
      %dma_start3A_37 = arith.constant 0 : i32
      %dma_start3A_38 = tpu.memref_slice %arg6[%dma_start3A_36, %dma_start3A_37] : memref<512x128xf32, #tpu.memory_space<vmem>> -> memref<128x128xf32, #tpu.memory_space<vmem>>
      %dma_start3A_39 = arith.constant 0 : i32
      %dma_start3A_40 = tpu.memref_slice %arg5[%add3A_35, %dma_start3A_39] : memref<16x128xi32, #tpu.memory_space<vmem>> -> memref<1x128xi32, #tpu.memory_space<vmem>>
      %dma_start3A_41 = tpu.memref_squeeze %dma_start3A_40 : memref<1x128xi32, #tpu.memory_space<vmem>> -> memref<128xi32, #tpu.memory_space<vmem>>
      %dma_start3A_42 = arith.constant 0 : i32
      %dma_start3A_43 = arith.constant 0 : i32
      %dma_start3A_44 = tpu.memref_slice %arg2[%dma_start3A_42, %dma_start3A_43] : memref<4096x128xf32, #tpu.memory_space<hbm>> -> memref<4096x128xf32, #tpu.memory_space<hbm>>
      tpu.enqueue_indirect_dma source(%dma_start3A_44 : memref<4096x128xf32, #tpu.memory_space<hbm>>) target(%dma_start3A_38 : memref<128x128xf32, #tpu.memory_space<vmem>>) offsets(%dma_start3A_41 : memref<128xi32, #tpu.memory_space<vmem>>) semaphore(%arg7 : memref<!tpu.dma_semaphore, #tpu.memory_space<semaphore_mem>>)
      %mul3A_45 = arith.constant 4 : i32
      %mul3A_46 = arith.muli %scan3A_6, %mul3A_45 : i32
      %add3A_47 = arith.constant 3 : i32
      %add3A_48 = arith.addi %mul3A_46, %add3A_47 : i32
      %dma_start3A_49 = arith.constant 384 : i32
      %dma_start3A_50 = arith.constant 0 : i32
      %dma_start3A_51 = tpu.memref_slice %arg6[%dma_start3A_49, %dma_start3A_50] : memref<512x128xf32, #tpu.memory_space<vmem>> -> memref<128x128xf32, #tpu.memory_space<vmem>>
      %dma_start3A_52 = arith.constant 0 : i32
      %dma_start3A_53 = tpu.memref_slice %arg5[%add3A_48, %dma_start3A_52] : memref<16x128xi32, #tpu.memory_space<vmem>> -> memref<1x128xi32, #tpu.memory_space<vmem>>
      %dma_start3A_54 = tpu.memref_squeeze %dma_start3A_53 : memref<1x128xi32, #tpu.memory_space<vmem>> -> memref<128xi32, #tpu.memory_space<vmem>>
      %dma_start3A_55 = arith.constant 0 : i32
      %dma_start3A_56 = arith.constant 0 : i32
      %dma_start3A_57 = tpu.memref_slice %arg2[%dma_start3A_55, %dma_start3A_56] : memref<4096x128xf32, #tpu.memory_space<hbm>> -> memref<4096x128xf32, #tpu.memory_space<hbm>>
      tpu.enqueue_indirect_dma source(%dma_start3A_57 : memref<4096x128xf32, #tpu.memory_space<hbm>>) target(%dma_start3A_51 : memref<128x128xf32, #tpu.memory_space<vmem>>) offsets(%dma_start3A_54 : memref<128xi32, #tpu.memory_space<vmem>>) semaphore(%arg7 : memref<!tpu.dma_semaphore, #tpu.memory_space<semaphore_mem>>)
      %dma_wait3A = arith.constant 0 : i32
      %dma_wait3A_58 = arith.constant 0 : i32
      %dma_wait3A_59 = tpu.memref_slice %arg6[%dma_wait3A, %dma_wait3A_58] : memref<512x128xf32, #tpu.memory_space<vmem>> -> memref<128x128xf32, #tpu.memory_space<vmem>>
      %dma_wait3A_60 = arith.constant 0 : i32
      %dma_wait3A_61 = tpu.memref_slice %arg5[%add3A_10, %dma_wait3A_60] : memref<16x128xi32, #tpu.memory_space<vmem>> -> memref<1x128xi32, #tpu.memory_space<vmem>>
      %dma_wait3A_62 = tpu.memref_squeeze %dma_wait3A_61 : memref<1x128xi32, #tpu.memory_space<vmem>> -> memref<128xi32, #tpu.memory_space<vmem>>
      %dma_wait3A_63 = arith.constant 0 : i32
      %dma_wait3A_64 = arith.constant 0 : i32
      %dma_wait3A_65 = tpu.memref_slice %arg2[%dma_wait3A_63, %dma_wait3A_64] : memref<4096x128xf32, #tpu.memory_space<hbm>> -> memref<4096x128xf32, #tpu.memory_space<hbm>>
      tpu.wait_indirect_dma semaphore(%arg7 : memref<!tpu.dma_semaphore, #tpu.memory_space<semaphore_mem>>) src(%dma_wait3A_65 : memref<4096x128xf32, #tpu.memory_space<hbm>>) dst(%dma_wait3A_59 : memref<128x128xf32, #tpu.memory_space<vmem>>)
      %dma_wait3A_66 = arith.constant 128 : i32
      %dma_wait3A_67 = arith.constant 0 : i32
      %dma_wait3A_68 = tpu.memref_slice %arg6[%dma_wait3A_66, %dma_wait3A_67] : memref<512x128xf32, #tpu.memory_space<vmem>> -> memref<128x128xf32, #tpu.memory_space<vmem>>
      %dma_wait3A_69 = arith.constant 0 : i32
      %dma_wait3A_70 = tpu.memref_slice %arg5[%add3A_22, %dma_wait3A_69] : memref<16x128xi32, #tpu.memory_space<vmem>> -> memref<1x128xi32, #tpu.memory_space<vmem>>
      %dma_wait3A_71 = tpu.memref_squeeze %dma_wait3A_70 : memref<1x128xi32, #tpu.memory_space<vmem>> -> memref<128xi32, #tpu.memory_space<vmem>>
      %dma_wait3A_72 = arith.constant 0 : i32
      %dma_wait3A_73 = arith.constant 0 : i32
      %dma_wait3A_74 = tpu.memref_slice %arg2[%dma_wait3A_72, %dma_wait3A_73] : memref<4096x128xf32, #tpu.memory_space<hbm>> -> memref<4096x128xf32, #tpu.memory_space<hbm>>
      tpu.wait_indirect_dma semaphore(%arg7 : memref<!tpu.dma_semaphore, #tpu.memory_space<semaphore_mem>>) src(%dma_wait3A_74 : memref<4096x128xf32, #tpu.memory_space<hbm>>) dst(%dma_wait3A_68 : memref<128x128xf32, #tpu.memory_space<vmem>>)
      %dma_wait3A_75 = arith.constant 256 : i32
      %dma_wait3A_76 = arith.constant 0 : i32
      %dma_wait3A_77 = tpu.memref_slice %arg6[%dma_wait3A_75, %dma_wait3A_76] : memref<512x128xf32, #tpu.memory_space<vmem>> -> memref<128x128xf32, #tpu.memory_space<vmem>>
      %dma_wait3A_78 = arith.constant 0 : i32
      %dma_wait3A_79 = tpu.memref_slice %arg5[%add3A_35, %dma_wait3A_78] : memref<16x128xi32, #tpu.memory_space<vmem>> -> memref<1x128xi32, #tpu.memory_space<vmem>>
      %dma_wait3A_80 = tpu.memref_squeeze %dma_wait3A_79 : memref<1x128xi32, #tpu.memory_space<vmem>> -> memref<128xi32, #tpu.memory_space<vmem>>
      %dma_wait3A_81 = arith.constant 0 : i32
      %dma_wait3A_82 = arith.constant 0 : i32
      %dma_wait3A_83 = tpu.memref_slice %arg2[%dma_wait3A_81, %dma_wait3A_82] : memref<4096x128xf32, #tpu.memory_space<hbm>> -> memref<4096x128xf32, #tpu.memory_space<hbm>>
      tpu.wait_indirect_dma semaphore(%arg7 : memref<!tpu.dma_semaphore, #tpu.memory_space<semaphore_mem>>) src(%dma_wait3A_83 : memref<4096x128xf32, #tpu.memory_space<hbm>>) dst(%dma_wait3A_77 : memref<128x128xf32, #tpu.memory_space<vmem>>)
      %dma_wait3A_84 = arith.constant 384 : i32
      %dma_wait3A_85 = arith.constant 0 : i32
      %dma_wait3A_86 = tpu.memref_slice %arg6[%dma_wait3A_84, %dma_wait3A_85] : memref<512x128xf32, #tpu.memory_space<vmem>> -> memref<128x128xf32, #tpu.memory_space<vmem>>
      %dma_wait3A_87 = arith.constant 0 : i32
      %dma_wait3A_88 = tpu.memref_slice %arg5[%add3A_48, %dma_wait3A_87] : memref<16x128xi32, #tpu.memory_space<vmem>> -> memref<1x128xi32, #tpu.memory_space<vmem>>
      %dma_wait3A_89 = tpu.memref_squeeze %dma_wait3A_88 : memref<1x128xi32, #tpu.memory_space<vmem>> -> memref<128xi32, #tpu.memory_space<vmem>>
      %dma_wait3A_90 = arith.constant 0 : i32
      %dma_wait3A_91 = arith.constant 0 : i32
      %dma_wait3A_92 = tpu.memref_slice %arg2[%dma_wait3A_90, %dma_wait3A_91] : memref<4096x128xf32, #tpu.memory_space<hbm>> -> memref<4096x128xf32, #tpu.memory_space<hbm>>
      tpu.wait_indirect_dma semaphore(%arg7 : memref<!tpu.dma_semaphore, #tpu.memory_space<semaphore_mem>>) src(%dma_wait3A_92 : memref<4096x128xf32, #tpu.memory_space<hbm>>) dst(%dma_wait3A_86 : memref<128x128xf32, #tpu.memory_space<vmem>>)
      %mul3A_93 = arith.constant 2048 : i32
      %mul3A_94 = arith.muli %add3A, %mul3A_93 : i32
      %mul3A_95 = arith.constant 512 : i32
      %mul3A_96 = arith.muli %scan3A_6, %mul3A_95 : i32
      %add3A_97 = arith.addi %mul3A_94, %mul3A_96 : i32
      "tpu.region"() ({
        %run_scoped3A = tpu.sem_alloc : memref<!tpu.dma_semaphore, #tpu.memory_space<semaphore_mem>>
        %dma_start3A_98 = arith.constant 0 : i32
        %dma_start3A_99 = tpu.memref_slice %arg4[%add3A_97, %dma_start3A_98] : memref<65536x128xf32, #tpu.memory_space<hbm>> -> memref<512x128xf32, #tpu.memory_space<hbm>>
        %dma_start3A_100 = arith.constant 0 : i32
        %dma_start3A_101 = tpu.memref_slice %arg4[%add3A_97, %dma_start3A_100] : memref<65536x128xf32, #tpu.memory_space<hbm>> -> memref<512x128xf32, #tpu.memory_space<hbm>>
        tpu.enqueue_dma source(%arg6 : memref<512x128xf32, #tpu.memory_space<vmem>>) target(%dma_start3A_101 : memref<512x128xf32, #tpu.memory_space<hbm>>) target_semaphore(%run_scoped3A : memref<!tpu.dma_semaphore, #tpu.memory_space<semaphore_mem>>)
        %dma_wait3A_102 = arith.constant 0 : i32
        %dma_wait3A_103 = tpu.memref_slice %arg4[%add3A_97, %dma_wait3A_102] : memref<65536x128xf32, #tpu.memory_space<hbm>> -> memref<512x128xf32, #tpu.memory_space<hbm>>
        %dma_wait3A_104 = arith.constant 0 : i32
        %dma_wait3A_105 = tpu.memref_slice %arg4[%add3A_97, %dma_wait3A_104] : memref<65536x128xf32, #tpu.memory_space<hbm>> -> memref<512x128xf32, #tpu.memory_space<hbm>>
        tpu.wait_dma2 semaphore(%run_scoped3A : memref<!tpu.dma_semaphore, #tpu.memory_space<semaphore_mem>>) src(%arg6 : memref<512x128xf32, #tpu.memory_space<vmem>>) dst(%dma_wait3A_105 : memref<512x128xf32, #tpu.memory_space<hbm>>)
        tpu.yield
      }) : () -> ()
    }
    %scan3A_5 = arith.constant 4 : i32
    return
  }
}

module attributes {stable_mosaic.version = 14 : i64} {
  func.func @_knn_body(%arg0: i32, %arg1: memref<256x3xf32, #tpu.memory_space<vmem>>, %arg2: memref<3x4096xf32, #tpu.memory_space<vmem>>, %arg3: memref<256x64xf32, #tpu.memory_space<vmem>>, %arg4: memref<3x64xf32, #tpu.memory_space<vmem>>, %arg5: memref<64x64xf32, #tpu.memory_space<vmem>>, %arg6: memref<256x16xi32, #tpu.memory_space<vmem>>, %arg7: memref<256x128xf32, #tpu.memory_space<vmem>>, %arg8: memref<256x64xf32, #tpu.memory_space<vmem>>) attributes {dimension_semantics = [#tpu.dimension_semantics<arbitrary>], iteration_bounds = array<i64: 16>, scalar_prefetch = 0 : i64, scratch_operands = 0 : i64, tpu.core_type = #tpu.core_type<tc>, window_params = [{transform_indices = @transform_0, window_bounds = array<i64: 256, 3>}, {pipeline_mode = #tpu.pipeline_mode<synchronous>, transform_indices = @transform_1, window_bounds = array<i64: 3, 4096>}, {transform_indices = @transform_2, window_bounds = array<i64: 256, 64>}, {pipeline_mode = #tpu.pipeline_mode<synchronous>, transform_indices = @transform_3, window_bounds = array<i64: 3, 64>}, {pipeline_mode = #tpu.pipeline_mode<synchronous>, transform_indices = @transform_4, window_bounds = array<i64: 64, 64>}, {transform_indices = @transform_5, window_bounds = array<i64: 256, 16>}, {transform_indices = @transform_6, window_bounds = array<i64: 256, 128>}, {transform_indices = @transform_7, window_bounds = array<i64: 256, 64>}]} {
    %get3A = arith.constant 0 : index
    %get3A_0 = arith.constant 0 : index
    %get3A_1 = vector.load %arg1[%get3A, %get3A_0] : memref<256x3xf32, #tpu.memory_space<vmem>>, vector<256x3xf32>
    %get3A_2 = arith.constant 0 : index
    %get3A_3 = arith.constant 0 : index
    %get3A_4 = vector.load %arg2[%get3A_2, %get3A_3] : memref<3x4096xf32, #tpu.memory_space<vmem>>, vector<3x4096xf32>
    %get3A_5 = arith.constant 0 : index
    %get3A_6 = arith.constant 0 : index
    %get3A_7 = vector.load %arg3[%get3A_5, %get3A_6] : memref<256x64xf32, #tpu.memory_space<vmem>>, vector<256x64xf32>
    %get3A_8 = arith.constant 0 : index
    %get3A_9 = arith.constant 0 : index
    %get3A_10 = vector.load %arg4[%get3A_8, %get3A_9] : memref<3x64xf32, #tpu.memory_space<vmem>>, vector<3x64xf32>
    %dot_general3A = arith.constant dense<0.000000e+00> : vector<256x64xf32>
    %dot_general3A_11 = tpu.matmul %get3A_1, %get3A_10, %dot_general3A {dimension_numbers = #tpu.dot_dimension_numbers<[1], [0], [0], [1], [0, 0, 1, 1], [], []>, transpose_lhs_hint = false} : vector<256x3xf32>, vector<3x64xf32>, vector<256x64xf32> -> vector<256x64xf32>
    %get3A_12 = arith.constant 0 : index
    %get3A_13 = arith.constant 0 : index
    %get3A_14 = vector.load %arg5[%get3A_12, %get3A_13] : memref<64x64xf32, #tpu.memory_space<vmem>>, vector<64x64xf32>
    %dot_general3A_15 = arith.constant dense<0.000000e+00> : vector<256x64xf32>
    %dot_general3A_16 = tpu.matmul %get3A_7, %get3A_14, %dot_general3A_15 {dimension_numbers = #tpu.dot_dimension_numbers<[1], [0], [0], [1], [0, 0, 1, 1], [], []>, transpose_lhs_hint = false} : vector<256x64xf32>, vector<64x64xf32>, vector<256x64xf32> -> vector<256x64xf32>
    %add3A = arith.addf %dot_general3A_11, %dot_general3A_16 : vector<256x64xf32>
    %swap3A = arith.constant 0 : index
    %swap3A_17 = arith.constant 0 : index
    %swap3A_18 = vector.load %arg8[%swap3A, %swap3A_17] : memref<256x64xf32, #tpu.memory_space<vmem>>, vector<256x64xf32>
    tpu.vector_store %arg8[%swap3A, %swap3A_17], %dot_general3A_11 {strides = array<i32>} : memref<256x64xf32, #tpu.memory_space<vmem>>, vector<256x64xf32>,
    %broadcast_in_dim3A = arith.constant 0.000000e+00 : f32
    %broadcast_in_dim3A_19 = vector.broadcast %broadcast_in_dim3A : f32 to vector<256x64xf32>
    %concatenate3A = tpu.concatenate %add3A, %broadcast_in_dim3A_19 in 1 : vector<256x64xf32>, vector<256x64xf32> -> vector<256x128xf32>
    %swap3A_20 = arith.constant 0 : index
    %swap3A_21 = arith.constant 0 : index
    %swap3A_22 = vector.load %arg7[%swap3A_20, %swap3A_21] : memref<256x128xf32, #tpu.memory_space<vmem>>, vector<256x128xf32>
    tpu.vector_store %arg7[%swap3A_20, %swap3A_21], %concatenate3A {strides = array<i32>} : memref<256x128xf32, #tpu.memory_space<vmem>>, vector<256x128xf32>,
    %mul3A = arith.mulf %get3A_4, %get3A_4 : vector<3x4096xf32>
    %reduce_sum3A = arith.constant dense<0.000000e+00> : vector<4096xf32>
    %reduce_sum3A_23 = vector.multi_reduction <add>, %mul3A, %reduce_sum3A [0] : vector<3x4096xf32> to vector<4096xf32>
    %broadcast_in_dim3A_24 = vector.shape_cast %reduce_sum3A_23 : vector<4096xf32> to vector<1x4096xf32>
    %mul3A_25 = arith.constant -2.000000e+00 : f32
    %mul3A_26 = vector.broadcast %mul3A_25 : f32 to vector<3x4096xf32>
    %mul3A_27 = arith.mulf %mul3A_26, %get3A_4 : vector<3x4096xf32>
    %concatenate3A_28 = tpu.concatenate %mul3A_27, %broadcast_in_dim3A_24 in 0 : vector<3x4096xf32>, vector<1x4096xf32> -> vector<4x4096xf32>
    %broadcast_in_dim3A_29 = arith.constant 1.000000e+00 : f32
    %broadcast_in_dim3A_30 = vector.broadcast %broadcast_in_dim3A_29 : f32 to vector<256x1xf32>
    %concatenate3A_31 = tpu.concatenate %get3A_1, %broadcast_in_dim3A_30 in 1 : vector<256x3xf32>, vector<256x1xf32> -> vector<256x4xf32>
    %dot_general3A_32 = arith.constant dense<0.000000e+00> : vector<256x4096xf32>
    %dot_general3A_33 = tpu.matmul %concatenate3A_31, %concatenate3A_28, %dot_general3A_32 {dimension_numbers = #tpu.dot_dimension_numbers<[1], [0], [0], [1], [0, 0, 1, 1], [], []>, transpose_lhs_hint = false} : vector<256x4xf32>, vector<4x4096xf32>, vector<256x4096xf32> -> vector<256x4096xf32>
    %iota3A = tpu.iota {dimensions = array<i32: 1>} : vector<256x4096xi32>
    %iota3A_34 = tpu.iota {dimensions = array<i32: 0>} : vector<256x1xi32>
    %mul3A_35 = arith.constant 256 : i32
    %mul3A_36 = arith.muli %arg0, %mul3A_35 : i32
    %add3A_37 = vector.broadcast %mul3A_36 : i32 to vector<256x1xi32>
    %add3A_38 = arith.addi %iota3A_34, %add3A_37 : vector<256x1xi32>
    %eq3A = vector.broadcast %add3A_38 : vector<256x1xi32> to vector<256x4096xi32>
    %eq3A_39 = arith.cmpi eq, %iota3A, %eq3A : vector<256x4096xi32>
    %jit3A = arith.constant 0x7F800000 : f32
    %broadcast_in_dim3A_40 = vector.broadcast %jit3A : f32 to vector<256x4096xf32>
    %select_n3A = arith.select %eq3A_39, %broadcast_in_dim3A_40, %dot_general3A_33 : vector<256x4096xi1>, vector<256x4096xf32>
    %reduce_min3A = arith.constant dense<0x7F800000> : vector<256xf32>
    %reduce_min3A_41 = vector.multi_reduction <minimumf>, %select_n3A, %reduce_min3A [1] : vector<256x4096xf32> to vector<256xf32>
    %broadcast_in_dim3A_42 = vector.shape_cast %reduce_min3A_41 : vector<256xf32> to vector<256x1xf32>
    %eq3A_43 = vector.broadcast %broadcast_in_dim3A_42 : vector<256x1xf32> to vector<256x4096xf32>
    %eq3A_44 = arith.cmpf oeq, %select_n3A, %eq3A_43 : vector<256x4096xf32>
    %jit3A_45 = arith.constant 1073741824 : i32
    %broadcast_in_dim3A_46 = vector.broadcast %jit3A_45 : i32 to vector<256x4096xi32>
    %select_n3A_47 = arith.select %eq3A_44, %iota3A, %broadcast_in_dim3A_46 : vector<256x4096xi1>, vector<256x4096xi32>
    %reduce_min3A_48 = arith.constant dense<2147483647> : vector<256xi32>
    %reduce_min3A_49 = vector.multi_reduction <minsi>, %select_n3A_47, %reduce_min3A_48 [1] : vector<256x4096xi32> to vector<256xi32>
    %broadcast_in_dim3A_50 = vector.shape_cast %reduce_min3A_49 : vector<256xi32> to vector<256x1xi32>
    %jit3A_51 = arith.constant 0x7F800000 : f32
    %broadcast_in_dim3A_52 = vector.broadcast %jit3A_51 : f32 to vector<256x4096xf32>
    %select_n3A_53 = arith.select %eq3A_44, %broadcast_in_dim3A_52, %select_n3A : vector<256x4096xi1>, vector<256x4096xf32>
    %reduce_min3A_54 = arith.constant dense<0x7F800000> : vector<256xf32>
    %reduce_min3A_55 = vector.multi_reduction <minimumf>, %select_n3A_53, %reduce_min3A_54 [1] : vector<256x4096xf32> to vector<256xf32>
    %broadcast_in_dim3A_56 = vector.shape_cast %reduce_min3A_55 : vector<256xf32> to vector<256x1xf32>
    %eq3A_57 = vector.broadcast %broadcast_in_dim3A_56 : vector<256x1xf32> to vector<256x4096xf32>
    %eq3A_58 = arith.cmpf oeq, %select_n3A_53, %eq3A_57 : vector<256x4096xf32>
    %jit3A_59 = arith.constant 1073741824 : i32
    %broadcast_in_dim3A_60 = vector.broadcast %jit3A_59 : i32 to vector<256x4096xi32>
    %select_n3A_61 = arith.select %eq3A_58, %iota3A, %broadcast_in_dim3A_60 : vector<256x4096xi1>, vector<256x4096xi32>
    %reduce_min3A_62 = arith.constant dense<2147483647> : vector<256xi32>
    %reduce_min3A_63 = vector.multi_reduction <minsi>, %select_n3A_61, %reduce_min3A_62 [1] : vector<256x4096xi32> to vector<256xi32>
    %broadcast_in_dim3A_64 = vector.shape_cast %reduce_min3A_63 : vector<256xi32> to vector<256x1xi32>
    %jit3A_65 = arith.constant 0x7F800000 : f32
    %broadcast_in_dim3A_66 = vector.broadcast %jit3A_65 : f32 to vector<256x4096xf32>
    %select_n3A_67 = arith.select %eq3A_58, %broadcast_in_dim3A_66, %select_n3A_53 : vector<256x4096xi1>, vector<256x4096xf32>
    %reduce_min3A_68 = arith.constant dense<0x7F800000> : vector<256xf32>
    %reduce_min3A_69 = vector.multi_reduction <minimumf>, %select_n3A_67, %reduce_min3A_68 [1] : vector<256x4096xf32> to vector<256xf32>
    %broadcast_in_dim3A_70 = vector.shape_cast %reduce_min3A_69 : vector<256xf32> to vector<256x1xf32>
    %eq3A_71 = vector.broadcast %broadcast_in_dim3A_70 : vector<256x1xf32> to vector<256x4096xf32>
    %eq3A_72 = arith.cmpf oeq, %select_n3A_67, %eq3A_71 : vector<256x4096xf32>
    %jit3A_73 = arith.constant 1073741824 : i32
    %broadcast_in_dim3A_74 = vector.broadcast %jit3A_73 : i32 to vector<256x4096xi32>
    %select_n3A_75 = arith.select %eq3A_72, %iota3A, %broadcast_in_dim3A_74 : vector<256x4096xi1>, vector<256x4096xi32>
    %reduce_min3A_76 = arith.constant dense<2147483647> : vector<256xi32>
    %reduce_min3A_77 = vector.multi_reduction <minsi>, %select_n3A_75, %reduce_min3A_76 [1] : vector<256x4096xi32> to vector<256xi32>
    %broadcast_in_dim3A_78 = vector.shape_cast %reduce_min3A_77 : vector<256xi32> to vector<256x1xi32>
    %jit3A_79 = arith.constant 0x7F800000 : f32
    %broadcast_in_dim3A_80 = vector.broadcast %jit3A_79 : f32 to vector<256x4096xf32>
    %select_n3A_81 = arith.select %eq3A_72, %broadcast_in_dim3A_80, %select_n3A_67 : vector<256x4096xi1>, vector<256x4096xf32>
    %reduce_min3A_82 = arith.constant dense<0x7F800000> : vector<256xf32>
    %reduce_min3A_83 = vector.multi_reduction <minimumf>, %select_n3A_81, %reduce_min3A_82 [1] : vector<256x4096xf32> to vector<256xf32>
    %broadcast_in_dim3A_84 = vector.shape_cast %reduce_min3A_83 : vector<256xf32> to vector<256x1xf32>
    %eq3A_85 = vector.broadcast %broadcast_in_dim3A_84 : vector<256x1xf32> to vector<256x4096xf32>
    %eq3A_86 = arith.cmpf oeq, %select_n3A_81, %eq3A_85 : vector<256x4096xf32>
    %jit3A_87 = arith.constant 1073741824 : i32
    %broadcast_in_dim3A_88 = vector.broadcast %jit3A_87 : i32 to vector<256x4096xi32>
    %select_n3A_89 = arith.select %eq3A_86, %iota3A, %broadcast_in_dim3A_88 : vector<256x4096xi1>, vector<256x4096xi32>
    %reduce_min3A_90 = arith.constant dense<2147483647> : vector<256xi32>
    %reduce_min3A_91 = vector.multi_reduction <minsi>, %select_n3A_89, %reduce_min3A_90 [1] : vector<256x4096xi32> to vector<256xi32>
    %broadcast_in_dim3A_92 = vector.shape_cast %reduce_min3A_91 : vector<256xi32> to vector<256x1xi32>
    %jit3A_93 = arith.constant 0x7F800000 : f32
    %broadcast_in_dim3A_94 = vector.broadcast %jit3A_93 : f32 to vector<256x4096xf32>
    %select_n3A_95 = arith.select %eq3A_86, %broadcast_in_dim3A_94, %select_n3A_81 : vector<256x4096xi1>, vector<256x4096xf32>
    %reduce_min3A_96 = arith.constant dense<0x7F800000> : vector<256xf32>
    %reduce_min3A_97 = vector.multi_reduction <minimumf>, %select_n3A_95, %reduce_min3A_96 [1] : vector<256x4096xf32> to vector<256xf32>
    %broadcast_in_dim3A_98 = vector.shape_cast %reduce_min3A_97 : vector<256xf32> to vector<256x1xf32>
    %eq3A_99 = vector.broadcast %broadcast_in_dim3A_98 : vector<256x1xf32> to vector<256x4096xf32>
    %eq3A_100 = arith.cmpf oeq, %select_n3A_95, %eq3A_99 : vector<256x4096xf32>
    %jit3A_101 = arith.constant 1073741824 : i32
    %broadcast_in_dim3A_102 = vector.broadcast %jit3A_101 : i32 to vector<256x4096xi32>
    %select_n3A_103 = arith.select %eq3A_100, %iota3A, %broadcast_in_dim3A_102 : vector<256x4096xi1>, vector<256x4096xi32>
    %reduce_min3A_104 = arith.constant dense<2147483647> : vector<256xi32>
    %reduce_min3A_105 = vector.multi_reduction <minsi>, %select_n3A_103, %reduce_min3A_104 [1] : vector<256x4096xi32> to vector<256xi32>
    %broadcast_in_dim3A_106 = vector.shape_cast %reduce_min3A_105 : vector<256xi32> to vector<256x1xi32>
    %jit3A_107 = arith.constant 0x7F800000 : f32
    %broadcast_in_dim3A_108 = vector.broadcast %jit3A_107 : f32 to vector<256x4096xf32>
    %select_n3A_109 = arith.select %eq3A_100, %broadcast_in_dim3A_108, %select_n3A_95 : vector<256x4096xi1>, vector<256x4096xf32>
    %reduce_min3A_110 = arith.constant dense<0x7F800000> : vector<256xf32>
    %reduce_min3A_111 = vector.multi_reduction <minimumf>, %select_n3A_109, %reduce_min3A_110 [1] : vector<256x4096xf32> to vector<256xf32>
    %broadcast_in_dim3A_112 = vector.shape_cast %reduce_min3A_111 : vector<256xf32> to vector<256x1xf32>
    %eq3A_113 = vector.broadcast %broadcast_in_dim3A_112 : vector<256x1xf32> to vector<256x4096xf32>
    %eq3A_114 = arith.cmpf oeq, %select_n3A_109, %eq3A_113 : vector<256x4096xf32>
    %jit3A_115 = arith.constant 1073741824 : i32
    %broadcast_in_dim3A_116 = vector.broadcast %jit3A_115 : i32 to vector<256x4096xi32>
    %select_n3A_117 = arith.select %eq3A_114, %iota3A, %broadcast_in_dim3A_116 : vector<256x4096xi1>, vector<256x4096xi32>
    %reduce_min3A_118 = arith.constant dense<2147483647> : vector<256xi32>
    %reduce_min3A_119 = vector.multi_reduction <minsi>, %select_n3A_117, %reduce_min3A_118 [1] : vector<256x4096xi32> to vector<256xi32>
    %broadcast_in_dim3A_120 = vector.shape_cast %reduce_min3A_119 : vector<256xi32> to vector<256x1xi32>
    %jit3A_121 = arith.constant 0x7F800000 : f32
    %broadcast_in_dim3A_122 = vector.broadcast %jit3A_121 : f32 to vector<256x4096xf32>
    %select_n3A_123 = arith.select %eq3A_114, %broadcast_in_dim3A_122, %select_n3A_109 : vector<256x4096xi1>, vector<256x4096xf32>
    %reduce_min3A_124 = arith.constant dense<0x7F800000> : vector<256xf32>
    %reduce_min3A_125 = vector.multi_reduction <minimumf>, %select_n3A_123, %reduce_min3A_124 [1] : vector<256x4096xf32> to vector<256xf32>
    %broadcast_in_dim3A_126 = vector.shape_cast %reduce_min3A_125 : vector<256xf32> to vector<256x1xf32>
    %eq3A_127 = vector.broadcast %broadcast_in_dim3A_126 : vector<256x1xf32> to vector<256x4096xf32>
    %eq3A_128 = arith.cmpf oeq, %select_n3A_123, %eq3A_127 : vector<256x4096xf32>
    %jit3A_129 = arith.constant 1073741824 : i32
    %broadcast_in_dim3A_130 = vector.broadcast %jit3A_129 : i32 to vector<256x4096xi32>
    %select_n3A_131 = arith.select %eq3A_128, %iota3A, %broadcast_in_dim3A_130 : vector<256x4096xi1>, vector<256x4096xi32>
    %reduce_min3A_132 = arith.constant dense<2147483647> : vector<256xi32>
    %reduce_min3A_133 = vector.multi_reduction <minsi>, %select_n3A_131, %reduce_min3A_132 [1] : vector<256x4096xi32> to vector<256xi32>
    %broadcast_in_dim3A_134 = vector.shape_cast %reduce_min3A_133 : vector<256xi32> to vector<256x1xi32>
    %jit3A_135 = arith.constant 0x7F800000 : f32
    %broadcast_in_dim3A_136 = vector.broadcast %jit3A_135 : f32 to vector<256x4096xf32>
    %select_n3A_137 = arith.select %eq3A_128, %broadcast_in_dim3A_136, %select_n3A_123 : vector<256x4096xi1>, vector<256x4096xf32>
    %reduce_min3A_138 = arith.constant dense<0x7F800000> : vector<256xf32>
    %reduce_min3A_139 = vector.multi_reduction <minimumf>, %select_n3A_137, %reduce_min3A_138 [1] : vector<256x4096xf32> to vector<256xf32>
    %broadcast_in_dim3A_140 = vector.shape_cast %reduce_min3A_139 : vector<256xf32> to vector<256x1xf32>
    %eq3A_141 = vector.broadcast %broadcast_in_dim3A_140 : vector<256x1xf32> to vector<256x4096xf32>
    %eq3A_142 = arith.cmpf oeq, %select_n3A_137, %eq3A_141 : vector<256x4096xf32>
    %jit3A_143 = arith.constant 1073741824 : i32
    %broadcast_in_dim3A_144 = vector.broadcast %jit3A_143 : i32 to vector<256x4096xi32>
    %select_n3A_145 = arith.select %eq3A_142, %iota3A, %broadcast_in_dim3A_144 : vector<256x4096xi1>, vector<256x4096xi32>
    %reduce_min3A_146 = arith.constant dense<2147483647> : vector<256xi32>
    %reduce_min3A_147 = vector.multi_reduction <minsi>, %select_n3A_145, %reduce_min3A_146 [1] : vector<256x4096xi32> to vector<256xi32>
    %broadcast_in_dim3A_148 = vector.shape_cast %reduce_min3A_147 : vector<256xi32> to vector<256x1xi32>
    %jit3A_149 = arith.constant 0x7F800000 : f32
    %broadcast_in_dim3A_150 = vector.broadcast %jit3A_149 : f32 to vector<256x4096xf32>
    %select_n3A_151 = arith.select %eq3A_142, %broadcast_in_dim3A_150, %select_n3A_137 : vector<256x4096xi1>, vector<256x4096xf32>
    %reduce_min3A_152 = arith.constant dense<0x7F800000> : vector<256xf32>
    %reduce_min3A_153 = vector.multi_reduction <minimumf>, %select_n3A_151, %reduce_min3A_152 [1] : vector<256x4096xf32> to vector<256xf32>
    %broadcast_in_dim3A_154 = vector.shape_cast %reduce_min3A_153 : vector<256xf32> to vector<256x1xf32>
    %eq3A_155 = vector.broadcast %broadcast_in_dim3A_154 : vector<256x1xf32> to vector<256x4096xf32>
    %eq3A_156 = arith.cmpf oeq, %select_n3A_151, %eq3A_155 : vector<256x4096xf32>
    %jit3A_157 = arith.constant 1073741824 : i32
    %broadcast_in_dim3A_158 = vector.broadcast %jit3A_157 : i32 to vector<256x4096xi32>
    %select_n3A_159 = arith.select %eq3A_156, %iota3A, %broadcast_in_dim3A_158 : vector<256x4096xi1>, vector<256x4096xi32>
    %reduce_min3A_160 = arith.constant dense<2147483647> : vector<256xi32>
    %reduce_min3A_161 = vector.multi_reduction <minsi>, %select_n3A_159, %reduce_min3A_160 [1] : vector<256x4096xi32> to vector<256xi32>
    %broadcast_in_dim3A_162 = vector.shape_cast %reduce_min3A_161 : vector<256xi32> to vector<256x1xi32>
    %jit3A_163 = arith.constant 0x7F800000 : f32
    %broadcast_in_dim3A_164 = vector.broadcast %jit3A_163 : f32 to vector<256x4096xf32>
    %select_n3A_165 = arith.select %eq3A_156, %broadcast_in_dim3A_164, %select_n3A_151 : vector<256x4096xi1>, vector<256x4096xf32>
    %reduce_min3A_166 = arith.constant dense<0x7F800000> : vector<256xf32>
    %reduce_min3A_167 = vector.multi_reduction <minimumf>, %select_n3A_165, %reduce_min3A_166 [1] : vector<256x4096xf32> to vector<256xf32>
    %broadcast_in_dim3A_168 = vector.shape_cast %reduce_min3A_167 : vector<256xf32> to vector<256x1xf32>
    %eq3A_169 = vector.broadcast %broadcast_in_dim3A_168 : vector<256x1xf32> to vector<256x4096xf32>
    %eq3A_170 = arith.cmpf oeq, %select_n3A_165, %eq3A_169 : vector<256x4096xf32>
    %jit3A_171 = arith.constant 1073741824 : i32
    %broadcast_in_dim3A_172 = vector.broadcast %jit3A_171 : i32 to vector<256x4096xi32>
    %select_n3A_173 = arith.select %eq3A_170, %iota3A, %broadcast_in_dim3A_172 : vector<256x4096xi1>, vector<256x4096xi32>
    %reduce_min3A_174 = arith.constant dense<2147483647> : vector<256xi32>
    %reduce_min3A_175 = vector.multi_reduction <minsi>, %select_n3A_173, %reduce_min3A_174 [1] : vector<256x4096xi32> to vector<256xi32>
    %broadcast_in_dim3A_176 = vector.shape_cast %reduce_min3A_175 : vector<256xi32> to vector<256x1xi32>
    %jit3A_177 = arith.constant 0x7F800000 : f32
    %broadcast_in_dim3A_178 = vector.broadcast %jit3A_177 : f32 to vector<256x4096xf32>
    %select_n3A_179 = arith.select %eq3A_170, %broadcast_in_dim3A_178, %select_n3A_165 : vector<256x4096xi1>, vector<256x4096xf32>
    %reduce_min3A_180 = arith.constant dense<0x7F800000> : vector<256xf32>
    %reduce_min3A_181 = vector.multi_reduction <minimumf>, %select_n3A_179, %reduce_min3A_180 [1] : vector<256x4096xf32> to vector<256xf32>
    %broadcast_in_dim3A_182 = vector.shape_cast %reduce_min3A_181 : vector<256xf32> to vector<256x1xf32>
    %eq3A_183 = vector.broadcast %broadcast_in_dim3A_182 : vector<256x1xf32> to vector<256x4096xf32>
    %eq3A_184 = arith.cmpf oeq, %select_n3A_179, %eq3A_183 : vector<256x4096xf32>
    %jit3A_185 = arith.constant 1073741824 : i32
    %broadcast_in_dim3A_186 = vector.broadcast %jit3A_185 : i32 to vector<256x4096xi32>
    %select_n3A_187 = arith.select %eq3A_184, %iota3A, %broadcast_in_dim3A_186 : vector<256x4096xi1>, vector<256x4096xi32>
    %reduce_min3A_188 = arith.constant dense<2147483647> : vector<256xi32>
    %reduce_min3A_189 = vector.multi_reduction <minsi>, %select_n3A_187, %reduce_min3A_188 [1] : vector<256x4096xi32> to vector<256xi32>
    %broadcast_in_dim3A_190 = vector.shape_cast %reduce_min3A_189 : vector<256xi32> to vector<256x1xi32>
    %jit3A_191 = arith.constant 0x7F800000 : f32
    %broadcast_in_dim3A_192 = vector.broadcast %jit3A_191 : f32 to vector<256x4096xf32>
    %select_n3A_193 = arith.select %eq3A_184, %broadcast_in_dim3A_192, %select_n3A_179 : vector<256x4096xi1>, vector<256x4096xf32>
    %reduce_min3A_194 = arith.constant dense<0x7F800000> : vector<256xf32>
    %reduce_min3A_195 = vector.multi_reduction <minimumf>, %select_n3A_193, %reduce_min3A_194 [1] : vector<256x4096xf32> to vector<256xf32>
    %broadcast_in_dim3A_196 = vector.shape_cast %reduce_min3A_195 : vector<256xf32> to vector<256x1xf32>
    %eq3A_197 = vector.broadcast %broadcast_in_dim3A_196 : vector<256x1xf32> to vector<256x4096xf32>
    %eq3A_198 = arith.cmpf oeq, %select_n3A_193, %eq3A_197 : vector<256x4096xf32>
    %jit3A_199 = arith.constant 1073741824 : i32
    %broadcast_in_dim3A_200 = vector.broadcast %jit3A_199 : i32 to vector<256x4096xi32>
    %select_n3A_201 = arith.select %eq3A_198, %iota3A, %broadcast_in_dim3A_200 : vector<256x4096xi1>, vector<256x4096xi32>
    %reduce_min3A_202 = arith.constant dense<2147483647> : vector<256xi32>
    %reduce_min3A_203 = vector.multi_reduction <minsi>, %select_n3A_201, %reduce_min3A_202 [1] : vector<256x4096xi32> to vector<256xi32>
    %broadcast_in_dim3A_204 = vector.shape_cast %reduce_min3A_203 : vector<256xi32> to vector<256x1xi32>
    %jit3A_205 = arith.constant 0x7F800000 : f32
    %broadcast_in_dim3A_206 = vector.broadcast %jit3A_205 : f32 to vector<256x4096xf32>
    %select_n3A_207 = arith.select %eq3A_198, %broadcast_in_dim3A_206, %select_n3A_193 : vector<256x4096xi1>, vector<256x4096xf32>
    %reduce_min3A_208 = arith.constant dense<0x7F800000> : vector<256xf32>
    %reduce_min3A_209 = vector.multi_reduction <minimumf>, %select_n3A_207, %reduce_min3A_208 [1] : vector<256x4096xf32> to vector<256xf32>
    %broadcast_in_dim3A_210 = vector.shape_cast %reduce_min3A_209 : vector<256xf32> to vector<256x1xf32>
    %eq3A_211 = vector.broadcast %broadcast_in_dim3A_210 : vector<256x1xf32> to vector<256x4096xf32>
    %eq3A_212 = arith.cmpf oeq, %select_n3A_207, %eq3A_211 : vector<256x4096xf32>
    %jit3A_213 = arith.constant 1073741824 : i32
    %broadcast_in_dim3A_214 = vector.broadcast %jit3A_213 : i32 to vector<256x4096xi32>
    %select_n3A_215 = arith.select %eq3A_212, %iota3A, %broadcast_in_dim3A_214 : vector<256x4096xi1>, vector<256x4096xi32>
    %reduce_min3A_216 = arith.constant dense<2147483647> : vector<256xi32>
    %reduce_min3A_217 = vector.multi_reduction <minsi>, %select_n3A_215, %reduce_min3A_216 [1] : vector<256x4096xi32> to vector<256xi32>
    %broadcast_in_dim3A_218 = vector.shape_cast %reduce_min3A_217 : vector<256xi32> to vector<256x1xi32>
    %jit3A_219 = arith.constant 0x7F800000 : f32
    %broadcast_in_dim3A_220 = vector.broadcast %jit3A_219 : f32 to vector<256x4096xf32>
    %select_n3A_221 = arith.select %eq3A_212, %broadcast_in_dim3A_220, %select_n3A_207 : vector<256x4096xi1>, vector<256x4096xf32>
    %reduce_min3A_222 = arith.constant dense<0x7F800000> : vector<256xf32>
    %reduce_min3A_223 = vector.multi_reduction <minimumf>, %select_n3A_221, %reduce_min3A_222 [1] : vector<256x4096xf32> to vector<256xf32>
    %broadcast_in_dim3A_224 = vector.shape_cast %reduce_min3A_223 : vector<256xf32> to vector<256x1xf32>
    %eq3A_225 = vector.broadcast %broadcast_in_dim3A_224 : vector<256x1xf32> to vector<256x4096xf32>
    %eq3A_226 = arith.cmpf oeq, %select_n3A_221, %eq3A_225 : vector<256x4096xf32>
    %jit3A_227 = arith.constant 1073741824 : i32
    %broadcast_in_dim3A_228 = vector.broadcast %jit3A_227 : i32 to vector<256x4096xi32>
    %select_n3A_229 = arith.select %eq3A_226, %iota3A, %broadcast_in_dim3A_228 : vector<256x4096xi1>, vector<256x4096xi32>
    %reduce_min3A_230 = arith.constant dense<2147483647> : vector<256xi32>
    %reduce_min3A_231 = vector.multi_reduction <minsi>, %select_n3A_229, %reduce_min3A_230 [1] : vector<256x4096xi32> to vector<256xi32>
    %broadcast_in_dim3A_232 = vector.shape_cast %reduce_min3A_231 : vector<256xi32> to vector<256x1xi32>
    %jit3A_233 = arith.constant 0x7F800000 : f32
    %broadcast_in_dim3A_234 = vector.broadcast %jit3A_233 : f32 to vector<256x4096xf32>
    %select_n3A_235 = arith.select %eq3A_226, %broadcast_in_dim3A_234, %select_n3A_221 : vector<256x4096xi1>, vector<256x4096xf32>
    %reduce_min3A_236 = arith.constant dense<0x7F800000> : vector<256xf32>
    %reduce_min3A_237 = vector.multi_reduction <minimumf>, %select_n3A_235, %reduce_min3A_236 [1] : vector<256x4096xf32> to vector<256xf32>
    %broadcast_in_dim3A_238 = vector.shape_cast %reduce_min3A_237 : vector<256xf32> to vector<256x1xf32>
    %eq3A_239 = vector.broadcast %broadcast_in_dim3A_238 : vector<256x1xf32> to vector<256x4096xf32>
    %eq3A_240 = arith.cmpf oeq, %select_n3A_235, %eq3A_239 : vector<256x4096xf32>
    %jit3A_241 = arith.constant 1073741824 : i32
    %broadcast_in_dim3A_242 = vector.broadcast %jit3A_241 : i32 to vector<256x4096xi32>
    %select_n3A_243 = arith.select %eq3A_240, %iota3A, %broadcast_in_dim3A_242 : vector<256x4096xi1>, vector<256x4096xi32>
    %reduce_min3A_244 = arith.constant dense<2147483647> : vector<256xi32>
    %reduce_min3A_245 = vector.multi_reduction <minsi>, %select_n3A_243, %reduce_min3A_244 [1] : vector<256x4096xi32> to vector<256xi32>
    %broadcast_in_dim3A_246 = vector.shape_cast %reduce_min3A_245 : vector<256xi32> to vector<256x1xi32>
    %concatenate3A_247 = tpu.concatenate %add3A_38, %broadcast_in_dim3A_50, %broadcast_in_dim3A_64, %broadcast_in_dim3A_78, %broadcast_in_dim3A_92, %broadcast_in_dim3A_106, %broadcast_in_dim3A_120, %broadcast_in_dim3A_134, %broadcast_in_dim3A_148, %broadcast_in_dim3A_162, %broadcast_in_dim3A_176, %broadcast_in_dim3A_190, %broadcast_in_dim3A_204, %broadcast_in_dim3A_218, %broadcast_in_dim3A_232, %broadcast_in_dim3A_246 in 1 : vector<256x1xi32>, vector<256x1xi32>, vector<256x1xi32>, vector<256x1xi32>, vector<256x1xi32>, vector<256x1xi32>, vector<256x1xi32>, vector<256x1xi32>, vector<256x1xi32>, vector<256x1xi32>, vector<256x1xi32>, vector<256x1xi32>, vector<256x1xi32>, vector<256x1xi32>, vector<256x1xi32>, vector<256x1xi32> -> vector<256x16xi32>
    %swap3A_248 = arith.constant 0 : index
    %swap3A_249 = arith.constant 0 : index
    %swap3A_250 = vector.load %arg6[%swap3A_248, %swap3A_249] : memref<256x16xi32, #tpu.memory_space<vmem>>, vector<256x16xi32>
    tpu.vector_store %arg6[%swap3A_248, %swap3A_249], %concatenate3A_247 {strides = array<i32>} : memref<256x16xi32, #tpu.memory_space<vmem>>, vector<256x16xi32>,
    return
  }
  func.func @transform_0(%arg0: i32) -> (i32, i32) {
    %c0_i32 = arith.constant 0 : i32
    %c0_i32_0 = arith.constant 0 : i32
    return %arg0, %c0_i32 : i32, i32
  }
  func.func @transform_1(%arg0: i32) -> (i32, i32) {
    %c0_i32 = arith.constant 0 : i32
    %c0_i32_0 = arith.constant 0 : i32
    %c0_i32_1 = arith.constant 0 : i32
    return %c0_i32, %c0_i32_0 : i32, i32
  }
  func.func @transform_2(%arg0: i32) -> (i32, i32) {
    %c0_i32 = arith.constant 0 : i32
    %c0_i32_0 = arith.constant 0 : i32
    return %arg0, %c0_i32 : i32, i32
  }
  func.func @transform_3(%arg0: i32) -> (i32, i32) {
    %c0_i32 = arith.constant 0 : i32
    %c0_i32_0 = arith.constant 0 : i32
    %c0_i32_1 = arith.constant 0 : i32
    return %c0_i32, %c0_i32_0 : i32, i32
  }
  func.func @transform_4(%arg0: i32) -> (i32, i32) {
    %c0_i32 = arith.constant 0 : i32
    %c0_i32_0 = arith.constant 0 : i32
    %c0_i32_1 = arith.constant 0 : i32
    return %c0_i32, %c0_i32_0 : i32, i32
  }
  func.func @transform_5(%arg0: i32) -> (i32, i32) {
    %c0_i32 = arith.constant 0 : i32
    %c0_i32_0 = arith.constant 0 : i32
    return %arg0, %c0_i32 : i32, i32
  }
  func.func @transform_6(%arg0: i32) -> (i32, i32) {
    %c0_i32 = arith.constant 0 : i32
    %c0_i32_0 = arith.constant 0 : i32
    return %arg0, %c0_i32 : i32, i32
  }
  func.func @transform_7(%arg0: i32) -> (i32, i32) {
    %c0_i32 = arith.constant 0 : i32
    %c0_i32_0 = arith.constant 0 : i32
    return %arg0, %c0_i32 : i32, i32
  }
}

module attributes {stable_mosaic.version = 14 : i64} {
  func.func @_mlp_body(%arg0: i32, %arg1: memref<256x16x128xf32, #tpu.memory_space<vmem>>, %arg2: memref<256x64xf32, #tpu.memory_space<vmem>>, %arg3: memref<64x64xf32, #tpu.memory_space<vmem>>, %arg4: memref<64x128xf32, #tpu.memory_space<vmem>>, %arg5: memref<256x128xf32, #tpu.memory_space<vmem>>) attributes {dimension_semantics = [#tpu.dimension_semantics<arbitrary>], iteration_bounds = array<i64: 16>, scalar_prefetch = 0 : i64, scratch_operands = 0 : i64, tpu.core_type = #tpu.core_type<tc>, window_params = [{transform_indices = @transform_0, window_bounds = array<i64: 256, 16, 128>}, {transform_indices = @transform_1, window_bounds = array<i64: 256, 64>}, {pipeline_mode = #tpu.pipeline_mode<synchronous>, transform_indices = @transform_2, window_bounds = array<i64: 64, 64>}, {pipeline_mode = #tpu.pipeline_mode<synchronous>, transform_indices = @transform_3, window_bounds = array<i64: 64, 128>}, {transform_indices = @transform_4, window_bounds = array<i64: 256, 128>}]} {
    %get3A = arith.constant 0 : index
    %get3A_0 = arith.constant 0 : index
    %get3A_1 = arith.constant 0 : index
    %get3A_2 = vector.load %arg1[%get3A, %get3A_0, %get3A_1] : memref<256x16x128xf32, #tpu.memory_space<vmem>>, vector<256x16x64xf32>
    %get3A_3 = arith.constant 0 : index
    %get3A_4 = arith.constant 0 : index
    %get3A_5 = vector.load %arg2[%get3A_3, %get3A_4] : memref<256x64xf32, #tpu.memory_space<vmem>>, vector<256x64xf32>
    %broadcast_in_dim3A = vector.shape_cast %get3A_5 : vector<256x64xf32> to vector<256x1x64xf32>
    %sub3A = vector.broadcast %broadcast_in_dim3A : vector<256x1x64xf32> to vector<256x16x64xf32>
    %sub3A_6 = arith.subf %get3A_2, %sub3A : vector<256x16x64xf32>
    %gt3A = arith.constant 0.000000e+00 : f32
    %gt3A_7 = vector.broadcast %gt3A : f32 to vector<256x16x64xf32>
    %gt3A_8 = arith.cmpf ogt, %sub3A_6, %gt3A_7 : vector<256x16x64xf32>
    %mul3A = arith.constant 1.000000e-01 : f32
    %mul3A_9 = vector.broadcast %mul3A : f32 to vector<256x16x64xf32>
    %mul3A_10 = arith.mulf %mul3A_9, %sub3A_6 : vector<256x16x64xf32>
    %select_n3A = arith.select %gt3A_8, %sub3A_6, %mul3A_10 : vector<256x16x64xi1>, vector<256x16x64xf32>
    %reshape3A = vector.shape_cast %select_n3A : vector<256x16x64xf32> to vector<4096x64xf32>
    %get3A_11 = arith.constant 0 : index
    %get3A_12 = arith.constant 0 : index
    %get3A_13 = vector.load %arg3[%get3A_11, %get3A_12] : memref<64x64xf32, #tpu.memory_space<vmem>>, vector<64x64xf32>
    %dot_general3A = arith.constant dense<0.000000e+00> : vector<4096x64xf32>
    %dot_general3A_14 = tpu.matmul %reshape3A, %get3A_13, %dot_general3A {dimension_numbers = #tpu.dot_dimension_numbers<[1], [0], [0], [1], [0, 0, 1, 1], [], []>, transpose_lhs_hint = false} : vector<4096x64xf32>, vector<64x64xf32>, vector<4096x64xf32> -> vector<4096x64xf32>
    %gt3A_15 = arith.constant 0.000000e+00 : f32
    %gt3A_16 = vector.broadcast %gt3A_15 : f32 to vector<4096x64xf32>
    %gt3A_17 = arith.cmpf ogt, %dot_general3A_14, %gt3A_16 : vector<4096x64xf32>
    %mul3A_18 = arith.constant 1.000000e-01 : f32
    %mul3A_19 = vector.broadcast %mul3A_18 : f32 to vector<4096x64xf32>
    %mul3A_20 = arith.mulf %mul3A_19, %dot_general3A_14 : vector<4096x64xf32>
    %select_n3A_21 = arith.select %gt3A_17, %dot_general3A_14, %mul3A_20 : vector<4096x64xi1>, vector<4096x64xf32>
    %get3A_22 = arith.constant 0 : index
    %get3A_23 = arith.constant 0 : index
    %get3A_24 = vector.load %arg4[%get3A_22, %get3A_23] : memref<64x128xf32, #tpu.memory_space<vmem>>, vector<64x128xf32>
    %dot_general3A_25 = arith.constant dense<0.000000e+00> : vector<4096x128xf32>
    %dot_general3A_26 = tpu.matmul %select_n3A_21, %get3A_24, %dot_general3A_25 {dimension_numbers = #tpu.dot_dimension_numbers<[1], [0], [0], [1], [0, 0, 1, 1], [], []>, transpose_lhs_hint = false} : vector<4096x64xf32>, vector<64x128xf32>, vector<4096x128xf32> -> vector<4096x128xf32>
    %gt3A_27 = arith.constant 0.000000e+00 : f32
    %gt3A_28 = vector.broadcast %gt3A_27 : f32 to vector<4096x128xf32>
    %gt3A_29 = arith.cmpf ogt, %dot_general3A_26, %gt3A_28 : vector<4096x128xf32>
    %mul3A_30 = arith.constant 1.000000e-01 : f32
    %mul3A_31 = vector.broadcast %mul3A_30 : f32 to vector<4096x128xf32>
    %mul3A_32 = arith.mulf %mul3A_31, %dot_general3A_26 : vector<4096x128xf32>
    %select_n3A_33 = arith.select %gt3A_29, %dot_general3A_26, %mul3A_32 : vector<4096x128xi1>, vector<4096x128xf32>
    %reshape3A_34 = vector.shape_cast %select_n3A_33 : vector<4096x128xf32> to vector<256x16x128xf32>
    %slice3A = vector.extract_strided_slice %reshape3A_34 {offsets = [0, 0, 0], sizes = [256, 1, 128], strides = [1, 1, 1]} : vector<256x16x128xf32> to vector<256x1x128xf32>
    %squeeze3A = vector.shape_cast %slice3A : vector<256x1x128xf32> to vector<256x128xf32>
    %slice3A_35 = vector.extract_strided_slice %reshape3A_34 {offsets = [0, 1, 0], sizes = [256, 1, 128], strides = [1, 1, 1]} : vector<256x16x128xf32> to vector<256x1x128xf32>
    %squeeze3A_36 = vector.shape_cast %slice3A_35 : vector<256x1x128xf32> to vector<256x128xf32>
    %max3A = arith.maximumf %squeeze3A, %squeeze3A_36 : vector<256x128xf32>
    %slice3A_37 = vector.extract_strided_slice %reshape3A_34 {offsets = [0, 2, 0], sizes = [256, 1, 128], strides = [1, 1, 1]} : vector<256x16x128xf32> to vector<256x1x128xf32>
    %squeeze3A_38 = vector.shape_cast %slice3A_37 : vector<256x1x128xf32> to vector<256x128xf32>
    %max3A_39 = arith.maximumf %max3A, %squeeze3A_38 : vector<256x128xf32>
    %slice3A_40 = vector.extract_strided_slice %reshape3A_34 {offsets = [0, 3, 0], sizes = [256, 1, 128], strides = [1, 1, 1]} : vector<256x16x128xf32> to vector<256x1x128xf32>
    %squeeze3A_41 = vector.shape_cast %slice3A_40 : vector<256x1x128xf32> to vector<256x128xf32>
    %max3A_42 = arith.maximumf %max3A_39, %squeeze3A_41 : vector<256x128xf32>
    %slice3A_43 = vector.extract_strided_slice %reshape3A_34 {offsets = [0, 4, 0], sizes = [256, 1, 128], strides = [1, 1, 1]} : vector<256x16x128xf32> to vector<256x1x128xf32>
    %squeeze3A_44 = vector.shape_cast %slice3A_43 : vector<256x1x128xf32> to vector<256x128xf32>
    %max3A_45 = arith.maximumf %max3A_42, %squeeze3A_44 : vector<256x128xf32>
    %slice3A_46 = vector.extract_strided_slice %reshape3A_34 {offsets = [0, 5, 0], sizes = [256, 1, 128], strides = [1, 1, 1]} : vector<256x16x128xf32> to vector<256x1x128xf32>
    %squeeze3A_47 = vector.shape_cast %slice3A_46 : vector<256x1x128xf32> to vector<256x128xf32>
    %max3A_48 = arith.maximumf %max3A_45, %squeeze3A_47 : vector<256x128xf32>
    %slice3A_49 = vector.extract_strided_slice %reshape3A_34 {offsets = [0, 6, 0], sizes = [256, 1, 128], strides = [1, 1, 1]} : vector<256x16x128xf32> to vector<256x1x128xf32>
    %squeeze3A_50 = vector.shape_cast %slice3A_49 : vector<256x1x128xf32> to vector<256x128xf32>
    %max3A_51 = arith.maximumf %max3A_48, %squeeze3A_50 : vector<256x128xf32>
    %slice3A_52 = vector.extract_strided_slice %reshape3A_34 {offsets = [0, 7, 0], sizes = [256, 1, 128], strides = [1, 1, 1]} : vector<256x16x128xf32> to vector<256x1x128xf32>
    %squeeze3A_53 = vector.shape_cast %slice3A_52 : vector<256x1x128xf32> to vector<256x128xf32>
    %max3A_54 = arith.maximumf %max3A_51, %squeeze3A_53 : vector<256x128xf32>
    %slice3A_55 = vector.extract_strided_slice %reshape3A_34 {offsets = [0, 8, 0], sizes = [256, 1, 128], strides = [1, 1, 1]} : vector<256x16x128xf32> to vector<256x1x128xf32>
    %squeeze3A_56 = vector.shape_cast %slice3A_55 : vector<256x1x128xf32> to vector<256x128xf32>
    %max3A_57 = arith.maximumf %max3A_54, %squeeze3A_56 : vector<256x128xf32>
    %slice3A_58 = vector.extract_strided_slice %reshape3A_34 {offsets = [0, 9, 0], sizes = [256, 1, 128], strides = [1, 1, 1]} : vector<256x16x128xf32> to vector<256x1x128xf32>
    %squeeze3A_59 = vector.shape_cast %slice3A_58 : vector<256x1x128xf32> to vector<256x128xf32>
    %max3A_60 = arith.maximumf %max3A_57, %squeeze3A_59 : vector<256x128xf32>
    %slice3A_61 = vector.extract_strided_slice %reshape3A_34 {offsets = [0, 10, 0], sizes = [256, 1, 128], strides = [1, 1, 1]} : vector<256x16x128xf32> to vector<256x1x128xf32>
    %squeeze3A_62 = vector.shape_cast %slice3A_61 : vector<256x1x128xf32> to vector<256x128xf32>
    %max3A_63 = arith.maximumf %max3A_60, %squeeze3A_62 : vector<256x128xf32>
    %slice3A_64 = vector.extract_strided_slice %reshape3A_34 {offsets = [0, 11, 0], sizes = [256, 1, 128], strides = [1, 1, 1]} : vector<256x16x128xf32> to vector<256x1x128xf32>
    %squeeze3A_65 = vector.shape_cast %slice3A_64 : vector<256x1x128xf32> to vector<256x128xf32>
    %max3A_66 = arith.maximumf %max3A_63, %squeeze3A_65 : vector<256x128xf32>
    %slice3A_67 = vector.extract_strided_slice %reshape3A_34 {offsets = [0, 12, 0], sizes = [256, 1, 128], strides = [1, 1, 1]} : vector<256x16x128xf32> to vector<256x1x128xf32>
    %squeeze3A_68 = vector.shape_cast %slice3A_67 : vector<256x1x128xf32> to vector<256x128xf32>
    %max3A_69 = arith.maximumf %max3A_66, %squeeze3A_68 : vector<256x128xf32>
    %slice3A_70 = vector.extract_strided_slice %reshape3A_34 {offsets = [0, 13, 0], sizes = [256, 1, 128], strides = [1, 1, 1]} : vector<256x16x128xf32> to vector<256x1x128xf32>
    %squeeze3A_71 = vector.shape_cast %slice3A_70 : vector<256x1x128xf32> to vector<256x128xf32>
    %max3A_72 = arith.maximumf %max3A_69, %squeeze3A_71 : vector<256x128xf32>
    %slice3A_73 = vector.extract_strided_slice %reshape3A_34 {offsets = [0, 14, 0], sizes = [256, 1, 128], strides = [1, 1, 1]} : vector<256x16x128xf32> to vector<256x1x128xf32>
    %squeeze3A_74 = vector.shape_cast %slice3A_73 : vector<256x1x128xf32> to vector<256x128xf32>
    %max3A_75 = arith.maximumf %max3A_72, %squeeze3A_74 : vector<256x128xf32>
    %slice3A_76 = vector.extract_strided_slice %reshape3A_34 {offsets = [0, 15, 0], sizes = [256, 1, 128], strides = [1, 1, 1]} : vector<256x16x128xf32> to vector<256x1x128xf32>
    %squeeze3A_77 = vector.shape_cast %slice3A_76 : vector<256x1x128xf32> to vector<256x128xf32>
    %max3A_78 = arith.maximumf %max3A_75, %squeeze3A_77 : vector<256x128xf32>
    %swap3A = arith.constant 0 : index
    %swap3A_79 = arith.constant 0 : index
    %swap3A_80 = vector.load %arg5[%swap3A, %swap3A_79] : memref<256x128xf32, #tpu.memory_space<vmem>>, vector<256x128xf32>
    tpu.vector_store %arg5[%swap3A, %swap3A_79], %max3A_78 {strides = array<i32>} : memref<256x128xf32, #tpu.memory_space<vmem>>, vector<256x128xf32>,
    return
  }
  func.func @transform_0(%arg0: i32) -> (i32, i32, i32) {
    %c0_i32 = arith.constant 0 : i32
    %c0_i32_0 = arith.constant 0 : i32
    %c0_i32_1 = arith.constant 0 : i32
    return %arg0, %c0_i32, %c0_i32_0 : i32, i32, i32
  }
  func.func @transform_1(%arg0: i32) -> (i32, i32) {
    %c0_i32 = arith.constant 0 : i32
    %c0_i32_0 = arith.constant 0 : i32
    return %arg0, %c0_i32 : i32, i32
  }
  func.func @transform_2(%arg0: i32) -> (i32, i32) {
    %c0_i32 = arith.constant 0 : i32
    %c0_i32_0 = arith.constant 0 : i32
    %c0_i32_1 = arith.constant 0 : i32
    return %c0_i32, %c0_i32_0 : i32, i32
  }
  func.func @transform_3(%arg0: i32) -> (i32, i32) {
    %c0_i32 = arith.constant 0 : i32
    %c0_i32_0 = arith.constant 0 : i32
    %c0_i32_1 = arith.constant 0 : i32
    return %c0_i32, %c0_i32_0 : i32, i32
  }
  func.func @transform_4(%arg0: i32) -> (i32, i32) {
    %c0_i32 = arith.constant 0 : i32
    %c0_i32_0 = arith.constant 0 : i32
    return %arg0, %c0_i32 : i32, i32
  }
}

</mosaic_0001>

<sc_bundles>
// kernel: kernel.14.cloned.1.call-start
scs
__scs_entry_jumppad:
0x0: {  	(pc) =	sbr.rel $0x88, $3  }
0x1: {  	(tag) =	ssettag $0x0;
	lr =	simm.s32 $0x1  }
0x2: {  	[smem:$0x3F9C] =	sst lr;
	_ =	strace $0xD0000000  }
0x3: {  	_ = 	snop  }
0x4: {  	_ = 	snop  }
0x5: {  	_ = 	snop  }
0x6: {  	_ = 	snop  }
0x7: {  	_ = 	snop  }
__scs_overlays_trampoline_lowered:
0x8: {  	[smem:$0x3FAB] =	sst s0  }
0x9: {  	[smem:$0x3FAC] =	sst s1  }
0xa: {  	[smem:$0x3FAD] =	sst s2  }
0xb: {  	[smem:$0x3FAE] =	sst s3  }
0xc: {  	[smem:$0x3FAF] =	sst s4  }
0xd: {  	[smem:$0x3FB0] =	sst s5  }
0xe: {  	[smem:$0x3FB1] =	sst s6  }
0xf: {  	[smem:$0x3FB2] =	sst s7  }
0x10: {  	[smem:$0x3FB3] =	sst s8  }
0x11: {  	[smem:$0x3FB4] =	sst s9;
	s0 =	simm.s32 @!p0 $0x0  }
0x12: {  	s1 =	sld [smem:$0x3F9A];
	s0 =	simm.s32 @p0 $0x1  }
0x13: {  	[smem:$0x3FB5] =	sst s0;
	s0 =	simm.s32 @!p1 $0x0  }
0x14: {  	s2 =	sld [smem:$0x3F99];
	s0 =	simm.s32 @p1 $0x1  }
0x15: {  	[smem:$0x3FB6] =	sst s0;
	s0 =	simm.s32 @!p2 $0x0  }
0x16: {  	s3 =	sld [smem:$0x3FDB];
	s0 =	simm.s32 @p2 $0x1  }
0x17: {  	s4 =	simm.s32 $0x1BF5;
	[smem:$0x3FB8] =	sst s0  }
0x18: {  	s0 =	sld [smem:$0x3F9B];
	_ =	swait.ge [sflag:s4], $0x0  }
0x19: {  	s7 =	sld [smem:$0x3F9C]  }
0x1a: {  	s8 =	sadd.s32 $0xFFFFE003, lr  }
0x1b: {  	s9 =	sadd.s32 $0xFFFFFEF7, lr;
	s5 =	simm.s32 $0xFFFFFFFF;
	p2 =	slt.u32 s8, $0xFFFFF086  }
0x1c: {  	p1 =	slt.u32 s9, $0xF7A;
	s5 =	simm.s32 @!p2 $0x0  }
0x1d: {  	s5 =	simm.s32 @p1 $0x1;
	p0 =	seq.s32 s7, s2  }
0x1e: {  	s7 =	smul.u32 @!p0 $0xF7A, s2;
	p2 =	seq.s32 @!p0 s5, $0x0  }
0x1f: {  	s9 =	smul.u32 $0xF7A, s1;
	s8 =	simm.s32 @!p0 $0x1BF5;
	p2 =	por !p2, p0  }
0x20: {  	[sflag:s8] =	ssyncset.s32 @!p0 $0xFFFFF086;
	s6 =	sadd.s32 @!p0 s3, s7;
	s7 =	simm.s32 @!p0 $0x108  }
0x21: {  	s3 =	sadd.s32 s3, s9;
	s6 =	sadd.s32 @!p0 $0x88, s6;
	s7 =	simm.s32 @p2 $0x1082  }
0x22: {  	[simem:s7], [sflag:s8] =	dma.local @!p0 [hbm:s6], $0xF7A  }
0x23: {  	s9 =	sor.u32 $0xD0000000, s2;
	s6 =	simm.s32 $0x108;
	_ =	swait.ge @!p0 [sflag:s8], $0x0  }
0x24: {  	s3 =	sadd.s32 $0x88, s3;
	s6 =	simm.s32 @!p1 $0x1082;
	[sflag:s4] =	ssyncset.s32 $0xFFFFF086  }
0x25: {  	[simem:s6], [sflag:s4] =	dma.local [hbm:s3], $0xF7A  }
0x26: {  	[smem:$0x3F9C] =	sst s1;
	(tag) =	ssettag s2;
	_ =	strace s9  }
0x27: {  	s1 =	sld [smem:$0x3FAC]  }
0x28: {  	s2 =	sld [smem:$0x3FAD]  }
0x29: {  	s4 =	sld [smem:$0x3FAF]  }
0x2a: {  	p0 =	seq.s32 s5, $0x0;
	s5 =	sld [smem:$0x3FB0]  }
0x2b: {  	s6 =	sld [smem:$0x3FB1]  }
0x2c: {  	s7 =	sld [smem:$0x3FB2]  }
0x2d: {  	s3 =	simm.s32 $0x108;
	s8 =	sld [smem:$0x3FB3]  }
0x2e: {  	s3 =	simm.s32 @!p0 $0x1082;
	s9 =	sld [smem:$0x3FB4]  }
0x2f: {  	lr =	sadd.s32 s0, s3;
	s0 =	sld [smem:$0x3FAB]  }
0x30: {  	s3 =	sld [smem:$0x3FAE]  }
0x31: {  	[smem:$0x3FB7] =	sst s10  }
0x32: {  	s10 =	sld [smem:$0x3FB5];
	_ =	sdelay $0x3  }
0x33: {  	p0 =	seq.s32 s10, $0x1;
	s10 =	sld [smem:$0x3FB7];
	_ =	sdelay $0x3  }
0x34: {  	[smem:$0x3FB7] =	sst s10  }
0x35: {  	s10 =	sld [smem:$0x3FB6];
	_ =	sdelay $0x3  }
0x36: {  	p1 =	seq.s32 s10, $0x1;
	s10 =	sld [smem:$0x3FB7];
	_ =	sdelay $0x3  }
0x37: {  	[smem:$0x3FB7] =	sst s10  }
0x38: {  	s10 =	sld [smem:$0x3FB8]  }
0x39: {  	_ = 	snop;
	(pc) =	sbr.ind lr, $3  }
0x3a: {  	_ = 	snop  }
0x3b: {  	_ = 	snop  }
0x3c: {  	p2 =	seq.s32 s10, $0x1;
	s10 =	sld [smem:$0x3FB7]  }
0x3d: {  	_ =	shalt  }
0x3e: {  	_ =	shalt  }
0x3f: {  	_ =	shalt  }
0x40: {  	_ =	shalt  }
0x41: {  	_ =	shalt  }
0x42: {  	_ =	shalt  }
0x43: {  	_ =	shalt  }
0x44: {  	_ =	shalt  }
0x45: {  	_ =	shalt  }
0x46: {  	_ =	shalt  }
0x47: {  	_ =	shalt  }
0x48: {  	_ =	shalt  }
0x49: {  	_ =	shalt  }
0x4a: {  	_ =	shalt  }
0x4b: {  	_ =	shalt  }
0x4c: {  	_ =	shalt  }
0x4d: {  	_ =	shalt  }
0x4e: {  	_ =	shalt  }
0x4f: {  	_ =	shalt  }
0x50: {  	_ =	shalt  }
0x51: {  	_ =	shalt  }
0x52: {  	_ =	shalt  }
0x53: {  	_ =	shalt  }
0x54: {  	_ =	shalt  }
0x55: {  	_ =	shalt  }
0x56: {  	_ =	shalt  }
0x57: {  	_ =	shalt  }
0x58: {  	_ =	shalt  }
0x59: {  	_ =	shalt  }
0x5a: {  	_ =	shalt  }
0x5b: {  	_ =	shalt  }
0x5c: {  	_ =	shalt  }
0x5d: {  	_ =	shalt  }
0x5e: {  	_ =	shalt  }
0x5f: {  	_ =	shalt  }
0x60: {  	_ =	shalt  }
0x61: {  	_ =	shalt  }
0x62: {  	_ =	shalt  }
0x63: {  	_ =	shalt  }
0x64: {  	_ =	shalt  }
0x65: {  	_ =	shalt  }
0x66: {  	_ =	shalt  }
0x67: {  	_ =	shalt  }
0x68: {  	_ =	shalt  }
0x69: {  	_ =	shalt  }
0x6a: {  	_ =	shalt  }
0x6b: {  	_ =	shalt  }
0x6c: {  	_ =	shalt  }
0x6d: {  	_ =	shalt  }
0x6e: {  	_ =	shalt  }
0x6f: {  	_ =	shalt  }
0x70: {  	_ =	shalt  }
0x71: {  	_ =	shalt  }
0x72: {  	_ =	shalt  }
0x73: {  	_ =	shalt  }
0x74: {  	_ =	shalt  }
0x75: {  	_ =	shalt  }
0x76: {  	_ =	shalt  }
0x77: {  	_ =	shalt  }
0x78: {  	_ =	shalt  }
0x79: {  	_ =	shalt  }
0x7a: {  	_ =	shalt  }
0x7b: {  	_ =	shalt  }
0x7c: {  	_ =	shalt  }
0x7d: {  	_ =	shalt  }
0x7e: {  	_ =	shalt  }
0x7f: {  	_ =	shalt  }
0x80: {  	_ =	shalt  }
0x81: {  	_ =	shalt  }
0x82: {  	_ =	shalt  }
0x83: {  	_ =	shalt  }
0x84: {  	_ =	shalt  }
0x85: {  	_ =	shalt  }
0x86: {  	_ =	shalt  }
0x87: {  	_ =	shalt  }
.Lfunc_end0:
.L_simem_size_0:
called_computation_lowered:
.L_overlay_start_0:
0x88: {  	s2 =	sld [smem:$0x3FD9]  }
0x89: {  	s3 =	sld [smem:$0x3FFE];
	_ =	sdelay $0x1  }
0x8a: {  	s1 =	srdreg.scid  }
0x8b: {  	s0 =	sand.u32 $0x1, s1  }
0x8c: {  	s16 =	sshll.u32 s0, $0xA;
	s2 =	sadd.s32 s3, s2  }
0x8d: {  	s2 =	sadd.s32 s2, s16  }
0x8e: {  	[smem:$0x3FC3] =	sst s2  }
0x8f: {  	_ = 	snop  }
0x90: {  	(tm) =	ssettm $0x1  }
0x91: {  	s17 =	sld [smem:$0x3FFB];
	_ =	sdelay $0x3  }
0x92: {  	_ =	strace s17  }
0x93: {  	s2 =	sld [smem:$0x3FFC];
	_ =	sdelay $0x3  }
0x94: {  	_ =	strace s2  }
0x95: {  	s2 =	sld [smem:$0x3FFD];
	_ =	sdelay $0x3  }
0x96: {  	_ =	strace s2  }
0x97: {  	_ =	strace $0x8FFFFFFF  }
0x98: {  	s18 =	sld [smem:$0x3FDB];
	_ =	sdelay $0x1  }
0x99: {  	s19 =	simm.s32 $_scs_section_size  }
0x9a: {  	s4 =	simm.s32 $_size__tile_overlayer_lowered;
	s5 =	simm.s32 $_tile_overlayer_lowered  }
0x9b: {  	s22 =	simm.s32 $0x1BFF;
	s21 =	sshll.u32 s5, $0x1;
	s2 =	sadd.s32 s19, s18  }
0x9c: {  	s6 =	simm.s32 $0x0;
	s20 =	sshll.u32 s4, $0x1;
	s4 =	sadd.s32 s21, s2  }
0x9d: {  	[timem:s6], [sflag:s22] =	dma.local [hbm:s4], s20  }
0x9e: {  	_ =	swait.ge [sflag:s22], s20  }
0x9f: {  	s3 =	ssub.s32 $0x0, s20;
	[sflag:s22] =	ssyncset.done $0x0  }
0xa0: {  	[sflag:s22] =	ssyncadd.s32 s3;
	_ =	sdelay $0x1  }
0xa1: {  	s23 =	simm.s32 $0x1B8B  }
0xa2: {  	_ =	swait.ge [sflag:s23], $0x1  }
0xa3: {  	[sflag:s23] =	ssyncset.done $0x0  }
0xa4: {  	s25 =	simm.s32 $0x1B8E;
	s24 =	sld [smem:$0x3FFE];
	[sflag:s23] =	ssyncadd.s32 $0xFFFFFFFF  }
0xa5: {  	s26 =	simm.s32 $execute0_lowered;
	[smem:$0x3FD2] =	sst s25  }
0xa6: {  	s4 =	sshll.u32 s26, $0x1;
	_ =	strace $0x80000046;
	[dreg:$0x1] =	wrdreg $0xFFFFFFFF  }
0xa7: {  	s28 =	simm.s32 $_size_execute0_lowered;
	s2 =	sadd.s32 s2, s4;
	[dreg:$0x0] =	wrdreg $0x0  }
0xa8: {  	s4 =	sshll.u32 s28, $0x1;
	[dreg:$0x2] =	wrdreg s2  }
0xa9: {  	[dreg:$0x3] =	wrdreg s4  }
0xaa: {  	[dreg:$0x4] =	wrdreg $0xC0  }
0xab: {  	_ =	task [dreg:s6], $0x5FFFF  }
0xac: {  	[dreg:$0x1] =	wrdreg $0xFFFFFFFF  }
0xad: {  	[dreg:$0x0] =	wrdreg $0x60  }
0xae: {  	[dreg:$0x2] =	wrdreg s24  }
0xaf: {  	[dreg:$0x3] =	wrdreg $0x9  }
0xb0: {  	_ =	task.clear_ibuf [dreg:s6], $0x4FFFF;
	_ =	strace $0x90000046  }
0xb1: {  	s29 =	simm.s32 $0x9;
	_ =	strace $0x80000048  }
0xb2: {  	_ =	swait.ge [sflag:s29], $0x1  }
0xb3: {  	[sflag:s29] =	ssyncadd.s32 $0xFFFFFFFF  }
0xb4: {  	_ =	strace $0x90000048  }
0xb5: {  	_ =	sfence  }
0xb6: {  	s30 =	sld [smem:$0x0];
	_ =	sdelay $0x2  }
0xb7: {  	s31 =	sshll.u32 s1, $0xD;
	s1 =	sshrl.u32 s1, $0x2  }
0xb8: {  	s3 =	sand.u32 $0x4000, s31;
	s1 =	sadd.s32 s1, s30  }
0xb9: {  	s0 =	sor.u32 s3, s0;
	s1 =	sshll.u32 s1, $0x11  }
0xba: {  	s0 =	sor.u32 s1, s0  }
0xbb: {  	s0 =	sadd.s32 $0x8F2B, s0  }
0xbc: {  	[sflag:s0] =	ssyncadd.remote.s32 $0x1  }
0xbd: {  	_ =	sfence.sel $0xFFFF  }
0xbe: {  	[dreg:$0x0] =	wrdreg $0xFFFFFFFF;
	(pc) =	sbr.abs _section_cstart, $3  }
0xbf: {  	[dreg:$0x1] =	wrdreg $0xFFFFFFFF  }
0xc0: {  	_ =	task.clear_ibuf [dreg:s6], $0x2FFFF;
	_ =	strace $0x9FFFFFFF  }
0xc1: {  	(tm) =	ssettm $0x7FFFFFFF  }
tec
execute0_lowered:
.L_overlay_start_1:
0x0: {  	(tag) =	ssettag $0x1  }
0x1: {  	s1 =	srdreg.scid  }
0x2: {  	s0 =	stileid.u32;
	s30 =	sand.u32 $0x1, s1  }
0x3: {  	s26 =	sshll.u32 s0, $0xC;
	s2 =	sshll.u32 s30, $0xB  }
0x4: {  	s15 =	sor.u32 s2, s26  }
0x5: {  	s14 =	rddreg [dreg:$0x0];
	s2 =	simm.s32 $0x0;
	s3 =	sshrl.u32 s15, $0x3  }
0x6: {  	[smem:$0x7FF] =	sst s2;
	s3 =	sadd.s32 s3, s14  }
0x7: {  	_ =	strace $0x80000047;
	s4 =	sadd.s32 $0x23600, s3;
	s3 =	simm.s32 $0x2  }
0x8: {  	[tilespmem:s2], [sflag:$0x2] =	stream.linear.gather [hbm4b:s4+s2], $0x800, $0x38;
	[tilespmem:$0x10800] =	vst v63  }
0x9: {  	_ =	swait.ge [sflag:s3], $0x800  }
0xa: {  	s6 =	simm.s32 $0x80;
	[sflag:s3] =	ssyncset.done $0x0  }
0xb: {  	s7 =	simm.s32 $0x800;
	s5 =	sadd.s32 $0x3600, s14;
	[sflag:s3] =	ssyncadd.s32 $0xFFFFF800  }
0xc: {  	[tilespmem:s7], [sflag:$0x1] =	stream.indirect.gather [hbm4b:s5+s6], $0x80, s2, s6, $0xb8;
	[tilespmem:$0x10800] =	vst v63  }
0xd: {  	s8 =	simm.s32 $0x4800  }
0xe: {  	[tilespmem:s8], [sflag:$0x1] =	stream.indirect.gather [hbm4b:s5+s6], $0x80, s6, s6, $0xb8;
	[tilespmem:$0x10800] =	vst v63  }
0xf: {  	s9 =	simm.s32 $0x100;
	s10 =	simm.s32 $0x8800  }
0x10: {  	[tilespmem:s10], [sflag:$0x1] =	stream.indirect.gather [hbm4b:s5+s6], $0x80, s9, s6, $0xb8;
	[tilespmem:$0x10800] =	vst v63  }
0x11: {  	s11 =	simm.s32 $0x180;
	s12 =	simm.s32 $0xC800;
	s13 =	simm.s32 $0x1  }
0x12: {  	[tilespmem:s12], [sflag:$0x1] =	stream.indirect.gather [hbm4b:s5+s6], $0x80, s11, s6, $0xb8;
	[tilespmem:$0x10800] =	vst v63  }
0x13: {  	_ =	swait.ge [sflag:s13], $0x4000  }
0x14: {  	[sflag:s13] =	ssyncset.done $0x0  }
0x15: {  	[sflag:s13] =	ssyncadd.s32 $0xFFFFC000  }
0x16: {  	_ =	swait.ge [sflag:s13], $0x4000  }
0x17: {  	[sflag:s13] =	ssyncset.done $0x0  }
0x18: {  	[sflag:s13] =	ssyncadd.s32 $0xFFFFC000  }
0x19: {  	_ =	swait.ge [sflag:s13], $0x4000  }
0x1a: {  	[sflag:s13] =	ssyncset.done $0x0  }
0x1b: {  	[sflag:s13] =	ssyncadd.s32 $0xFFFFC000  }
0x1c: {  	s15 =	sshll.u32 s15, $0x4;
	_ =	swait.ge [sflag:s13], $0x4000  }
0x1d: {  	s31 =	sadd.s32 s15, s14;
	[sflag:s13] =	ssyncset.done $0x0  }
0x1e: {  	s14 =	sadd.s32 $0x25600, s31;
	[sflag:s13] =	ssyncadd.s32 $0xFFFFC000  }
0x1f: {  	[hbm4b:s14+s2] =	stream.linear.scatter [tilespmem:s7], [sflag:$0x2], $0x10000, $0x38;
	[tilespmem:$0x10800] =	vst v63  }
0x20: {  	_ =	swait.ge [sflag:s3], $0x10000  }
0x21: {  	[sflag:s3] =	ssyncset.done $0x0  }
0x22: {  	s15 =	simm.s32 $0x200;
	[sflag:s3] =	ssyncadd.s32 $0xFFFF0000  }
0x23: {  	[tilespmem:s7], [sflag:$0x1] =	stream.indirect.gather [hbm4b:s5+s6], $0x80, s15, s6, $0xb8;
	[tilespmem:$0x10800] =	vst v63  }
0x24: {  	s16 =	simm.s32 $0x280  }
0x25: {  	[tilespmem:s8], [sflag:$0x1] =	stream.indirect.gather [hbm4b:s5+s6], $0x80, s16, s6, $0xb8;
	[tilespmem:$0x10800] =	vst v63  }
0x26: {  	s17 =	simm.s32 $0x300  }
0x27: {  	[tilespmem:s10], [sflag:$0x1] =	stream.indirect.gather [hbm4b:s5+s6], $0x80, s17, s6, $0xb8;
	[tilespmem:$0x10800] =	vst v63  }
0x28: {  	s18 =	simm.s32 $0x380  }
0x29: {  	[tilespmem:s12], [sflag:$0x1] =	stream.indirect.gather [hbm4b:s5+s6], $0x80, s18, s6, $0xb8;
	[tilespmem:$0x10800] =	vst v63  }
0x2a: {  	_ =	swait.ge [sflag:s13], $0x4000  }
0x2b: {  	[sflag:s13] =	ssyncset.done $0x0  }
0x2c: {  	[sflag:s13] =	ssyncadd.s32 $0xFFFFC000  }
0x2d: {  	_ =	swait.ge [sflag:s13], $0x4000  }
0x2e: {  	[sflag:s13] =	ssyncset.done $0x0  }
0x2f: {  	[sflag:s13] =	ssyncadd.s32 $0xFFFFC000  }
0x30: {  	_ =	swait.ge [sflag:s13], $0x4000  }
0x31: {  	[sflag:s13] =	ssyncset.done $0x0  }
0x32: {  	[sflag:s13] =	ssyncadd.s32 $0xFFFFC000  }
0x33: {  	_ =	swait.ge [sflag:s13], $0x4000  }
0x34: {  	[sflag:s13] =	ssyncset.done $0x0  }
0x35: {  	s19 =	sadd.s32 $0x27600, s31;
	[sflag:s13] =	ssyncadd.s32 $0xFFFFC000  }
0x36: {  	[hbm4b:s19+s2] =	stream.linear.scatter [tilespmem:s7], [sflag:$0x2], $0x10000, $0x38;
	[tilespmem:$0x10800] =	vst v63  }
0x37: {  	_ =	swait.ge [sflag:s3], $0x10000  }
0x38: {  	[sflag:s3] =	ssyncset.done $0x0  }
0x39: {  	s20 =	simm.s32 $0x400;
	[sflag:s3] =	ssyncadd.s32 $0xFFFF0000  }
0x3a: {  	[tilespmem:s7], [sflag:$0x1] =	stream.indirect.gather [hbm4b:s5+s6], $0x80, s20, s6, $0xb8;
	[tilespmem:$0x10800] =	vst v63  }
0x3b: {  	s21 =	simm.s32 $0x480  }
0x3c: {  	[tilespmem:s8], [sflag:$0x1] =	stream.indirect.gather [hbm4b:s5+s6], $0x80, s21, s6, $0xb8;
	[tilespmem:$0x10800] =	vst v63  }
0x3d: {  	s22 =	simm.s32 $0x500  }
0x3e: {  	[tilespmem:s10], [sflag:$0x1] =	stream.indirect.gather [hbm4b:s5+s6], $0x80, s22, s6, $0xb8;
	[tilespmem:$0x10800] =	vst v63  }
0x3f: {  	s23 =	simm.s32 $0x580  }
0x40: {  	[tilespmem:s12], [sflag:$0x1] =	stream.indirect.gather [hbm4b:s5+s6], $0x80, s23, s6, $0xb8;
	[tilespmem:$0x10800] =	vst v63  }
0x41: {  	_ =	swait.ge [sflag:s13], $0x4000  }
0x42: {  	[sflag:s13] =	ssyncset.done $0x0  }
0x43: {  	[sflag:s13] =	ssyncadd.s32 $0xFFFFC000  }
0x44: {  	_ =	swait.ge [sflag:s13], $0x4000  }
0x45: {  	[sflag:s13] =	ssyncset.done $0x0  }
0x46: {  	[sflag:s13] =	ssyncadd.s32 $0xFFFFC000  }
0x47: {  	_ =	swait.ge [sflag:s13], $0x4000  }
0x48: {  	[sflag:s13] =	ssyncset.done $0x0  }
0x49: {  	[sflag:s13] =	ssyncadd.s32 $0xFFFFC000  }
0x4a: {  	_ =	swait.ge [sflag:s13], $0x4000  }
0x4b: {  	[sflag:s13] =	ssyncset.done $0x0  }
0x4c: {  	s24 =	sadd.s32 $0x29600, s31;
	[sflag:s13] =	ssyncadd.s32 $0xFFFFC000  }
0x4d: {  	[hbm4b:s24+s2] =	stream.linear.scatter [tilespmem:s7], [sflag:$0x2], $0x10000, $0x38;
	[tilespmem:$0x10800] =	vst v63  }
0x4e: {  	_ =	swait.ge [sflag:s3], $0x10000  }
0x4f: {  	[sflag:s3] =	ssyncset.done $0x0  }
0x50: {  	s25 =	simm.s32 $0x600;
	[sflag:s3] =	ssyncadd.s32 $0xFFFF0000  }
0x51: {  	[tilespmem:s7], [sflag:$0x1] =	stream.indirect.gather [hbm4b:s5+s6], $0x80, s25, s6, $0xb8;
	[tilespmem:$0x10800] =	vst v63  }
0x52: {  	s26 =	simm.s32 $0x680  }
0x53: {  	[tilespmem:s8], [sflag:$0x1] =	stream.indirect.gather [hbm4b:s5+s6], $0x80, s26, s6, $0xb8;
	[tilespmem:$0x10800] =	vst v63  }
0x54: {  	s28 =	simm.s32 $0x700  }
0x55: {  	[tilespmem:s10], [sflag:$0x1] =	stream.indirect.gather [hbm4b:s5+s6], $0x80, s28, s6, $0xb8;
	[tilespmem:$0x10800] =	vst v63  }
0x56: {  	s29 =	simm.s32 $0x780  }
0x57: {  	[tilespmem:s12], [sflag:$0x1] =	stream.indirect.gather [hbm4b:s5+s6], $0x80, s29, s6, $0xb8;
	[tilespmem:$0x10800] =	vst v63  }
0x58: {  	_ =	swait.ge [sflag:s13], $0x4000  }
0x59: {  	[sflag:s13] =	ssyncset.done $0x0  }
0x5a: {  	[sflag:s13] =	ssyncadd.s32 $0xFFFFC000  }
0x5b: {  	_ =	swait.ge [sflag:s13], $0x4000  }
0x5c: {  	[sflag:s13] =	ssyncset.done $0x0  }
0x5d: {  	s30 =	ssub.s32 $0x2, s30;
	[sflag:s13] =	ssyncadd.s32 $0xFFFFC000  }
0x5e: {  	s1 =	sshrl.u32 s30, $0x1;
	_ =	swait.ge [sflag:s13], $0x4000  }
0x5f: {  	s1 =	ssub.s32 s30, s1;
	[sflag:s13] =	ssyncset.done $0x0  }
0x60: {  	s1 =	smax.u32 s1, $0x1;
	[sflag:s13] =	ssyncadd.s32 $0xFFFFC000  }
0x61: {  	p0 =	sne.s32 s1, $0x1;
	_ =	swait.ge [sflag:s13], $0x4000  }
.Ltmp0:
0x62: {  	[sflag:s13] =	ssyncset.done $0x0;
	(pc) =	sbr.rel @!p0 .LBB2_2-.Ltmp0, $4  }
0x63: {  	s30 =	sadd.s32 $0x2B600, s31;
	[sflag:s13] =	ssyncadd.s32 $0xFFFFC000  }
0x64: {  	[hbm4b:s30+s2] =	stream.linear.scatter [tilespmem:s7], [sflag:$0x2], $0x10000, $0x38;
	[tilespmem:$0x10800] =	vst v63  }
0x65: {  	_ =	swait.ge [sflag:s3], $0x10000  }
0x66: {  	s31 =	sadd.s32 $0xFFFFFFFF, s1;
	[sflag:s3] =	ssyncset.done $0x0  }
.LBB2_1:
0x67: {  	p0 =	sne.s32 s31, $0x1;
	s31 =	sadd.s32 $0xFFFFFFFF, s31;
	[sflag:s3] =	ssyncadd.s32 $0xFFFF0000  }
0x68: {  	[tilespmem:s2], [sflag:$0x2] =	stream.linear.gather [hbm4b:s4+s2], $0x800, $0x38;
	[tilespmem:$0x10800] =	vst v63  }
0x69: {  	_ =	swait.ge [sflag:s3], $0x800  }
0x6a: {  	[sflag:s3] =	ssyncset.done $0x0  }
0x6b: {  	[sflag:s3] =	ssyncadd.s32 $0xFFFFF800  }
0x6c: {  	[tilespmem:s7], [sflag:$0x1] =	stream.indirect.gather [hbm4b:s5+s6], $0x80, s2, s6, $0xb8;
	[tilespmem:$0x10800] =	vst v63  }
0x6d: {  	_ = 	snop  }
0x6e: {  	[tilespmem:s8], [sflag:$0x1] =	stream.indirect.gather [hbm4b:s5+s6], $0x80, s6, s6, $0xb8;
	[tilespmem:$0x10800] =	vst v63  }
0x6f: {  	_ = 	snop  }
0x70: {  	[tilespmem:s10], [sflag:$0x1] =	stream.indirect.gather [hbm4b:s5+s6], $0x80, s9, s6, $0xb8;
	[tilespmem:$0x10800] =	vst v63  }
0x71: {  	_ = 	snop  }
0x72: {  	[tilespmem:s12], [sflag:$0x1] =	stream.indirect.gather [hbm4b:s5+s6], $0x80, s11, s6, $0xb8;
	[tilespmem:$0x10800] =	vst v63  }
0x73: {  	_ =	swait.ge [sflag:s13], $0x4000  }
0x74: {  	[sflag:s13] =	ssyncset.done $0x0  }
0x75: {  	[sflag:s13] =	ssyncadd.s32 $0xFFFFC000  }
0x76: {  	_ =	swait.ge [sflag:s13], $0x4000  }
0x77: {  	[sflag:s13] =	ssyncset.done $0x0  }
0x78: {  	[sflag:s13] =	ssyncadd.s32 $0xFFFFC000  }
0x79: {  	_ =	swait.ge [sflag:s13], $0x4000  }
0x7a: {  	[sflag:s13] =	ssyncset.done $0x0  }
0x7b: {  	[sflag:s13] =	ssyncadd.s32 $0xFFFFC000  }
0x7c: {  	_ =	swait.ge [sflag:s13], $0x4000  }
0x7d: {  	[sflag:s13] =	ssyncset.done $0x0  }
0x7e: {  	[sflag:s13] =	ssyncadd.s32 $0xFFFFC000  }
0x7f: {  	[hbm4b:s14+s2] =	stream.linear.scatter [tilespmem:s7], [sflag:$0x2], $0x10000, $0x38;
	[tilespmem:$0x10800] =	vst v63  }
0x80: {  	_ =	swait.ge [sflag:s3], $0x10000  }
0x81: {  	[sflag:s3] =	ssyncset.done $0x0  }
0x82: {  	[sflag:s3] =	ssyncadd.s32 $0xFFFF0000  }
0x83: {  	[tilespmem:s7], [sflag:$0x1] =	stream.indirect.gather [hbm4b:s5+s6], $0x80, s15, s6, $0xb8;
	[tilespmem:$0x10800] =	vst v63  }
0x84: {  	_ = 	snop  }
0x85: {  	[tilespmem:s8], [sflag:$0x1] =	stream.indirect.gather [hbm4b:s5+s6], $0x80, s16, s6, $0xb8;
	[tilespmem:$0x10800] =	vst v63  }
0x86: {  	_ = 	snop  }
0x87: {  	[tilespmem:s10], [sflag:$0x1] =	stream.indirect.gather [hbm4b:s5+s6], $0x80, s17, s6, $0xb8;
	[tilespmem:$0x10800] =	vst v63  }
0x88: {  	_ = 	snop  }
0x89: {  	[tilespmem:s12], [sflag:$0x1] =	stream.indirect.gather [hbm4b:s5+s6], $0x80, s18, s6, $0xb8;
	[tilespmem:$0x10800] =	vst v63  }
0x8a: {  	_ =	swait.ge [sflag:s13], $0x4000  }
0x8b: {  	[sflag:s13] =	ssyncset.done $0x0  }
0x8c: {  	[sflag:s13] =	ssyncadd.s32 $0xFFFFC000  }
0x8d: {  	_ =	swait.ge [sflag:s13], $0x4000  }
0x8e: {  	[sflag:s13] =	ssyncset.done $0x0  }
0x8f: {  	[sflag:s13] =	ssyncadd.s32 $0xFFFFC000  }
0x90: {  	_ =	swait.ge [sflag:s13], $0x4000  }
0x91: {  	[sflag:s13] =	ssyncset.done $0x0  }
0x92: {  	[sflag:s13] =	ssyncadd.s32 $0xFFFFC000  }
0x93: {  	_ =	swait.ge [sflag:s13], $0x4000  }
0x94: {  	[sflag:s13] =	ssyncset.done $0x0  }
0x95: {  	[sflag:s13] =	ssyncadd.s32 $0xFFFFC000  }
0x96: {  	[hbm4b:s19+s2] =	stream.linear.scatter [tilespmem:s7], [sflag:$0x2], $0x10000, $0x38;
	[tilespmem:$0x10800] =	vst v63  }
0x97: {  	_ =	swait.ge [sflag:s3], $0x10000  }
0x98: {  	[sflag:s3] =	ssyncset.done $0x0  }
0x99: {  	[sflag:s3] =	ssyncadd.s32 $0xFFFF0000  }
0x9a: {  	[tilespmem:s7], [sflag:$0x1] =	stream.indirect.gather [hbm4b:s5+s6], $0x80, s20, s6, $0xb8;
	[tilespmem:$0x10800] =	vst v63  }
0x9b: {  	_ = 	snop  }
0x9c: {  	[tilespmem:s8], [sflag:$0x1] =	stream.indirect.gather [hbm4b:s5+s6], $0x80, s21, s6, $0xb8;
	[tilespmem:$0x10800] =	vst v63  }
0x9d: {  	_ = 	snop  }
0x9e: {  	[tilespmem:s10], [sflag:$0x1] =	stream.indirect.gather [hbm4b:s5+s6], $0x80, s22, s6, $0xb8;
	[tilespmem:$0x10800] =	vst v63  }
0x9f: {  	_ = 	snop  }
0xa0: {  	[tilespmem:s12], [sflag:$0x1] =	stream.indirect.gather [hbm4b:s5+s6], $0x80, s23, s6, $0xb8;
	[tilespmem:$0x10800] =	vst v63  }
0xa1: {  	_ =	swait.ge [sflag:s13], $0x4000  }
0xa2: {  	[sflag:s13] =	ssyncset.done $0x0  }
0xa3: {  	[sflag:s13] =	ssyncadd.s32 $0xFFFFC000  }
0xa4: {  	_ =	swait.ge [sflag:s13], $0x4000  }
0xa5: {  	[sflag:s13] =	ssyncset.done $0x0  }
0xa6: {  	[sflag:s13] =	ssyncadd.s32 $0xFFFFC000  }
0xa7: {  	_ =	swait.ge [sflag:s13], $0x4000  }
0xa8: {  	[sflag:s13] =	ssyncset.done $0x0  }
0xa9: {  	[sflag:s13] =	ssyncadd.s32 $0xFFFFC000  }
0xaa: {  	_ =	swait.ge [sflag:s13], $0x4000  }
0xab: {  	[sflag:s13] =	ssyncset.done $0x0  }
0xac: {  	[sflag:s13] =	ssyncadd.s32 $0xFFFFC000  }
0xad: {  	[hbm4b:s24+s2] =	stream.linear.scatter [tilespmem:s7], [sflag:$0x2], $0x10000, $0x38;
	[tilespmem:$0x10800] =	vst v63  }
0xae: {  	_ =	swait.ge [sflag:s3], $0x10000  }
0xaf: {  	[sflag:s3] =	ssyncset.done $0x0  }
0xb0: {  	[sflag:s3] =	ssyncadd.s32 $0xFFFF0000  }
0xb1: {  	[tilespmem:s7], [sflag:$0x1] =	stream.indirect.gather [hbm4b:s5+s6], $0x80, s25, s6, $0xb8;
	[tilespmem:$0x10800] =	vst v63  }
0xb2: {  	_ = 	snop  }
0xb3: {  	[tilespmem:s8], [sflag:$0x1] =	stream.indirect.gather [hbm4b:s5+s6], $0x80, s26, s6, $0xb8;
	[tilespmem:$0x10800] =	vst v63  }
0xb4: {  	_ = 	snop  }
0xb5: {  	[tilespmem:s10], [sflag:$0x1] =	stream.indirect.gather [hbm4b:s5+s6], $0x80, s28, s6, $0xb8;
	[tilespmem:$0x10800] =	vst v63  }
0xb6: {  	_ = 	snop  }
0xb7: {  	[tilespmem:s12], [sflag:$0x1] =	stream.indirect.gather [hbm4b:s5+s6], $0x80, s29, s6, $0xb8;
	[tilespmem:$0x10800] =	vst v63  }
0xb8: {  	_ =	swait.ge [sflag:s13], $0x4000  }
0xb9: {  	[sflag:s13] =	ssyncset.done $0x0  }
0xba: {  	[sflag:s13] =	ssyncadd.s32 $0xFFFFC000  }
0xbb: {  	_ =	swait.ge [sflag:s13], $0x4000  }
0xbc: {  	[sflag:s13] =	ssyncset.done $0x0  }
0xbd: {  	[sflag:s13] =	ssyncadd.s32 $0xFFFFC000  }
0xbe: {  	_ =	swait.ge [sflag:s13], $0x4000  }
0xbf: {  	[sflag:s13] =	ssyncset.done $0x0  }
0xc0: {  	[sflag:s13] =	ssyncadd.s32 $0xFFFFC000  }
0xc1: {  	_ =	swait.ge [sflag:s13], $0x4000  }
.Ltmp1:
0xc2: {  	[sflag:s13] =	ssyncset.done $0x0;
	(pc) =	sbr.rel @p0 .LBB2_1-.Ltmp1, $4  }
0xc3: {  	[sflag:s13] =	ssyncadd.s32 $0xFFFFC000  }
0xc4: {  	[hbm4b:s30+s2] =	stream.linear.scatter [tilespmem:s7], [sflag:$0x2], $0x10000, $0x38;
	[tilespmem:$0x10800] =	vst v63  }
0xc5: {  	_ =	swait.ge [sflag:s3], $0x10000  }
0xc6: {  	[sflag:s3] =	ssyncset.done $0x0  }
.LBB2_2:
0xc7: {  	[sflag:s3] =	ssyncadd.s32 $0xFFFF0000  }
0xc8: {  	_ =	sfence.sel $0x180000  }
0xc9: {  	[bflag:$0x0] =	sbarrier.arrive $0xFFFF  }
0xca: {  	_ =	strace $0x90000047  }
0xcb: {  	[bflag:$0x2] =	sbarrier.arrive $0xFFFF  }
0xcc: {  	p0 =	sne.s32 s0, $0x0;
	s0 =	rddreg [dreg:$0x1]  }
0xcd: {  	s0 =	sadd.s32 @!p0 $0x100000, s0  }
0xce: {  	[sflag:s0] =	ssyncadd.tile.s32 @!p0 $0x1;
	_ =	shalt  }
.Lfunc_end2:
_tile_overlayer_lowered:
.L_overlay_start_2:
0xcf: {  	(tag) =	ssettag $0x2  }
0xd0: {  	s0 =	rddreg [dreg:$0x0];
	s2 =	stileid.u32  }
0xd1: {  	s1 =	rddreg [dreg:$0x1];
	p0 =	sne.s32 s2, $0x0  }
0xd2: {  	s3 =	rddreg [dreg:$0x2];
	[bflag:$0x3] =	sbarrier.arrive $0xFFFF;
	s2 =	simm.s32 @!p0 $0x1C02  }
0xd3: {  	[timem:s3], [sflag:s2] =	dma.local @!p0 [hbm:s0], s1  }
0xd4: {  	s0 =	simm.s32 @!p0 $0x2  }
0xd5: {  	_ =	swait.ge @!p0 [sflag:s0], s1  }
0xd6: {  	s1 =	ssub.s32 @!p0 $0x0, s1;
	[sflag:s0] =	ssyncset.done @!p0 $0x0  }
0xd7: {  	[sflag:s0] =	ssyncadd.s32 @!p0 s1  }
0xd8: {  	[bflag:$0x3] =	sbarrier.arrive $0xFFFF  }
0xd9: {  	_ =	shalt  }

// kernel: kernel.17.cloned.1.call-start
scs
__scs_entry_jumppad:
0x0: {  	(pc) =	sbr.rel $0x88, $3  }
0x1: {  	(tag) =	ssettag $0x0;
	lr =	simm.s32 $0x1  }
0x2: {  	[smem:$0x3F9C] =	sst lr;
	_ =	strace $0xD0000000  }
0x3: {  	_ = 	snop  }
0x4: {  	_ = 	snop  }
0x5: {  	_ = 	snop  }
0x6: {  	_ = 	snop  }
0x7: {  	_ = 	snop  }
__scs_overlays_trampoline_lowered:
0x8: {  	[smem:$0x3FAB] =	sst s0  }
0x9: {  	[smem:$0x3FAC] =	sst s1  }
0xa: {  	[smem:$0x3FAD] =	sst s2  }
0xb: {  	[smem:$0x3FAE] =	sst s3  }
0xc: {  	[smem:$0x3FAF] =	sst s4  }
0xd: {  	[smem:$0x3FB0] =	sst s5  }
0xe: {  	[smem:$0x3FB1] =	sst s6  }
0xf: {  	[smem:$0x3FB2] =	sst s7  }
0x10: {  	[smem:$0x3FB3] =	sst s8  }
0x11: {  	[smem:$0x3FB4] =	sst s9;
	s0 =	simm.s32 @!p0 $0x0  }
0x12: {  	s1 =	sld [smem:$0x3F9A];
	s0 =	simm.s32 @p0 $0x1  }
0x13: {  	[smem:$0x3FB5] =	sst s0;
	s0 =	simm.s32 @!p1 $0x0  }
0x14: {  	s2 =	sld [smem:$0x3F99];
	s0 =	simm.s32 @p1 $0x1  }
0x15: {  	[smem:$0x3FB6] =	sst s0;
	s0 =	simm.s32 @!p2 $0x0  }
0x16: {  	s3 =	sld [smem:$0x3FDB];
	s0 =	simm.s32 @p2 $0x1  }
0x17: {  	s4 =	simm.s32 $0x1BF5;
	[smem:$0x3FB8] =	sst s0  }
0x18: {  	s0 =	sld [smem:$0x3F9B];
	_ =	swait.ge [sflag:s4], $0x0  }
0x19: {  	s7 =	sld [smem:$0x3F9C]  }
0x1a: {  	s8 =	sadd.s32 $0xFFFFE003, lr  }
0x1b: {  	s9 =	sadd.s32 $0xFFFFFEF7, lr;
	s5 =	simm.s32 $0xFFFFFFFF;
	p2 =	slt.u32 s8, $0xFFFFF086  }
0x1c: {  	p1 =	slt.u32 s9, $0xF7A;
	s5 =	simm.s32 @!p2 $0x0  }
0x1d: {  	s5 =	simm.s32 @p1 $0x1;
	p0 =	seq.s32 s7, s2  }
0x1e: {  	s7 =	smul.u32 @!p0 $0xF7A, s2;
	p2 =	seq.s32 @!p0 s5, $0x0  }
0x1f: {  	s9 =	smul.u32 $0xF7A, s1;
	s8 =	simm.s32 @!p0 $0x1BF5;
	p2 =	por !p2, p0  }
0x20: {  	[sflag:s8] =	ssyncset.s32 @!p0 $0xFFFFF086;
	s6 =	sadd.s32 @!p0 s3, s7;
	s7 =	simm.s32 @!p0 $0x108  }
0x21: {  	s3 =	sadd.s32 s3, s9;
	s6 =	sadd.s32 @!p0 $0x88, s6;
	s7 =	simm.s32 @p2 $0x1082  }
0x22: {  	[simem:s7], [sflag:s8] =	dma.local @!p0 [hbm:s6], $0xF7A  }
0x23: {  	s9 =	sor.u32 $0xD0000000, s2;
	s6 =	simm.s32 $0x108;
	_ =	swait.ge @!p0 [sflag:s8], $0x0  }
0x24: {  	s3 =	sadd.s32 $0x88, s3;
	s6 =	simm.s32 @!p1 $0x1082;
	[sflag:s4] =	ssyncset.s32 $0xFFFFF086  }
0x25: {  	[simem:s6], [sflag:s4] =	dma.local [hbm:s3], $0xF7A  }
0x26: {  	[smem:$0x3F9C] =	sst s1;
	(tag) =	ssettag s2;
	_ =	strace s9  }
0x27: {  	s1 =	sld [smem:$0x3FAC]  }
0x28: {  	s2 =	sld [smem:$0x3FAD]  }
0x29: {  	s4 =	sld [smem:$0x3FAF]  }
0x2a: {  	p0 =	seq.s32 s5, $0x0;
	s5 =	sld [smem:$0x3FB0]  }
0x2b: {  	s6 =	sld [smem:$0x3FB1]  }
0x2c: {  	s7 =	sld [smem:$0x3FB2]  }
0x2d: {  	s3 =	simm.s32 $0x108;
	s8 =	sld [smem:$0x3FB3]  }
0x2e: {  	s3 =	simm.s32 @!p0 $0x1082;
	s9 =	sld [smem:$0x3FB4]  }
0x2f: {  	lr =	sadd.s32 s0, s3;
	s0 =	sld [smem:$0x3FAB]  }
0x30: {  	s3 =	sld [smem:$0x3FAE]  }
0x31: {  	[smem:$0x3FB7] =	sst s10  }
0x32: {  	s10 =	sld [smem:$0x3FB5];
	_ =	sdelay $0x3  }
0x33: {  	p0 =	seq.s32 s10, $0x1;
	s10 =	sld [smem:$0x3FB7];
	_ =	sdelay $0x3  }
0x34: {  	[smem:$0x3FB7] =	sst s10  }
0x35: {  	s10 =	sld [smem:$0x3FB6];
	_ =	sdelay $0x3  }
0x36: {  	p1 =	seq.s32 s10, $0x1;
	s10 =	sld [smem:$0x3FB7];
	_ =	sdelay $0x3  }
0x37: {  	[smem:$0x3FB7] =	sst s10  }
0x38: {  	s10 =	sld [smem:$0x3FB8]  }
0x39: {  	_ = 	snop;
	(pc) =	sbr.ind lr, $3  }
0x3a: {  	_ = 	snop  }
0x3b: {  	_ = 	snop  }
0x3c: {  	p2 =	seq.s32 s10, $0x1;
	s10 =	sld [smem:$0x3FB7]  }
0x3d: {  	_ =	shalt  }
0x3e: {  	_ =	shalt  }
0x3f: {  	_ =	shalt  }
0x40: {  	_ =	shalt  }
0x41: {  	_ =	shalt  }
0x42: {  	_ =	shalt  }
0x43: {  	_ =	shalt  }
0x44: {  	_ =	shalt  }
0x45: {  	_ =	shalt  }
0x46: {  	_ =	shalt  }
0x47: {  	_ =	shalt  }
0x48: {  	_ =	shalt  }
0x49: {  	_ =	shalt  }
0x4a: {  	_ =	shalt  }
0x4b: {  	_ =	shalt  }
0x4c: {  	_ =	shalt  }
0x4d: {  	_ =	shalt  }
0x4e: {  	_ =	shalt  }
0x4f: {  	_ =	shalt  }
0x50: {  	_ =	shalt  }
0x51: {  	_ =	shalt  }
0x52: {  	_ =	shalt  }
0x53: {  	_ =	shalt  }
0x54: {  	_ =	shalt  }
0x55: {  	_ =	shalt  }
0x56: {  	_ =	shalt  }
0x57: {  	_ =	shalt  }
0x58: {  	_ =	shalt  }
0x59: {  	_ =	shalt  }
0x5a: {  	_ =	shalt  }
0x5b: {  	_ =	shalt  }
0x5c: {  	_ =	shalt  }
0x5d: {  	_ =	shalt  }
0x5e: {  	_ =	shalt  }
0x5f: {  	_ =	shalt  }
0x60: {  	_ =	shalt  }
0x61: {  	_ =	shalt  }
0x62: {  	_ =	shalt  }
0x63: {  	_ =	shalt  }
0x64: {  	_ =	shalt  }
0x65: {  	_ =	shalt  }
0x66: {  	_ =	shalt  }
0x67: {  	_ =	shalt  }
0x68: {  	_ =	shalt  }
0x69: {  	_ =	shalt  }
0x6a: {  	_ =	shalt  }
0x6b: {  	_ =	shalt  }
0x6c: {  	_ =	shalt  }
0x6d: {  	_ =	shalt  }
0x6e: {  	_ =	shalt  }
0x6f: {  	_ =	shalt  }
0x70: {  	_ =	shalt  }
0x71: {  	_ =	shalt  }
0x72: {  	_ =	shalt  }
0x73: {  	_ =	shalt  }
0x74: {  	_ =	shalt  }
0x75: {  	_ =	shalt  }
0x76: {  	_ =	shalt  }
0x77: {  	_ =	shalt  }
0x78: {  	_ =	shalt  }
0x79: {  	_ =	shalt  }
0x7a: {  	_ =	shalt  }
0x7b: {  	_ =	shalt  }
0x7c: {  	_ =	shalt  }
0x7d: {  	_ =	shalt  }
0x7e: {  	_ =	shalt  }
0x7f: {  	_ =	shalt  }
0x80: {  	_ =	shalt  }
0x81: {  	_ =	shalt  }
0x82: {  	_ =	shalt  }
0x83: {  	_ =	shalt  }
0x84: {  	_ =	shalt  }
0x85: {  	_ =	shalt  }
0x86: {  	_ =	shalt  }
0x87: {  	_ =	shalt  }
.Lfunc_end0:
.L_simem_size_0:
called_computation.1_lowered:
.L_overlay_start_0:
0x88: {  	s2 =	sld [smem:$0x3FD9]  }
0x89: {  	s3 =	sld [smem:$0x3FFE];
	_ =	sdelay $0x1  }
0x8a: {  	s1 =	srdreg.scid  }
0x8b: {  	s0 =	sand.u32 $0x1, s1  }
0x8c: {  	s17 =	sshll.u32 s0, $0xA;
	s2 =	sadd.s32 s3, s2  }
0x8d: {  	s2 =	sadd.s32 s2, s17  }
0x8e: {  	[smem:$0x3FC3] =	sst s2  }
0x8f: {  	_ = 	snop  }
0x90: {  	(tm) =	ssettm $0x1  }
0x91: {  	s18 =	sld [smem:$0x3FFB];
	_ =	sdelay $0x3  }
0x92: {  	_ =	strace s18  }
0x93: {  	s2 =	sld [smem:$0x3FFC];
	_ =	sdelay $0x3  }
0x94: {  	_ =	strace s2  }
0x95: {  	s2 =	sld [smem:$0x3FFD];
	_ =	sdelay $0x3  }
0x96: {  	_ =	strace s2  }
0x97: {  	_ =	strace $0x8FFFFFFF  }
0x98: {  	s19 =	sld [smem:$0x3FDB];
	_ =	sdelay $0x1  }
0x99: {  	s20 =	simm.s32 $_scs_section_size  }
0x9a: {  	s4 =	simm.s32 $_size__tile_overlayer_lowered;
	s5 =	simm.s32 $_tile_overlayer_lowered  }
0x9b: {  	s6 =	simm.s32 $0x1BFF;
	s21 =	sshll.u32 s5, $0x1;
	s3 =	sadd.s32 s20, s19  }
0x9c: {  	s22 =	simm.s32 $0x0;
	s4 =	sshll.u32 s4, $0x1;
	s5 =	sadd.s32 s21, s3  }
0x9d: {  	[timem:s22], [sflag:s6] =	dma.local [hbm:s5], s4  }
0x9e: {  	_ =	swait.ge [sflag:s6], s4  }
0x9f: {  	s4 =	ssub.s32 $0x0, s4;
	[sflag:s6] =	ssyncset.done $0x0  }
0xa0: {  	[sflag:s6] =	ssyncadd.s32 s4;
	_ =	sdelay $0x1  }
0xa1: {  	s23 =	simm.s32 $0x1B8B  }
0xa2: {  	_ =	swait.ge [sflag:s23], $0x1  }
0xa3: {  	[sflag:s23] =	ssyncset.done $0x0  }
0xa4: {  	[sflag:s23] =	ssyncadd.s32 $0xFFFFFFFF  }
0xa5: {  	s4 =	sld [smem:$0x0]  }
0xa6: {  	s5 =	sand.u32 $0xFFFFFFFE, s1  }
0xa7: {  	p0 =	sne.s32 s1, s5  }
0xa8: {  	s5 =	sshll.u32 @p0 s5, $0xE  }
0xa9: {  	s5 =	sadd.s32 @p0 $0x11B8D, s5;
	s6 =	sshll.u32 @p0 s4, $0x11  }
0xaa: {  	s5 =	sor.u32 @p0 s6, s5  }
0xab: {  	[sflag:s5] =	ssyncadd.remote.s32 @p0 $0x1;
	_ =	sdelay $0x1  }
0xac: {  	s5 =	simm.s32 @p0 $0x1B8D  }
0xad: {  	_ =	swait.eq @p0 [sflag:s5], $0x1  }
0xae: {  	[sflag:s5] =	ssyncadd.s32 @p0 $0xFFFFFFFF  }
0xaf: {  	s6 =	sshll.u32 @!p0 s1, $0xE  }
0xb0: {  	s6 =	sor.u32 @!p0 $0x4000, s6;
	s5 =	simm.s32 @!p0 $0x1B8D  }
0xb1: {  	s4 =	sshll.u32 @!p0 s4, $0x11;
	s6 =	sadd.s32 @!p0 $0x11B8D, s6;
	_ =	swait.eq @!p0 [sflag:s5], $0x1  }
0xb2: {  	s4 =	sor.u32 @!p0 s4, s6;
	[sflag:s5] =	ssyncadd.s32 @!p0 $0xFFFFFFFF  }
0xb3: {  	s25 =	simm.s32 $0x1B8E;
	s24 =	sld [smem:$0x3FFE];
	[sflag:s4] =	ssyncadd.remote.s32 @!p0 $0x1  }
0xb4: {  	s26 =	simm.s32 $execute0_lowered;
	[smem:$0x3FD2] =	sst s25  }
0xb5: {  	s5 =	sshll.u32 s26, $0x1;
	_ =	strace $0x80000049;
	[dreg:$0x1] =	wrdreg $0xFFFFFFFF  }
0xb6: {  	s28 =	simm.s32 $_size_execute0_lowered;
	s3 =	sadd.s32 s3, s5;
	[dreg:$0x0] =	wrdreg $0x0  }
0xb7: {  	s5 =	sshll.u32 s28, $0x1;
	[dreg:$0x2] =	wrdreg s3  }
0xb8: {  	[dreg:$0x3] =	wrdreg s5  }
0xb9: {  	[dreg:$0x4] =	wrdreg $0xC0  }
0xba: {  	_ =	task [dreg:s22], $0x5FFFF  }
0xbb: {  	[dreg:$0x1] =	wrdreg $0xFFFFFFFF  }
0xbc: {  	[dreg:$0x0] =	wrdreg $0x60  }
0xbd: {  	[dreg:$0x2] =	wrdreg s24  }
0xbe: {  	[dreg:$0x3] =	wrdreg $0xA  }
0xbf: {  	_ =	task.clear_ibuf [dreg:s22], $0x4FFFF;
	_ =	strace $0x90000049  }
0xc0: {  	s29 =	simm.s32 $0xA;
	_ =	strace $0x8000004B  }
0xc1: {  	_ =	swait.ge [sflag:s29], $0x1  }
0xc2: {  	[sflag:s29] =	ssyncadd.s32 $0xFFFFFFFF  }
0xc3: {  	_ =	strace $0x9000004B  }
0xc4: {  	_ =	sfence  }
0xc5: {  	s30 =	sld [smem:$0x0];
	_ =	sdelay $0x2  }
0xc6: {  	s31 =	sshll.u32 s1, $0xD;
	s1 =	sshrl.u32 s1, $0x2  }
0xc7: {  	s4 =	sand.u32 $0x4000, s31;
	s1 =	sadd.s32 s1, s30  }
0xc8: {  	s0 =	sor.u32 s4, s0;
	s1 =	sshll.u32 s1, $0x11  }
0xc9: {  	s0 =	sor.u32 s1, s0  }
0xca: {  	s0 =	sadd.s32 $0x8F2B, s0  }
0xcb: {  	[sflag:s0] =	ssyncadd.remote.s32 $0x1  }
0xcc: {  	_ =	sfence.sel $0xFFFF  }
0xcd: {  	[dreg:$0x0] =	wrdreg $0xFFFFFFFF;
	(pc) =	sbr.abs _section_cstart, $3  }
0xce: {  	[dreg:$0x1] =	wrdreg $0xFFFFFFFF  }
0xcf: {  	_ =	task.clear_ibuf [dreg:s22], $0x2FFFF;
	_ =	strace $0x9FFFFFFF  }
0xd0: {  	(tm) =	ssettm $0x7FFFFFFF  }
0xd1: {  	_ =	shalt  }
tec
execute0_lowered:
.L_overlay_start_1:
0x0: {  	(tag) =	ssettag $0x1  }
0x1: {  	s1 =	srdreg.scid  }
0x2: {  	s0 =	stileid.u32;
	s30 =	sand.u32 $0x1, s1  }
0x3: {  	s26 =	sshll.u32 s0, $0xC;
	s2 =	sshll.u32 s30, $0xB  }
0x4: {  	s15 =	sor.u32 s2, s26  }
0x5: {  	s14 =	rddreg [dreg:$0x0];
	s2 =	simm.s32 $0x0;
	s3 =	sshrl.u32 s15, $0x3  }
0x6: {  	[smem:$0x7FF] =	sst s2;
	s3 =	sadd.s32 s3, s14  }
0x7: {  	_ =	strace $0x8000004A;
	s4 =	sadd.s32 $0x135600, s3;
	s3 =	simm.s32 $0x2  }
0x8: {  	[tilespmem:s2], [sflag:$0x2] =	stream.linear.gather [hbm4b:s4+s2], $0x800, $0x38;
	[tilespmem:$0x10800] =	vst v63  }
0x9: {  	_ =	swait.ge [sflag:s3], $0x800  }
0xa: {  	s6 =	simm.s32 $0x80;
	[sflag:s3] =	ssyncset.done $0x0  }
0xb: {  	s7 =	simm.s32 $0x800;
	s5 =	sadd.s32 $0x125600, s14;
	[sflag:s3] =	ssyncadd.s32 $0xFFFFF800  }
0xc: {  	[tilespmem:s7], [sflag:$0x1] =	stream.indirect.gather [hbm4b:s5+s6], $0x80, s2, s6, $0xb8;
	[tilespmem:$0x10800] =	vst v63  }
0xd: {  	s8 =	simm.s32 $0x4800  }
0xe: {  	[tilespmem:s8], [sflag:$0x1] =	stream.indirect.gather [hbm4b:s5+s6], $0x80, s6, s6, $0xb8;
	[tilespmem:$0x10800] =	vst v63  }
0xf: {  	s9 =	simm.s32 $0x100;
	s10 =	simm.s32 $0x8800  }
0x10: {  	[tilespmem:s10], [sflag:$0x1] =	stream.indirect.gather [hbm4b:s5+s6], $0x80, s9, s6, $0xb8;
	[tilespmem:$0x10800] =	vst v63  }
0x11: {  	s11 =	simm.s32 $0x180;
	s12 =	simm.s32 $0xC800;
	s13 =	simm.s32 $0x1  }
0x12: {  	[tilespmem:s12], [sflag:$0x1] =	stream.indirect.gather [hbm4b:s5+s6], $0x80, s11, s6, $0xb8;
	[tilespmem:$0x10800] =	vst v63  }
0x13: {  	_ =	swait.ge [sflag:s13], $0x4000  }
0x14: {  	[sflag:s13] =	ssyncset.done $0x0  }
0x15: {  	[sflag:s13] =	ssyncadd.s32 $0xFFFFC000  }
0x16: {  	_ =	swait.ge [sflag:s13], $0x4000  }
0x17: {  	[sflag:s13] =	ssyncset.done $0x0  }
0x18: {  	[sflag:s13] =	ssyncadd.s32 $0xFFFFC000  }
0x19: {  	_ =	swait.ge [sflag:s13], $0x4000  }
0x1a: {  	[sflag:s13] =	ssyncset.done $0x0  }
0x1b: {  	[sflag:s13] =	ssyncadd.s32 $0xFFFFC000  }
0x1c: {  	s15 =	sshll.u32 s15, $0x4;
	_ =	swait.ge [sflag:s13], $0x4000  }
0x1d: {  	s31 =	sadd.s32 s15, s14;
	[sflag:s13] =	ssyncset.done $0x0  }
0x1e: {  	s14 =	sadd.s32 $0x137600, s31;
	[sflag:s13] =	ssyncadd.s32 $0xFFFFC000  }
0x1f: {  	[hbm4b:s14+s2] =	stream.linear.scatter [tilespmem:s7], [sflag:$0x2], $0x10000, $0x38;
	[tilespmem:$0x10800] =	vst v63  }
0x20: {  	_ =	swait.ge [sflag:s3], $0x10000  }
0x21: {  	[sflag:s3] =	ssyncset.done $0x0  }
0x22: {  	s15 =	simm.s32 $0x200;
	[sflag:s3] =	ssyncadd.s32 $0xFFFF0000  }
0x23: {  	[tilespmem:s7], [sflag:$0x1] =	stream.indirect.gather [hbm4b:s5+s6], $0x80, s15, s6, $0xb8;
	[tilespmem:$0x10800] =	vst v63  }
0x24: {  	s16 =	simm.s32 $0x280  }
0x25: {  	[tilespmem:s8], [sflag:$0x1] =	stream.indirect.gather [hbm4b:s5+s6], $0x80, s16, s6, $0xb8;
	[tilespmem:$0x10800] =	vst v63  }
0x26: {  	s17 =	simm.s32 $0x300  }
0x27: {  	[tilespmem:s10], [sflag:$0x1] =	stream.indirect.gather [hbm4b:s5+s6], $0x80, s17, s6, $0xb8;
	[tilespmem:$0x10800] =	vst v63  }
0x28: {  	s18 =	simm.s32 $0x380  }
0x29: {  	[tilespmem:s12], [sflag:$0x1] =	stream.indirect.gather [hbm4b:s5+s6], $0x80, s18, s6, $0xb8;
	[tilespmem:$0x10800] =	vst v63  }
0x2a: {  	_ =	swait.ge [sflag:s13], $0x4000  }
0x2b: {  	[sflag:s13] =	ssyncset.done $0x0  }
0x2c: {  	[sflag:s13] =	ssyncadd.s32 $0xFFFFC000  }
0x2d: {  	_ =	swait.ge [sflag:s13], $0x4000  }
0x2e: {  	[sflag:s13] =	ssyncset.done $0x0  }
0x2f: {  	[sflag:s13] =	ssyncadd.s32 $0xFFFFC000  }
0x30: {  	_ =	swait.ge [sflag:s13], $0x4000  }
0x31: {  	[sflag:s13] =	ssyncset.done $0x0  }
0x32: {  	[sflag:s13] =	ssyncadd.s32 $0xFFFFC000  }
0x33: {  	_ =	swait.ge [sflag:s13], $0x4000  }
0x34: {  	[sflag:s13] =	ssyncset.done $0x0  }
0x35: {  	s19 =	sadd.s32 $0x139600, s31;
	[sflag:s13] =	ssyncadd.s32 $0xFFFFC000  }
0x36: {  	[hbm4b:s19+s2] =	stream.linear.scatter [tilespmem:s7], [sflag:$0x2], $0x10000, $0x38;
	[tilespmem:$0x10800] =	vst v63  }
0x37: {  	_ =	swait.ge [sflag:s3], $0x10000  }
0x38: {  	[sflag:s3] =	ssyncset.done $0x0  }
0x39: {  	s20 =	simm.s32 $0x400;
	[sflag:s3] =	ssyncadd.s32 $0xFFFF0000  }
0x3a: {  	[tilespmem:s7], [sflag:$0x1] =	stream.indirect.gather [hbm4b:s5+s6], $0x80, s20, s6, $0xb8;
	[tilespmem:$0x10800] =	vst v63  }
0x3b: {  	s21 =	simm.s32 $0x480  }
0x3c: {  	[tilespmem:s8], [sflag:$0x1] =	stream.indirect.gather [hbm4b:s5+s6], $0x80, s21, s6, $0xb8;
	[tilespmem:$0x10800] =	vst v63  }
0x3d: {  	s22 =	simm.s32 $0x500  }
0x3e: {  	[tilespmem:s10], [sflag:$0x1] =	stream.indirect.gather [hbm4b:s5+s6], $0x80, s22, s6, $0xb8;
	[tilespmem:$0x10800] =	vst v63  }
0x3f: {  	s23 =	simm.s32 $0x580  }
0x40: {  	[tilespmem:s12], [sflag:$0x1] =	stream.indirect.gather [hbm4b:s5+s6], $0x80, s23, s6, $0xb8;
	[tilespmem:$0x10800] =	vst v63  }
0x41: {  	_ =	swait.ge [sflag:s13], $0x4000  }
0x42: {  	[sflag:s13] =	ssyncset.done $0x0  }
0x43: {  	[sflag:s13] =	ssyncadd.s32 $0xFFFFC000  }
0x44: {  	_ =	swait.ge [sflag:s13], $0x4000  }
0x45: {  	[sflag:s13] =	ssyncset.done $0x0  }
0x46: {  	[sflag:s13] =	ssyncadd.s32 $0xFFFFC000  }
0x47: {  	_ =	swait.ge [sflag:s13], $0x4000  }
0x48: {  	[sflag:s13] =	ssyncset.done $0x0  }
0x49: {  	[sflag:s13] =	ssyncadd.s32 $0xFFFFC000  }
0x4a: {  	_ =	swait.ge [sflag:s13], $0x4000  }
0x4b: {  	[sflag:s13] =	ssyncset.done $0x0  }
0x4c: {  	s24 =	sadd.s32 $0x13B600, s31;
	[sflag:s13] =	ssyncadd.s32 $0xFFFFC000  }
0x4d: {  	[hbm4b:s24+s2] =	stream.linear.scatter [tilespmem:s7], [sflag:$0x2], $0x10000, $0x38;
	[tilespmem:$0x10800] =	vst v63  }
0x4e: {  	_ =	swait.ge [sflag:s3], $0x10000  }
0x4f: {  	[sflag:s3] =	ssyncset.done $0x0  }
0x50: {  	s25 =	simm.s32 $0x600;
	[sflag:s3] =	ssyncadd.s32 $0xFFFF0000  }
0x51: {  	[tilespmem:s7], [sflag:$0x1] =	stream.indirect.gather [hbm4b:s5+s6], $0x80, s25, s6, $0xb8;
	[tilespmem:$0x10800] =	vst v63  }
0x52: {  	s26 =	simm.s32 $0x680  }
0x53: {  	[tilespmem:s8], [sflag:$0x1] =	stream.indirect.gather [hbm4b:s5+s6], $0x80, s26, s6, $0xb8;
	[tilespmem:$0x10800] =	vst v63  }
0x54: {  	s28 =	simm.s32 $0x700  }
0x55: {  	[tilespmem:s10], [sflag:$0x1] =	stream.indirect.gather [hbm4b:s5+s6], $0x80, s28, s6, $0xb8;
	[tilespmem:$0x10800] =	vst v63  }
0x56: {  	s29 =	simm.s32 $0x780  }
0x57: {  	[tilespmem:s12], [sflag:$0x1] =	stream.indirect.gather [hbm4b:s5+s6], $0x80, s29, s6, $0xb8;
	[tilespmem:$0x10800] =	vst v63  }
0x58: {  	_ =	swait.ge [sflag:s13], $0x4000  }
0x59: {  	[sflag:s13] =	ssyncset.done $0x0  }
0x5a: {  	[sflag:s13] =	ssyncadd.s32 $0xFFFFC000  }
0x5b: {  	_ =	swait.ge [sflag:s13], $0x4000  }
0x5c: {  	[sflag:s13] =	ssyncset.done $0x0  }
0x5d: {  	s30 =	ssub.s32 $0x2, s30;
	[sflag:s13] =	ssyncadd.s32 $0xFFFFC000  }
0x5e: {  	s1 =	sshrl.u32 s30, $0x1;
	_ =	swait.ge [sflag:s13], $0x4000  }
0x5f: {  	s1 =	ssub.s32 s30, s1;
	[sflag:s13] =	ssyncset.done $0x0  }
0x60: {  	s1 =	smax.u32 s1, $0x1;
	[sflag:s13] =	ssyncadd.s32 $0xFFFFC000  }
0x61: {  	p0 =	sne.s32 s1, $0x1;
	_ =	swait.ge [sflag:s13], $0x4000  }
.Ltmp0:
0x62: {  	[sflag:s13] =	ssyncset.done $0x0;
	(pc) =	sbr.rel @!p0 .LBB2_2-.Ltmp0, $4  }
0x63: {  	s30 =	sadd.s32 $0x13D600, s31;
	[sflag:s13] =	ssyncadd.s32 $0xFFFFC000  }
0x64: {  	[hbm4b:s30+s2] =	stream.linear.scatter [tilespmem:s7], [sflag:$0x2], $0x10000, $0x38;
	[tilespmem:$0x10800] =	vst v63  }
0x65: {  	_ =	swait.ge [sflag:s3], $0x10000  }
0x66: {  	s31 =	sadd.s32 $0xFFFFFFFF, s1;
	[sflag:s3] =	ssyncset.done $0x0  }
.LBB2_1:
0x67: {  	p0 =	sne.s32 s31, $0x1;
	s31 =	sadd.s32 $0xFFFFFFFF, s31;
	[sflag:s3] =	ssyncadd.s32 $0xFFFF0000  }
0x68: {  	[tilespmem:s2], [sflag:$0x2] =	stream.linear.gather [hbm4b:s4+s2], $0x800, $0x38;
	[tilespmem:$0x10800] =	vst v63  }
0x69: {  	_ =	swait.ge [sflag:s3], $0x800  }
0x6a: {  	[sflag:s3] =	ssyncset.done $0x0  }
0x6b: {  	[sflag:s3] =	ssyncadd.s32 $0xFFFFF800  }
0x6c: {  	[tilespmem:s7], [sflag:$0x1] =	stream.indirect.gather [hbm4b:s5+s6], $0x80, s2, s6, $0xb8;
	[tilespmem:$0x10800] =	vst v63  }
0x6d: {  	_ = 	snop  }
0x6e: {  	[tilespmem:s8], [sflag:$0x1] =	stream.indirect.gather [hbm4b:s5+s6], $0x80, s6, s6, $0xb8;
	[tilespmem:$0x10800] =	vst v63  }
0x6f: {  	_ = 	snop  }
0x70: {  	[tilespmem:s10], [sflag:$0x1] =	stream.indirect.gather [hbm4b:s5+s6], $0x80, s9, s6, $0xb8;
	[tilespmem:$0x10800] =	vst v63  }
0x71: {  	_ = 	snop  }
0x72: {  	[tilespmem:s12], [sflag:$0x1] =	stream.indirect.gather [hbm4b:s5+s6], $0x80, s11, s6, $0xb8;
	[tilespmem:$0x10800] =	vst v63  }
0x73: {  	_ =	swait.ge [sflag:s13], $0x4000  }
0x74: {  	[sflag:s13] =	ssyncset.done $0x0  }
0x75: {  	[sflag:s13] =	ssyncadd.s32 $0xFFFFC000  }
0x76: {  	_ =	swait.ge [sflag:s13], $0x4000  }
0x77: {  	[sflag:s13] =	ssyncset.done $0x0  }
0x78: {  	[sflag:s13] =	ssyncadd.s32 $0xFFFFC000  }
0x79: {  	_ =	swait.ge [sflag:s13], $0x4000  }
0x7a: {  	[sflag:s13] =	ssyncset.done $0x0  }
0x7b: {  	[sflag:s13] =	ssyncadd.s32 $0xFFFFC000  }
0x7c: {  	_ =	swait.ge [sflag:s13], $0x4000  }
0x7d: {  	[sflag:s13] =	ssyncset.done $0x0  }
0x7e: {  	[sflag:s13] =	ssyncadd.s32 $0xFFFFC000  }
0x7f: {  	[hbm4b:s14+s2] =	stream.linear.scatter [tilespmem:s7], [sflag:$0x2], $0x10000, $0x38;
	[tilespmem:$0x10800] =	vst v63  }
0x80: {  	_ =	swait.ge [sflag:s3], $0x10000  }
0x81: {  	[sflag:s3] =	ssyncset.done $0x0  }
0x82: {  	[sflag:s3] =	ssyncadd.s32 $0xFFFF0000  }
0x83: {  	[tilespmem:s7], [sflag:$0x1] =	stream.indirect.gather [hbm4b:s5+s6], $0x80, s15, s6, $0xb8;
	[tilespmem:$0x10800] =	vst v63  }
0x84: {  	_ = 	snop  }
0x85: {  	[tilespmem:s8], [sflag:$0x1] =	stream.indirect.gather [hbm4b:s5+s6], $0x80, s16, s6, $0xb8;
	[tilespmem:$0x10800] =	vst v63  }
0x86: {  	_ = 	snop  }
0x87: {  	[tilespmem:s10], [sflag:$0x1] =	stream.indirect.gather [hbm4b:s5+s6], $0x80, s17, s6, $0xb8;
	[tilespmem:$0x10800] =	vst v63  }
0x88: {  	_ = 	snop  }
0x89: {  	[tilespmem:s12], [sflag:$0x1] =	stream.indirect.gather [hbm4b:s5+s6], $0x80, s18, s6, $0xb8;
	[tilespmem:$0x10800] =	vst v63  }
0x8a: {  	_ =	swait.ge [sflag:s13], $0x4000  }
0x8b: {  	[sflag:s13] =	ssyncset.done $0x0  }
0x8c: {  	[sflag:s13] =	ssyncadd.s32 $0xFFFFC000  }
0x8d: {  	_ =	swait.ge [sflag:s13], $0x4000  }
0x8e: {  	[sflag:s13] =	ssyncset.done $0x0  }
0x8f: {  	[sflag:s13] =	ssyncadd.s32 $0xFFFFC000  }
0x90: {  	_ =	swait.ge [sflag:s13], $0x4000  }
0x91: {  	[sflag:s13] =	ssyncset.done $0x0  }
0x92: {  	[sflag:s13] =	ssyncadd.s32 $0xFFFFC000  }
0x93: {  	_ =	swait.ge [sflag:s13], $0x4000  }
0x94: {  	[sflag:s13] =	ssyncset.done $0x0  }
0x95: {  	[sflag:s13] =	ssyncadd.s32 $0xFFFFC000  }
0x96: {  	[hbm4b:s19+s2] =	stream.linear.scatter [tilespmem:s7], [sflag:$0x2], $0x10000, $0x38;
	[tilespmem:$0x10800] =	vst v63  }
0x97: {  	_ =	swait.ge [sflag:s3], $0x10000  }
0x98: {  	[sflag:s3] =	ssyncset.done $0x0  }
0x99: {  	[sflag:s3] =	ssyncadd.s32 $0xFFFF0000  }
0x9a: {  	[tilespmem:s7], [sflag:$0x1] =	stream.indirect.gather [hbm4b:s5+s6], $0x80, s20, s6, $0xb8;
	[tilespmem:$0x10800] =	vst v63  }
0x9b: {  	_ = 	snop  }
0x9c: {  	[tilespmem:s8], [sflag:$0x1] =	stream.indirect.gather [hbm4b:s5+s6], $0x80, s21, s6, $0xb8;
	[tilespmem:$0x10800] =	vst v63  }
0x9d: {  	_ = 	snop  }
0x9e: {  	[tilespmem:s10], [sflag:$0x1] =	stream.indirect.gather [hbm4b:s5+s6], $0x80, s22, s6, $0xb8;
	[tilespmem:$0x10800] =	vst v63  }
0x9f: {  	_ = 	snop  }
0xa0: {  	[tilespmem:s12], [sflag:$0x1] =	stream.indirect.gather [hbm4b:s5+s6], $0x80, s23, s6, $0xb8;
	[tilespmem:$0x10800] =	vst v63  }
0xa1: {  	_ =	swait.ge [sflag:s13], $0x4000  }
0xa2: {  	[sflag:s13] =	ssyncset.done $0x0  }
0xa3: {  	[sflag:s13] =	ssyncadd.s32 $0xFFFFC000  }
0xa4: {  	_ =	swait.ge [sflag:s13], $0x4000  }
0xa5: {  	[sflag:s13] =	ssyncset.done $0x0  }
0xa6: {  	[sflag:s13] =	ssyncadd.s32 $0xFFFFC000  }
0xa7: {  	_ =	swait.ge [sflag:s13], $0x4000  }
0xa8: {  	[sflag:s13] =	ssyncset.done $0x0  }
0xa9: {  	[sflag:s13] =	ssyncadd.s32 $0xFFFFC000  }
0xaa: {  	_ =	swait.ge [sflag:s13], $0x4000  }
0xab: {  	[sflag:s13] =	ssyncset.done $0x0  }
0xac: {  	[sflag:s13] =	ssyncadd.s32 $0xFFFFC000  }
0xad: {  	[hbm4b:s24+s2] =	stream.linear.scatter [tilespmem:s7], [sflag:$0x2], $0x10000, $0x38;
	[tilespmem:$0x10800] =	vst v63  }
0xae: {  	_ =	swait.ge [sflag:s3], $0x10000  }
0xaf: {  	[sflag:s3] =	ssyncset.done $0x0  }
0xb0: {  	[sflag:s3] =	ssyncadd.s32 $0xFFFF0000  }
0xb1: {  	[tilespmem:s7], [sflag:$0x1] =	stream.indirect.gather [hbm4b:s5+s6], $0x80, s25, s6, $0xb8;
	[tilespmem:$0x10800] =	vst v63  }
0xb2: {  	_ = 	snop  }
0xb3: {  	[tilespmem:s8], [sflag:$0x1] =	stream.indirect.gather [hbm4b:s5+s6], $0x80, s26, s6, $0xb8;
	[tilespmem:$0x10800] =	vst v63  }
0xb4: {  	_ = 	snop  }
0xb5: {  	[tilespmem:s10], [sflag:$0x1] =	stream.indirect.gather [hbm4b:s5+s6], $0x80, s28, s6, $0xb8;
	[tilespmem:$0x10800] =	vst v63  }
0xb6: {  	_ = 	snop  }
0xb7: {  	[tilespmem:s12], [sflag:$0x1] =	stream.indirect.gather [hbm4b:s5+s6], $0x80, s29, s6, $0xb8;
	[tilespmem:$0x10800] =	vst v63  }
0xb8: {  	_ =	swait.ge [sflag:s13], $0x4000  }
0xb9: {  	[sflag:s13] =	ssyncset.done $0x0  }
0xba: {  	[sflag:s13] =	ssyncadd.s32 $0xFFFFC000  }
0xbb: {  	_ =	swait.ge [sflag:s13], $0x4000  }
0xbc: {  	[sflag:s13] =	ssyncset.done $0x0  }
0xbd: {  	[sflag:s13] =	ssyncadd.s32 $0xFFFFC000  }
0xbe: {  	_ =	swait.ge [sflag:s13], $0x4000  }
0xbf: {  	[sflag:s13] =	ssyncset.done $0x0  }
0xc0: {  	[sflag:s13] =	ssyncadd.s32 $0xFFFFC000  }
0xc1: {  	_ =	swait.ge [sflag:s13], $0x4000  }
.Ltmp1:
0xc2: {  	[sflag:s13] =	ssyncset.done $0x0;
	(pc) =	sbr.rel @p0 .LBB2_1-.Ltmp1, $4  }
0xc3: {  	[sflag:s13] =	ssyncadd.s32 $0xFFFFC000  }
0xc4: {  	[hbm4b:s30+s2] =	stream.linear.scatter [tilespmem:s7], [sflag:$0x2], $0x10000, $0x38;
	[tilespmem:$0x10800] =	vst v63  }
0xc5: {  	_ =	swait.ge [sflag:s3], $0x10000  }
0xc6: {  	[sflag:s3] =	ssyncset.done $0x0  }
.LBB2_2:
0xc7: {  	[sflag:s3] =	ssyncadd.s32 $0xFFFF0000  }
0xc8: {  	_ =	sfence.sel $0x180000  }
0xc9: {  	[bflag:$0x0] =	sbarrier.arrive $0xFFFF  }
0xca: {  	_ =	strace $0x9000004A  }
0xcb: {  	[bflag:$0x2] =	sbarrier.arrive $0xFFFF  }
0xcc: {  	p0 =	sne.s32 s0, $0x0;
	s0 =	rddreg [dreg:$0x1]  }
0xcd: {  	s0 =	sadd.s32 @!p0 $0x100000, s0  }
0xce: {  	[sflag:s0] =	ssyncadd.tile.s32 @!p0 $0x1;
	_ =	shalt  }
.Lfunc_end2:
_tile_overlayer_lowered:
.L_overlay_start_2:
0xcf: {  	(tag) =	ssettag $0x2  }
0xd0: {  	s0 =	rddreg [dreg:$0x0];
	s2 =	stileid.u32  }
0xd1: {  	s1 =	rddreg [dreg:$0x1];
	p0 =	sne.s32 s2, $0x0  }
0xd2: {  	s3 =	rddreg [dreg:$0x2];
	[bflag:$0x3] =	sbarrier.arrive $0xFFFF;
	s2 =	simm.s32 @!p0 $0x1C02  }
0xd3: {  	[timem:s3], [sflag:s2] =	dma.local @!p0 [hbm:s0], s1  }
0xd4: {  	s0 =	simm.s32 @!p0 $0x2  }
0xd5: {  	_ =	swait.ge @!p0 [sflag:s0], s1  }
0xd6: {  	s1 =	ssub.s32 @!p0 $0x0, s1;
	[sflag:s0] =	ssyncset.done @!p0 $0x0  }
0xd7: {  	[sflag:s0] =	ssyncadd.s32 @!p0 s1  }
0xd8: {  	[bflag:$0x3] =	sbarrier.arrive $0xFFFF  }
0xd9: {  	_ =	shalt  }

// kernel: kernel.20.cloned.1.call-start
scs
__scs_entry_jumppad:
0x0: {  	(pc) =	sbr.rel $0x88, $3  }
0x1: {  	(tag) =	ssettag $0x0;
	lr =	simm.s32 $0x1  }
0x2: {  	[smem:$0x3F9C] =	sst lr;
	_ =	strace $0xD0000000  }
0x3: {  	_ = 	snop  }
0x4: {  	_ = 	snop  }
0x5: {  	_ = 	snop  }
0x6: {  	_ = 	snop  }
0x7: {  	_ = 	snop  }
__scs_overlays_trampoline_lowered:
0x8: {  	[smem:$0x3FAB] =	sst s0  }
0x9: {  	[smem:$0x3FAC] =	sst s1  }
0xa: {  	[smem:$0x3FAD] =	sst s2  }
0xb: {  	[smem:$0x3FAE] =	sst s3  }
0xc: {  	[smem:$0x3FAF] =	sst s4  }
0xd: {  	[smem:$0x3FB0] =	sst s5  }
0xe: {  	[smem:$0x3FB1] =	sst s6  }
0xf: {  	[smem:$0x3FB2] =	sst s7  }
0x10: {  	[smem:$0x3FB3] =	sst s8  }
0x11: {  	[smem:$0x3FB4] =	sst s9;
	s0 =	simm.s32 @!p0 $0x0  }
0x12: {  	s1 =	sld [smem:$0x3F9A];
	s0 =	simm.s32 @p0 $0x1  }
0x13: {  	[smem:$0x3FB5] =	sst s0;
	s0 =	simm.s32 @!p1 $0x0  }
0x14: {  	s2 =	sld [smem:$0x3F99];
	s0 =	simm.s32 @p1 $0x1  }
0x15: {  	[smem:$0x3FB6] =	sst s0;
	s0 =	simm.s32 @!p2 $0x0  }
0x16: {  	s3 =	sld [smem:$0x3FDB];
	s0 =	simm.s32 @p2 $0x1  }
0x17: {  	s4 =	simm.s32 $0x1BF5;
	[smem:$0x3FB8] =	sst s0  }
0x18: {  	s0 =	sld [smem:$0x3F9B];
	_ =	swait.ge [sflag:s4], $0x0  }
0x19: {  	s7 =	sld [smem:$0x3F9C]  }
0x1a: {  	s8 =	sadd.s32 $0xFFFFE003, lr  }
0x1b: {  	s9 =	sadd.s32 $0xFFFFFEF7, lr;
	s5 =	simm.s32 $0xFFFFFFFF;
	p2 =	slt.u32 s8, $0xFFFFF086  }
0x1c: {  	p1 =	slt.u32 s9, $0xF7A;
	s5 =	simm.s32 @!p2 $0x0  }
0x1d: {  	s5 =	simm.s32 @p1 $0x1;
	p0 =	seq.s32 s7, s2  }
0x1e: {  	s7 =	smul.u32 @!p0 $0xF7A, s2;
	p2 =	seq.s32 @!p0 s5, $0x0  }
0x1f: {  	s9 =	smul.u32 $0xF7A, s1;
	s8 =	simm.s32 @!p0 $0x1BF5;
	p2 =	por !p2, p0  }
0x20: {  	[sflag:s8] =	ssyncset.s32 @!p0 $0xFFFFF086;
	s6 =	sadd.s32 @!p0 s3, s7;
	s7 =	simm.s32 @!p0 $0x108  }
0x21: {  	s3 =	sadd.s32 s3, s9;
	s6 =	sadd.s32 @!p0 $0x88, s6;
	s7 =	simm.s32 @p2 $0x1082  }
0x22: {  	[simem:s7], [sflag:s8] =	dma.local @!p0 [hbm:s6], $0xF7A  }
0x23: {  	s9 =	sor.u32 $0xD0000000, s2;
	s6 =	simm.s32 $0x108;
	_ =	swait.ge @!p0 [sflag:s8], $0x0  }
0x24: {  	s3 =	sadd.s32 $0x88, s3;
	s6 =	simm.s32 @!p1 $0x1082;
	[sflag:s4] =	ssyncset.s32 $0xFFFFF086  }
0x25: {  	[simem:s6], [sflag:s4] =	dma.local [hbm:s3], $0xF7A  }
0x26: {  	[smem:$0x3F9C] =	sst s1;
	(tag) =	ssettag s2;
	_ =	strace s9  }
0x27: {  	s1 =	sld [smem:$0x3FAC]  }
0x28: {  	s2 =	sld [smem:$0x3FAD]  }
0x29: {  	s4 =	sld [smem:$0x3FAF]  }
0x2a: {  	p0 =	seq.s32 s5, $0x0;
	s5 =	sld [smem:$0x3FB0]  }
0x2b: {  	s6 =	sld [smem:$0x3FB1]  }
0x2c: {  	s7 =	sld [smem:$0x3FB2]  }
0x2d: {  	s3 =	simm.s32 $0x108;
	s8 =	sld [smem:$0x3FB3]  }
0x2e: {  	s3 =	simm.s32 @!p0 $0x1082;
	s9 =	sld [smem:$0x3FB4]  }
0x2f: {  	lr =	sadd.s32 s0, s3;
	s0 =	sld [smem:$0x3FAB]  }
0x30: {  	s3 =	sld [smem:$0x3FAE]  }
0x31: {  	[smem:$0x3FB7] =	sst s10  }
0x32: {  	s10 =	sld [smem:$0x3FB5];
	_ =	sdelay $0x3  }
0x33: {  	p0 =	seq.s32 s10, $0x1;
	s10 =	sld [smem:$0x3FB7];
	_ =	sdelay $0x3  }
0x34: {  	[smem:$0x3FB7] =	sst s10  }
0x35: {  	s10 =	sld [smem:$0x3FB6];
	_ =	sdelay $0x3  }
0x36: {  	p1 =	seq.s32 s10, $0x1;
	s10 =	sld [smem:$0x3FB7];
	_ =	sdelay $0x3  }
0x37: {  	[smem:$0x3FB7] =	sst s10  }
0x38: {  	s10 =	sld [smem:$0x3FB8]  }
0x39: {  	_ = 	snop;
	(pc) =	sbr.ind lr, $3  }
0x3a: {  	_ = 	snop  }
0x3b: {  	_ = 	snop  }
0x3c: {  	p2 =	seq.s32 s10, $0x1;
	s10 =	sld [smem:$0x3FB7]  }
0x3d: {  	_ =	shalt  }
0x3e: {  	_ =	shalt  }
0x3f: {  	_ =	shalt  }
0x40: {  	_ =	shalt  }
0x41: {  	_ =	shalt  }
0x42: {  	_ =	shalt  }
0x43: {  	_ =	shalt  }
0x44: {  	_ =	shalt  }
0x45: {  	_ =	shalt  }
0x46: {  	_ =	shalt  }
0x47: {  	_ =	shalt  }
0x48: {  	_ =	shalt  }
0x49: {  	_ =	shalt  }
0x4a: {  	_ =	shalt  }
0x4b: {  	_ =	shalt  }
0x4c: {  	_ =	shalt  }
0x4d: {  	_ =	shalt  }
0x4e: {  	_ =	shalt  }
0x4f: {  	_ =	shalt  }
0x50: {  	_ =	shalt  }
0x51: {  	_ =	shalt  }
0x52: {  	_ =	shalt  }
0x53: {  	_ =	shalt  }
0x54: {  	_ =	shalt  }
0x55: {  	_ =	shalt  }
0x56: {  	_ =	shalt  }
0x57: {  	_ =	shalt  }
0x58: {  	_ =	shalt  }
0x59: {  	_ =	shalt  }
0x5a: {  	_ =	shalt  }
0x5b: {  	_ =	shalt  }
0x5c: {  	_ =	shalt  }
0x5d: {  	_ =	shalt  }
0x5e: {  	_ =	shalt  }
0x5f: {  	_ =	shalt  }
0x60: {  	_ =	shalt  }
0x61: {  	_ =	shalt  }
0x62: {  	_ =	shalt  }
0x63: {  	_ =	shalt  }
0x64: {  	_ =	shalt  }
0x65: {  	_ =	shalt  }
0x66: {  	_ =	shalt  }
0x67: {  	_ =	shalt  }
0x68: {  	_ =	shalt  }
0x69: {  	_ =	shalt  }
0x6a: {  	_ =	shalt  }
0x6b: {  	_ =	shalt  }
0x6c: {  	_ =	shalt  }
0x6d: {  	_ =	shalt  }
0x6e: {  	_ =	shalt  }
0x6f: {  	_ =	shalt  }
0x70: {  	_ =	shalt  }
0x71: {  	_ =	shalt  }
0x72: {  	_ =	shalt  }
0x73: {  	_ =	shalt  }
0x74: {  	_ =	shalt  }
0x75: {  	_ =	shalt  }
0x76: {  	_ =	shalt  }
0x77: {  	_ =	shalt  }
0x78: {  	_ =	shalt  }
0x79: {  	_ =	shalt  }
0x7a: {  	_ =	shalt  }
0x7b: {  	_ =	shalt  }
0x7c: {  	_ =	shalt  }
0x7d: {  	_ =	shalt  }
0x7e: {  	_ =	shalt  }
0x7f: {  	_ =	shalt  }
0x80: {  	_ =	shalt  }
0x81: {  	_ =	shalt  }
0x82: {  	_ =	shalt  }
0x83: {  	_ =	shalt  }
0x84: {  	_ =	shalt  }
0x85: {  	_ =	shalt  }
0x86: {  	_ =	shalt  }
0x87: {  	_ =	shalt  }
.Lfunc_end0:
.L_simem_size_0:
called_computation.2_lowered:
.L_overlay_start_0:
0x88: {  	s2 =	sld [smem:$0x3FD9]  }
0x89: {  	s3 =	sld [smem:$0x3FFE];
	_ =	sdelay $0x1  }
0x8a: {  	s1 =	srdreg.scid  }
0x8b: {  	s0 =	sand.u32 $0x1, s1  }
0x8c: {  	s17 =	sshll.u32 s0, $0xA;
	s2 =	sadd.s32 s3, s2  }
0x8d: {  	s2 =	sadd.s32 s2, s17  }
0x8e: {  	[smem:$0x3FC3] =	sst s2  }
0x8f: {  	_ = 	snop  }
0x90: {  	(tm) =	ssettm $0x1  }
0x91: {  	s18 =	sld [smem:$0x3FFB];
	_ =	sdelay $0x3  }
0x92: {  	_ =	strace s18  }
0x93: {  	s2 =	sld [smem:$0x3FFC];
	_ =	sdelay $0x3  }
0x94: {  	_ =	strace s2  }
0x95: {  	s2 =	sld [smem:$0x3FFD];
	_ =	sdelay $0x3  }
0x96: {  	_ =	strace s2  }
0x97: {  	_ =	strace $0x8FFFFFFF  }
0x98: {  	s19 =	sld [smem:$0x3FDB];
	_ =	sdelay $0x1  }
0x99: {  	s20 =	simm.s32 $_scs_section_size  }
0x9a: {  	s4 =	simm.s32 $_size__tile_overlayer_lowered;
	s5 =	simm.s32 $_tile_overlayer_lowered  }
0x9b: {  	s6 =	simm.s32 $0x1BFF;
	s21 =	sshll.u32 s5, $0x1;
	s3 =	sadd.s32 s20, s19  }
0x9c: {  	s22 =	simm.s32 $0x0;
	s4 =	sshll.u32 s4, $0x1;
	s5 =	sadd.s32 s21, s3  }
0x9d: {  	[timem:s22], [sflag:s6] =	dma.local [hbm:s5], s4  }
0x9e: {  	_ =	swait.ge [sflag:s6], s4  }
0x9f: {  	s4 =	ssub.s32 $0x0, s4;
	[sflag:s6] =	ssyncset.done $0x0  }
0xa0: {  	[sflag:s6] =	ssyncadd.s32 s4;
	_ =	sdelay $0x1  }
0xa1: {  	s23 =	simm.s32 $0x1B8B  }
0xa2: {  	_ =	swait.ge [sflag:s23], $0x1  }
0xa3: {  	[sflag:s23] =	ssyncset.done $0x0  }
0xa4: {  	[sflag:s23] =	ssyncadd.s32 $0xFFFFFFFF  }
0xa5: {  	s4 =	sld [smem:$0x0]  }
0xa6: {  	s5 =	sand.u32 $0xFFFFFFFE, s1  }
0xa7: {  	p0 =	sne.s32 s1, s5  }
0xa8: {  	s5 =	sshll.u32 @p0 s5, $0xE  }
0xa9: {  	s5 =	sadd.s32 @p0 $0x11B8D, s5;
	s6 =	sshll.u32 @p0 s4, $0x11  }
0xaa: {  	s5 =	sor.u32 @p0 s6, s5  }
0xab: {  	[sflag:s5] =	ssyncadd.remote.s32 @p0 $0x1;
	_ =	sdelay $0x1  }
0xac: {  	s5 =	simm.s32 @p0 $0x1B8D  }
0xad: {  	_ =	swait.eq @p0 [sflag:s5], $0x1  }
0xae: {  	[sflag:s5] =	ssyncadd.s32 @p0 $0xFFFFFFFF  }
0xaf: {  	s6 =	sshll.u32 @!p0 s1, $0xE  }
0xb0: {  	s6 =	sor.u32 @!p0 $0x4000, s6;
	s5 =	simm.s32 @!p0 $0x1B8D  }
0xb1: {  	s4 =	sshll.u32 @!p0 s4, $0x11;
	s6 =	sadd.s32 @!p0 $0x11B8D, s6;
	_ =	swait.eq @!p0 [sflag:s5], $0x1  }
0xb2: {  	s4 =	sor.u32 @!p0 s4, s6;
	[sflag:s5] =	ssyncadd.s32 @!p0 $0xFFFFFFFF  }
0xb3: {  	s25 =	simm.s32 $0x1B8E;
	s24 =	sld [smem:$0x3FFE];
	[sflag:s4] =	ssyncadd.remote.s32 @!p0 $0x1  }
0xb4: {  	s26 =	simm.s32 $execute0_lowered;
	[smem:$0x3FD2] =	sst s25  }
0xb5: {  	s5 =	sshll.u32 s26, $0x1;
	_ =	strace $0x8000004C;
	[dreg:$0x1] =	wrdreg $0xFFFFFFFF  }
0xb6: {  	s28 =	simm.s32 $_size_execute0_lowered;
	s3 =	sadd.s32 s3, s5;
	[dreg:$0x0] =	wrdreg $0x0  }
0xb7: {  	s5 =	sshll.u32 s28, $0x1;
	[dreg:$0x2] =	wrdreg s3  }
0xb8: {  	[dreg:$0x3] =	wrdreg s5  }
0xb9: {  	[dreg:$0x4] =	wrdreg $0xC0  }
0xba: {  	_ =	task [dreg:s22], $0x5FFFF  }
0xbb: {  	[dreg:$0x1] =	wrdreg $0xFFFFFFFF  }
0xbc: {  	[dreg:$0x0] =	wrdreg $0x60  }
0xbd: {  	[dreg:$0x2] =	wrdreg s24  }
0xbe: {  	[dreg:$0x3] =	wrdreg $0xB  }
0xbf: {  	_ =	task.clear_ibuf [dreg:s22], $0x4FFFF;
	_ =	strace $0x9000004C  }
0xc0: {  	s29 =	simm.s32 $0xB;
	_ =	strace $0x8000004E  }
0xc1: {  	_ =	swait.ge [sflag:s29], $0x1  }
0xc2: {  	[sflag:s29] =	ssyncadd.s32 $0xFFFFFFFF  }
0xc3: {  	_ =	strace $0x9000004E  }
0xc4: {  	_ =	sfence  }
0xc5: {  	s30 =	sld [smem:$0x0];
	_ =	sdelay $0x2  }
0xc6: {  	s31 =	sshll.u32 s1, $0xD;
	s1 =	sshrl.u32 s1, $0x2  }
0xc7: {  	s4 =	sand.u32 $0x4000, s31;
	s1 =	sadd.s32 s1, s30  }
0xc8: {  	s0 =	sor.u32 s4, s0;
	s1 =	sshll.u32 s1, $0x11  }
0xc9: {  	s0 =	sor.u32 s1, s0  }
0xca: {  	s0 =	sadd.s32 $0x8F2B, s0  }
0xcb: {  	[sflag:s0] =	ssyncadd.remote.s32 $0x1  }
0xcc: {  	_ =	sfence.sel $0xFFFF  }
0xcd: {  	[dreg:$0x0] =	wrdreg $0xFFFFFFFF;
	(pc) =	sbr.abs _section_cstart, $3  }
0xce: {  	[dreg:$0x1] =	wrdreg $0xFFFFFFFF  }
0xcf: {  	_ =	task.clear_ibuf [dreg:s22], $0x2FFFF;
	_ =	strace $0x9FFFFFFF  }
0xd0: {  	(tm) =	ssettm $0x7FFFFFFF  }
0xd1: {  	_ =	shalt  }
tec
execute0_lowered:
.L_overlay_start_1:
0x0: {  	(tag) =	ssettag $0x1  }
0x1: {  	s1 =	srdreg.scid  }
0x2: {  	s0 =	stileid.u32;
	s30 =	sand.u32 $0x1, s1  }
0x3: {  	s26 =	sshll.u32 s0, $0xC;
	s2 =	sshll.u32 s30, $0xB  }
0x4: {  	s15 =	sor.u32 s2, s26  }
0x5: {  	s14 =	rddreg [dreg:$0x0];
	s2 =	simm.s32 $0x0;
	s3 =	sshrl.u32 s15, $0x3  }
0x6: {  	[smem:$0x7FF] =	sst s2;
	s3 =	sadd.s32 s3, s14  }
0x7: {  	_ =	strace $0x8000004D;
	s4 =	sadd.s32 $0x247600, s3;
	s3 =	simm.s32 $0x2  }
0x8: {  	[tilespmem:s2], [sflag:$0x2] =	stream.linear.gather [hbm4b:s4+s2], $0x800, $0x38;
	[tilespmem:$0x10800] =	vst v63  }
0x9: {  	_ =	swait.ge [sflag:s3], $0x800  }
0xa: {  	s6 =	simm.s32 $0x80;
	[sflag:s3] =	ssyncset.done $0x0  }
0xb: {  	s7 =	simm.s32 $0x800;
	s5 =	sadd.s32 $0x237600, s14;
	[sflag:s3] =	ssyncadd.s32 $0xFFFFF800  }
0xc: {  	[tilespmem:s7], [sflag:$0x1] =	stream.indirect.gather [hbm4b:s5+s6], $0x80, s2, s6, $0xb8;
	[tilespmem:$0x10800] =	vst v63  }
0xd: {  	s8 =	simm.s32 $0x4800  }
0xe: {  	[tilespmem:s8], [sflag:$0x1] =	stream.indirect.gather [hbm4b:s5+s6], $0x80, s6, s6, $0xb8;
	[tilespmem:$0x10800] =	vst v63  }
0xf: {  	s9 =	simm.s32 $0x100;
	s10 =	simm.s32 $0x8800  }
0x10: {  	[tilespmem:s10], [sflag:$0x1] =	stream.indirect.gather [hbm4b:s5+s6], $0x80, s9, s6, $0xb8;
	[tilespmem:$0x10800] =	vst v63  }
0x11: {  	s11 =	simm.s32 $0x180;
	s12 =	simm.s32 $0xC800;
	s13 =	simm.s32 $0x1  }
0x12: {  	[tilespmem:s12], [sflag:$0x1] =	stream.indirect.gather [hbm4b:s5+s6], $0x80, s11, s6, $0xb8;
	[tilespmem:$0x10800] =	vst v63  }
0x13: {  	_ =	swait.ge [sflag:s13], $0x4000  }
0x14: {  	[sflag:s13] =	ssyncset.done $0x0  }
0x15: {  	[sflag:s13] =	ssyncadd.s32 $0xFFFFC000  }
0x16: {  	_ =	swait.ge [sflag:s13], $0x4000  }
0x17: {  	[sflag:s13] =	ssyncset.done $0x0  }
0x18: {  	[sflag:s13] =	ssyncadd.s32 $0xFFFFC000  }
0x19: {  	_ =	swait.ge [sflag:s13], $0x4000  }
0x1a: {  	[sflag:s13] =	ssyncset.done $0x0  }
0x1b: {  	[sflag:s13] =	ssyncadd.s32 $0xFFFFC000  }
0x1c: {  	s15 =	sshll.u32 s15, $0x4;
	_ =	swait.ge [sflag:s13], $0x4000  }
0x1d: {  	s31 =	sadd.s32 s15, s14;
	[sflag:s13] =	ssyncset.done $0x0  }
0x1e: {  	s14 =	sadd.s32 $0x249600, s31;
	[sflag:s13] =	ssyncadd.s32 $0xFFFFC000  }
0x1f: {  	[hbm4b:s14+s2] =	stream.linear.scatter [tilespmem:s7], [sflag:$0x2], $0x10000, $0x38;
	[tilespmem:$0x10800] =	vst v63  }
0x20: {  	_ =	swait.ge [sflag:s3], $0x10000  }
0x21: {  	[sflag:s3] =	ssyncset.done $0x0  }
0x22: {  	s15 =	simm.s32 $0x200;
	[sflag:s3] =	ssyncadd.s32 $0xFFFF0000  }
0x23: {  	[tilespmem:s7], [sflag:$0x1] =	stream.indirect.gather [hbm4b:s5+s6], $0x80, s15, s6, $0xb8;
	[tilespmem:$0x10800] =	vst v63  }
0x24: {  	s16 =	simm.s32 $0x280  }
0x25: {  	[tilespmem:s8], [sflag:$0x1] =	stream.indirect.gather [hbm4b:s5+s6], $0x80, s16, s6, $0xb8;
	[tilespmem:$0x10800] =	vst v63  }
0x26: {  	s17 =	simm.s32 $0x300  }
0x27: {  	[tilespmem:s10], [sflag:$0x1] =	stream.indirect.gather [hbm4b:s5+s6], $0x80, s17, s6, $0xb8;
	[tilespmem:$0x10800] =	vst v63  }
0x28: {  	s18 =	simm.s32 $0x380  }
0x29: {  	[tilespmem:s12], [sflag:$0x1] =	stream.indirect.gather [hbm4b:s5+s6], $0x80, s18, s6, $0xb8;
	[tilespmem:$0x10800] =	vst v63  }
0x2a: {  	_ =	swait.ge [sflag:s13], $0x4000  }
0x2b: {  	[sflag:s13] =	ssyncset.done $0x0  }
0x2c: {  	[sflag:s13] =	ssyncadd.s32 $0xFFFFC000  }
0x2d: {  	_ =	swait.ge [sflag:s13], $0x4000  }
0x2e: {  	[sflag:s13] =	ssyncset.done $0x0  }
0x2f: {  	[sflag:s13] =	ssyncadd.s32 $0xFFFFC000  }
0x30: {  	_ =	swait.ge [sflag:s13], $0x4000  }
0x31: {  	[sflag:s13] =	ssyncset.done $0x0  }
0x32: {  	[sflag:s13] =	ssyncadd.s32 $0xFFFFC000  }
0x33: {  	_ =	swait.ge [sflag:s13], $0x4000  }
0x34: {  	[sflag:s13] =	ssyncset.done $0x0  }
0x35: {  	s19 =	sadd.s32 $0x24B600, s31;
	[sflag:s13] =	ssyncadd.s32 $0xFFFFC000  }
0x36: {  	[hbm4b:s19+s2] =	stream.linear.scatter [tilespmem:s7], [sflag:$0x2], $0x10000, $0x38;
	[tilespmem:$0x10800] =	vst v63  }
0x37: {  	_ =	swait.ge [sflag:s3], $0x10000  }
0x38: {  	[sflag:s3] =	ssyncset.done $0x0  }
0x39: {  	s20 =	simm.s32 $0x400;
	[sflag:s3] =	ssyncadd.s32 $0xFFFF0000  }
0x3a: {  	[tilespmem:s7], [sflag:$0x1] =	stream.indirect.gather [hbm4b:s5+s6], $0x80, s20, s6, $0xb8;
	[tilespmem:$0x10800] =	vst v63  }
0x3b: {  	s21 =	simm.s32 $0x480  }
0x3c: {  	[tilespmem:s8], [sflag:$0x1] =	stream.indirect.gather [hbm4b:s5+s6], $0x80, s21, s6, $0xb8;
	[tilespmem:$0x10800] =	vst v63  }
0x3d: {  	s22 =	simm.s32 $0x500  }
0x3e: {  	[tilespmem:s10], [sflag:$0x1] =	stream.indirect.gather [hbm4b:s5+s6], $0x80, s22, s6, $0xb8;
	[tilespmem:$0x10800] =	vst v63  }
0x3f: {  	s23 =	simm.s32 $0x580  }
0x40: {  	[tilespmem:s12], [sflag:$0x1] =	stream.indirect.gather [hbm4b:s5+s6], $0x80, s23, s6, $0xb8;
	[tilespmem:$0x10800] =	vst v63  }
0x41: {  	_ =	swait.ge [sflag:s13], $0x4000  }
0x42: {  	[sflag:s13] =	ssyncset.done $0x0  }
0x43: {  	[sflag:s13] =	ssyncadd.s32 $0xFFFFC000  }
0x44: {  	_ =	swait.ge [sflag:s13], $0x4000  }
0x45: {  	[sflag:s13] =	ssyncset.done $0x0  }
0x46: {  	[sflag:s13] =	ssyncadd.s32 $0xFFFFC000  }
0x47: {  	_ =	swait.ge [sflag:s13], $0x4000  }
0x48: {  	[sflag:s13] =	ssyncset.done $0x0  }
0x49: {  	[sflag:s13] =	ssyncadd.s32 $0xFFFFC000  }
0x4a: {  	_ =	swait.ge [sflag:s13], $0x4000  }
0x4b: {  	[sflag:s13] =	ssyncset.done $0x0  }
0x4c: {  	s24 =	sadd.s32 $0x24D600, s31;
	[sflag:s13] =	ssyncadd.s32 $0xFFFFC000  }
0x4d: {  	[hbm4b:s24+s2] =	stream.linear.scatter [tilespmem:s7], [sflag:$0x2], $0x10000, $0x38;
	[tilespmem:$0x10800] =	vst v63  }
0x4e: {  	_ =	swait.ge [sflag:s3], $0x10000  }
0x4f: {  	[sflag:s3] =	ssyncset.done $0x0  }
0x50: {  	s25 =	simm.s32 $0x600;
	[sflag:s3] =	ssyncadd.s32 $0xFFFF0000  }
0x51: {  	[tilespmem:s7], [sflag:$0x1] =	stream.indirect.gather [hbm4b:s5+s6], $0x80, s25, s6, $0xb8;
	[tilespmem:$0x10800] =	vst v63  }
0x52: {  	s26 =	simm.s32 $0x680  }
0x53: {  	[tilespmem:s8], [sflag:$0x1] =	stream.indirect.gather [hbm4b:s5+s6], $0x80, s26, s6, $0xb8;
	[tilespmem:$0x10800] =	vst v63  }
0x54: {  	s28 =	simm.s32 $0x700  }
0x55: {  	[tilespmem:s10], [sflag:$0x1] =	stream.indirect.gather [hbm4b:s5+s6], $0x80, s28, s6, $0xb8;
	[tilespmem:$0x10800] =	vst v63  }
0x56: {  	s29 =	simm.s32 $0x780  }
0x57: {  	[tilespmem:s12], [sflag:$0x1] =	stream.indirect.gather [hbm4b:s5+s6], $0x80, s29, s6, $0xb8;
	[tilespmem:$0x10800] =	vst v63  }
0x58: {  	_ =	swait.ge [sflag:s13], $0x4000  }
0x59: {  	[sflag:s13] =	ssyncset.done $0x0  }
0x5a: {  	[sflag:s13] =	ssyncadd.s32 $0xFFFFC000  }
0x5b: {  	_ =	swait.ge [sflag:s13], $0x4000  }
0x5c: {  	[sflag:s13] =	ssyncset.done $0x0  }
0x5d: {  	s30 =	ssub.s32 $0x2, s30;
	[sflag:s13] =	ssyncadd.s32 $0xFFFFC000  }
0x5e: {  	s1 =	sshrl.u32 s30, $0x1;
	_ =	swait.ge [sflag:s13], $0x4000  }
0x5f: {  	s1 =	ssub.s32 s30, s1;
	[sflag:s13] =	ssyncset.done $0x0  }
0x60: {  	s1 =	smax.u32 s1, $0x1;
	[sflag:s13] =	ssyncadd.s32 $0xFFFFC000  }
0x61: {  	p0 =	sne.s32 s1, $0x1;
	_ =	swait.ge [sflag:s13], $0x4000  }
.Ltmp0:
0x62: {  	[sflag:s13] =	ssyncset.done $0x0;
	(pc) =	sbr.rel @!p0 .LBB2_2-.Ltmp0, $4  }
0x63: {  	s30 =	sadd.s32 $0x24F600, s31;
	[sflag:s13] =	ssyncadd.s32 $0xFFFFC000  }
0x64: {  	[hbm4b:s30+s2] =	stream.linear.scatter [tilespmem:s7], [sflag:$0x2], $0x10000, $0x38;
	[tilespmem:$0x10800] =	vst v63  }
0x65: {  	_ =	swait.ge [sflag:s3], $0x10000  }
0x66: {  	s31 =	sadd.s32 $0xFFFFFFFF, s1;
	[sflag:s3] =	ssyncset.done $0x0  }
.LBB2_1:
0x67: {  	p0 =	sne.s32 s31, $0x1;
	s31 =	sadd.s32 $0xFFFFFFFF, s31;
	[sflag:s3] =	ssyncadd.s32 $0xFFFF0000  }
0x68: {  	[tilespmem:s2], [sflag:$0x2] =	stream.linear.gather [hbm4b:s4+s2], $0x800, $0x38;
	[tilespmem:$0x10800] =	vst v63  }
0x69: {  	_ =	swait.ge [sflag:s3], $0x800  }
0x6a: {  	[sflag:s3] =	ssyncset.done $0x0  }
0x6b: {  	[sflag:s3] =	ssyncadd.s32 $0xFFFFF800  }
0x6c: {  	[tilespmem:s7], [sflag:$0x1] =	stream.indirect.gather [hbm4b:s5+s6], $0x80, s2, s6, $0xb8;
	[tilespmem:$0x10800] =	vst v63  }
0x6d: {  	_ = 	snop  }
0x6e: {  	[tilespmem:s8], [sflag:$0x1] =	stream.indirect.gather [hbm4b:s5+s6], $0x80, s6, s6, $0xb8;
	[tilespmem:$0x10800] =	vst v63  }
0x6f: {  	_ = 	snop  }
0x70: {  	[tilespmem:s10], [sflag:$0x1] =	stream.indirect.gather [hbm4b:s5+s6], $0x80, s9, s6, $0xb8;
	[tilespmem:$0x10800] =	vst v63  }
0x71: {  	_ = 	snop  }
0x72: {  	[tilespmem:s12], [sflag:$0x1] =	stream.indirect.gather [hbm4b:s5+s6], $0x80, s11, s6, $0xb8;
	[tilespmem:$0x10800] =	vst v63  }
0x73: {  	_ =	swait.ge [sflag:s13], $0x4000  }
0x74: {  	[sflag:s13] =	ssyncset.done $0x0  }
0x75: {  	[sflag:s13] =	ssyncadd.s32 $0xFFFFC000  }
0x76: {  	_ =	swait.ge [sflag:s13], $0x4000  }
0x77: {  	[sflag:s13] =	ssyncset.done $0x0  }
0x78: {  	[sflag:s13] =	ssyncadd.s32 $0xFFFFC000  }
0x79: {  	_ =	swait.ge [sflag:s13], $0x4000  }
0x7a: {  	[sflag:s13] =	ssyncset.done $0x0  }
0x7b: {  	[sflag:s13] =	ssyncadd.s32 $0xFFFFC000  }
0x7c: {  	_ =	swait.ge [sflag:s13], $0x4000  }
0x7d: {  	[sflag:s13] =	ssyncset.done $0x0  }
0x7e: {  	[sflag:s13] =	ssyncadd.s32 $0xFFFFC000  }
0x7f: {  	[hbm4b:s14+s2] =	stream.linear.scatter [tilespmem:s7], [sflag:$0x2], $0x10000, $0x38;
	[tilespmem:$0x10800] =	vst v63  }
0x80: {  	_ =	swait.ge [sflag:s3], $0x10000  }
0x81: {  	[sflag:s3] =	ssyncset.done $0x0  }
0x82: {  	[sflag:s3] =	ssyncadd.s32 $0xFFFF0000  }
0x83: {  	[tilespmem:s7], [sflag:$0x1] =	stream.indirect.gather [hbm4b:s5+s6], $0x80, s15, s6, $0xb8;
	[tilespmem:$0x10800] =	vst v63  }
0x84: {  	_ = 	snop  }
0x85: {  	[tilespmem:s8], [sflag:$0x1] =	stream.indirect.gather [hbm4b:s5+s6], $0x80, s16, s6, $0xb8;
	[tilespmem:$0x10800] =	vst v63  }
0x86: {  	_ = 	snop  }
0x87: {  	[tilespmem:s10], [sflag:$0x1] =	stream.indirect.gather [hbm4b:s5+s6], $0x80, s17, s6, $0xb8;
	[tilespmem:$0x10800] =	vst v63  }
0x88: {  	_ = 	snop  }
0x89: {  	[tilespmem:s12], [sflag:$0x1] =	stream.indirect.gather [hbm4b:s5+s6], $0x80, s18, s6, $0xb8;
	[tilespmem:$0x10800] =	vst v63  }
0x8a: {  	_ =	swait.ge [sflag:s13], $0x4000  }
0x8b: {  	[sflag:s13] =	ssyncset.done $0x0  }
0x8c: {  	[sflag:s13] =	ssyncadd.s32 $0xFFFFC000  }
0x8d: {  	_ =	swait.ge [sflag:s13], $0x4000  }
0x8e: {  	[sflag:s13] =	ssyncset.done $0x0  }
0x8f: {  	[sflag:s13] =	ssyncadd.s32 $0xFFFFC000  }
0x90: {  	_ =	swait.ge [sflag:s13], $0x4000  }
0x91: {  	[sflag:s13] =	ssyncset.done $0x0  }
0x92: {  	[sflag:s13] =	ssyncadd.s32 $0xFFFFC000  }
0x93: {  	_ =	swait.ge [sflag:s13], $0x4000  }
0x94: {  	[sflag:s13] =	ssyncset.done $0x0  }
0x95: {  	[sflag:s13] =	ssyncadd.s32 $0xFFFFC000  }
0x96: {  	[hbm4b:s19+s2] =	stream.linear.scatter [tilespmem:s7], [sflag:$0x2], $0x10000, $0x38;
	[tilespmem:$0x10800] =	vst v63  }
0x97: {  	_ =	swait.ge [sflag:s3], $0x10000  }
0x98: {  	[sflag:s3] =	ssyncset.done $0x0  }
0x99: {  	[sflag:s3] =	ssyncadd.s32 $0xFFFF0000  }
0x9a: {  	[tilespmem:s7], [sflag:$0x1] =	stream.indirect.gather [hbm4b:s5+s6], $0x80, s20, s6, $0xb8;
	[tilespmem:$0x10800] =	vst v63  }
0x9b: {  	_ = 	snop  }
0x9c: {  	[tilespmem:s8], [sflag:$0x1] =	stream.indirect.gather [hbm4b:s5+s6], $0x80, s21, s6, $0xb8;
	[tilespmem:$0x10800] =	vst v63  }
0x9d: {  	_ = 	snop  }
0x9e: {  	[tilespmem:s10], [sflag:$0x1] =	stream.indirect.gather [hbm4b:s5+s6], $0x80, s22, s6, $0xb8;
	[tilespmem:$0x10800] =	vst v63  }
0x9f: {  	_ = 	snop  }
0xa0: {  	[tilespmem:s12], [sflag:$0x1] =	stream.indirect.gather [hbm4b:s5+s6], $0x80, s23, s6, $0xb8;
	[tilespmem:$0x10800] =	vst v63  }
0xa1: {  	_ =	swait.ge [sflag:s13], $0x4000  }
0xa2: {  	[sflag:s13] =	ssyncset.done $0x0  }
0xa3: {  	[sflag:s13] =	ssyncadd.s32 $0xFFFFC000  }
0xa4: {  	_ =	swait.ge [sflag:s13], $0x4000  }
0xa5: {  	[sflag:s13] =	ssyncset.done $0x0  }
0xa6: {  	[sflag:s13] =	ssyncadd.s32 $0xFFFFC000  }
0xa7: {  	_ =	swait.ge [sflag:s13], $0x4000  }
0xa8: {  	[sflag:s13] =	ssyncset.done $0x0  }
0xa9: {  	[sflag:s13] =	ssyncadd.s32 $0xFFFFC000  }
0xaa: {  	_ =	swait.ge [sflag:s13], $0x4000  }
0xab: {  	[sflag:s13] =	ssyncset.done $0x0  }
0xac: {  	[sflag:s13] =	ssyncadd.s32 $0xFFFFC000  }
0xad: {  	[hbm4b:s24+s2] =	stream.linear.scatter [tilespmem:s7], [sflag:$0x2], $0x10000, $0x38;
	[tilespmem:$0x10800] =	vst v63  }
0xae: {  	_ =	swait.ge [sflag:s3], $0x10000  }
0xaf: {  	[sflag:s3] =	ssyncset.done $0x0  }
0xb0: {  	[sflag:s3] =	ssyncadd.s32 $0xFFFF0000  }
0xb1: {  	[tilespmem:s7], [sflag:$0x1] =	stream.indirect.gather [hbm4b:s5+s6], $0x80, s25, s6, $0xb8;
	[tilespmem:$0x10800] =	vst v63  }
0xb2: {  	_ = 	snop  }
0xb3: {  	[tilespmem:s8], [sflag:$0x1] =	stream.indirect.gather [hbm4b:s5+s6], $0x80, s26, s6, $0xb8;
	[tilespmem:$0x10800] =	vst v63  }
0xb4: {  	_ = 	snop  }
0xb5: {  	[tilespmem:s10], [sflag:$0x1] =	stream.indirect.gather [hbm4b:s5+s6], $0x80, s28, s6, $0xb8;
	[tilespmem:$0x10800] =	vst v63  }
0xb6: {  	_ = 	snop  }
0xb7: {  	[tilespmem:s12], [sflag:$0x1] =	stream.indirect.gather [hbm4b:s5+s6], $0x80, s29, s6, $0xb8;
	[tilespmem:$0x10800] =	vst v63  }
0xb8: {  	_ =	swait.ge [sflag:s13], $0x4000  }
0xb9: {  	[sflag:s13] =	ssyncset.done $0x0  }
0xba: {  	[sflag:s13] =	ssyncadd.s32 $0xFFFFC000  }
0xbb: {  	_ =	swait.ge [sflag:s13], $0x4000  }
0xbc: {  	[sflag:s13] =	ssyncset.done $0x0  }
0xbd: {  	[sflag:s13] =	ssyncadd.s32 $0xFFFFC000  }
0xbe: {  	_ =	swait.ge [sflag:s13], $0x4000  }
0xbf: {  	[sflag:s13] =	ssyncset.done $0x0  }
0xc0: {  	[sflag:s13] =	ssyncadd.s32 $0xFFFFC000  }
0xc1: {  	_ =	swait.ge [sflag:s13], $0x4000  }
.Ltmp1:
0xc2: {  	[sflag:s13] =	ssyncset.done $0x0;
	(pc) =	sbr.rel @p0 .LBB2_1-.Ltmp1, $4  }
0xc3: {  	[sflag:s13] =	ssyncadd.s32 $0xFFFFC000  }
0xc4: {  	[hbm4b:s30+s2] =	stream.linear.scatter [tilespmem:s7], [sflag:$0x2], $0x10000, $0x38;
	[tilespmem:$0x10800] =	vst v63  }
0xc5: {  	_ =	swait.ge [sflag:s3], $0x10000  }
0xc6: {  	[sflag:s3] =	ssyncset.done $0x0  }
.LBB2_2:
0xc7: {  	[sflag:s3] =	ssyncadd.s32 $0xFFFF0000  }
0xc8: {  	_ =	sfence.sel $0x180000  }
0xc9: {  	[bflag:$0x0] =	sbarrier.arrive $0xFFFF  }
0xca: {  	_ =	strace $0x9000004D  }
0xcb: {  	[bflag:$0x2] =	sbarrier.arrive $0xFFFF  }
0xcc: {  	p0 =	sne.s32 s0, $0x0;
	s0 =	rddreg [dreg:$0x1]  }
0xcd: {  	s0 =	sadd.s32 @!p0 $0x100000, s0  }
0xce: {  	[sflag:s0] =	ssyncadd.tile.s32 @!p0 $0x1;
	_ =	shalt  }
.Lfunc_end2:
_tile_overlayer_lowered:
.L_overlay_start_2:
0xcf: {  	(tag) =	ssettag $0x2  }
0xd0: {  	s0 =	rddreg [dreg:$0x0];
	s2 =	stileid.u32  }
0xd1: {  	s1 =	rddreg [dreg:$0x1];
	p0 =	sne.s32 s2, $0x0  }
0xd2: {  	s3 =	rddreg [dreg:$0x2];
	[bflag:$0x3] =	sbarrier.arrive $0xFFFF;
	s2 =	simm.s32 @!p0 $0x1C02  }
0xd3: {  	[timem:s3], [sflag:s2] =	dma.local @!p0 [hbm:s0], s1  }
0xd4: {  	s0 =	simm.s32 @!p0 $0x2  }
0xd5: {  	_ =	swait.ge @!p0 [sflag:s0], s1  }
0xd6: {  	s1 =	ssub.s32 @!p0 $0x0, s1;
	[sflag:s0] =	ssyncset.done @!p0 $0x0  }
0xd7: {  	[sflag:s0] =	ssyncadd.s32 @!p0 s1  }
0xd8: {  	[bflag:$0x3] =	sbarrier.arrive $0xFFFF  }
0xd9: {  	_ =	shalt  }

// kernel: kernel.23.cloned.1.call-start
scs
__scs_entry_jumppad:
0x0: {  	(pc) =	sbr.rel $0x88, $3  }
0x1: {  	(tag) =	ssettag $0x0;
	lr =	simm.s32 $0x1  }
0x2: {  	[smem:$0x3F9C] =	sst lr;
	_ =	strace $0xD0000000  }
0x3: {  	_ = 	snop  }
0x4: {  	_ = 	snop  }
0x5: {  	_ = 	snop  }
0x6: {  	_ = 	snop  }
0x7: {  	_ = 	snop  }
__scs_overlays_trampoline_lowered:
0x8: {  	[smem:$0x3FAB] =	sst s0  }
0x9: {  	[smem:$0x3FAC] =	sst s1  }
0xa: {  	[smem:$0x3FAD] =	sst s2  }
0xb: {  	[smem:$0x3FAE] =	sst s3  }
0xc: {  	[smem:$0x3FAF] =	sst s4  }
0xd: {  	[smem:$0x3FB0] =	sst s5  }
0xe: {  	[smem:$0x3FB1] =	sst s6  }
0xf: {  	[smem:$0x3FB2] =	sst s7  }
0x10: {  	[smem:$0x3FB3] =	sst s8  }
0x11: {  	[smem:$0x3FB4] =	sst s9;
	s0 =	simm.s32 @!p0 $0x0  }
0x12: {  	s1 =	sld [smem:$0x3F9A];
	s0 =	simm.s32 @p0 $0x1  }
0x13: {  	[smem:$0x3FB5] =	sst s0;
	s0 =	simm.s32 @!p1 $0x0  }
0x14: {  	s2 =	sld [smem:$0x3F99];
	s0 =	simm.s32 @p1 $0x1  }
0x15: {  	[smem:$0x3FB6] =	sst s0;
	s0 =	simm.s32 @!p2 $0x0  }
0x16: {  	s3 =	sld [smem:$0x3FDB];
	s0 =	simm.s32 @p2 $0x1  }
0x17: {  	s4 =	simm.s32 $0x1BF5;
	[smem:$0x3FB8] =	sst s0  }
0x18: {  	s0 =	sld [smem:$0x3F9B];
	_ =	swait.ge [sflag:s4], $0x0  }
0x19: {  	s7 =	sld [smem:$0x3F9C]  }
0x1a: {  	s8 =	sadd.s32 $0xFFFFE003, lr  }
0x1b: {  	s9 =	sadd.s32 $0xFFFFFEF7, lr;
	s5 =	simm.s32 $0xFFFFFFFF;
	p2 =	slt.u32 s8, $0xFFFFF086  }
0x1c: {  	p1 =	slt.u32 s9, $0xF7A;
	s5 =	simm.s32 @!p2 $0x0  }
0x1d: {  	s5 =	simm.s32 @p1 $0x1;
	p0 =	seq.s32 s7, s2  }
0x1e: {  	s7 =	smul.u32 @!p0 $0xF7A, s2;
	p2 =	seq.s32 @!p0 s5, $0x0  }
0x1f: {  	s9 =	smul.u32 $0xF7A, s1;
	s8 =	simm.s32 @!p0 $0x1BF5;
	p2 =	por !p2, p0  }
0x20: {  	[sflag:s8] =	ssyncset.s32 @!p0 $0xFFFFF086;
	s6 =	sadd.s32 @!p0 s3, s7;
	s7 =	simm.s32 @!p0 $0x108  }
0x21: {  	s3 =	sadd.s32 s3, s9;
	s6 =	sadd.s32 @!p0 $0x88, s6;
	s7 =	simm.s32 @p2 $0x1082  }
0x22: {  	[simem:s7], [sflag:s8] =	dma.local @!p0 [hbm:s6], $0xF7A  }
0x23: {  	s9 =	sor.u32 $0xD0000000, s2;
	s6 =	simm.s32 $0x108;
	_ =	swait.ge @!p0 [sflag:s8], $0x0  }
0x24: {  	s3 =	sadd.s32 $0x88, s3;
	s6 =	simm.s32 @!p1 $0x1082;
	[sflag:s4] =	ssyncset.s32 $0xFFFFF086  }
0x25: {  	[simem:s6], [sflag:s4] =	dma.local [hbm:s3], $0xF7A  }
0x26: {  	[smem:$0x3F9C] =	sst s1;
	(tag) =	ssettag s2;
	_ =	strace s9  }
0x27: {  	s1 =	sld [smem:$0x3FAC]  }
0x28: {  	s2 =	sld [smem:$0x3FAD]  }
0x29: {  	s4 =	sld [smem:$0x3FAF]  }
0x2a: {  	p0 =	seq.s32 s5, $0x0;
	s5 =	sld [smem:$0x3FB0]  }
0x2b: {  	s6 =	sld [smem:$0x3FB1]  }
0x2c: {  	s7 =	sld [smem:$0x3FB2]  }
0x2d: {  	s3 =	simm.s32 $0x108;
	s8 =	sld [smem:$0x3FB3]  }
0x2e: {  	s3 =	simm.s32 @!p0 $0x1082;
	s9 =	sld [smem:$0x3FB4]  }
0x2f: {  	lr =	sadd.s32 s0, s3;
	s0 =	sld [smem:$0x3FAB]  }
0x30: {  	s3 =	sld [smem:$0x3FAE]  }
0x31: {  	[smem:$0x3FB7] =	sst s10  }
0x32: {  	s10 =	sld [smem:$0x3FB5];
	_ =	sdelay $0x3  }
0x33: {  	p0 =	seq.s32 s10, $0x1;
	s10 =	sld [smem:$0x3FB7];
	_ =	sdelay $0x3  }
0x34: {  	[smem:$0x3FB7] =	sst s10  }
0x35: {  	s10 =	sld [smem:$0x3FB6];
	_ =	sdelay $0x3  }
0x36: {  	p1 =	seq.s32 s10, $0x1;
	s10 =	sld [smem:$0x3FB7];
	_ =	sdelay $0x3  }
0x37: {  	[smem:$0x3FB7] =	sst s10  }
0x38: {  	s10 =	sld [smem:$0x3FB8]  }
0x39: {  	_ = 	snop;
	(pc) =	sbr.ind lr, $3  }
0x3a: {  	_ = 	snop  }
0x3b: {  	_ = 	snop  }
0x3c: {  	p2 =	seq.s32 s10, $0x1;
	s10 =	sld [smem:$0x3FB7]  }
0x3d: {  	_ =	shalt  }
0x3e: {  	_ =	shalt  }
0x3f: {  	_ =	shalt  }
0x40: {  	_ =	shalt  }
0x41: {  	_ =	shalt  }
0x42: {  	_ =	shalt  }
0x43: {  	_ =	shalt  }
0x44: {  	_ =	shalt  }
0x45: {  	_ =	shalt  }
0x46: {  	_ =	shalt  }
0x47: {  	_ =	shalt  }
0x48: {  	_ =	shalt  }
0x49: {  	_ =	shalt  }
0x4a: {  	_ =	shalt  }
0x4b: {  	_ =	shalt  }
0x4c: {  	_ =	shalt  }
0x4d: {  	_ =	shalt  }
0x4e: {  	_ =	shalt  }
0x4f: {  	_ =	shalt  }
0x50: {  	_ =	shalt  }
0x51: {  	_ =	shalt  }
0x52: {  	_ =	shalt  }
0x53: {  	_ =	shalt  }
0x54: {  	_ =	shalt  }
0x55: {  	_ =	shalt  }
0x56: {  	_ =	shalt  }
0x57: {  	_ =	shalt  }
0x58: {  	_ =	shalt  }
0x59: {  	_ =	shalt  }
0x5a: {  	_ =	shalt  }
0x5b: {  	_ =	shalt  }
0x5c: {  	_ =	shalt  }
0x5d: {  	_ =	shalt  }
0x5e: {  	_ =	shalt  }
0x5f: {  	_ =	shalt  }
0x60: {  	_ =	shalt  }
0x61: {  	_ =	shalt  }
0x62: {  	_ =	shalt  }
0x63: {  	_ =	shalt  }
0x64: {  	_ =	shalt  }
0x65: {  	_ =	shalt  }
0x66: {  	_ =	shalt  }
0x67: {  	_ =	shalt  }
0x68: {  	_ =	shalt  }
0x69: {  	_ =	shalt  }
0x6a: {  	_ =	shalt  }
0x6b: {  	_ =	shalt  }
0x6c: {  	_ =	shalt  }
0x6d: {  	_ =	shalt  }
0x6e: {  	_ =	shalt  }
0x6f: {  	_ =	shalt  }
0x70: {  	_ =	shalt  }
0x71: {  	_ =	shalt  }
0x72: {  	_ =	shalt  }
0x73: {  	_ =	shalt  }
0x74: {  	_ =	shalt  }
0x75: {  	_ =	shalt  }
0x76: {  	_ =	shalt  }
0x77: {  	_ =	shalt  }
0x78: {  	_ =	shalt  }
0x79: {  	_ =	shalt  }
0x7a: {  	_ =	shalt  }
0x7b: {  	_ =	shalt  }
0x7c: {  	_ =	shalt  }
0x7d: {  	_ =	shalt  }
0x7e: {  	_ =	shalt  }
0x7f: {  	_ =	shalt  }
0x80: {  	_ =	shalt  }
0x81: {  	_ =	shalt  }
0x82: {  	_ =	shalt  }
0x83: {  	_ =	shalt  }
0x84: {  	_ =	shalt  }
0x85: {  	_ =	shalt  }
0x86: {  	_ =	shalt  }
0x87: {  	_ =	shalt  }
.Lfunc_end0:
.L_simem_size_0:
called_computation.3_lowered:
.L_overlay_start_0:
0x88: {  	s2 =	sld [smem:$0x3FD9]  }
0x89: {  	s3 =	sld [smem:$0x3FFE];
	_ =	sdelay $0x1  }
0x8a: {  	s1 =	srdreg.scid  }
0x8b: {  	s0 =	sand.u32 $0x1, s1  }
0x8c: {  	s17 =	sshll.u32 s0, $0xA;
	s2 =	sadd.s32 s3, s2  }
0x8d: {  	s2 =	sadd.s32 s2, s17  }
0x8e: {  	[smem:$0x3FC3] =	sst s2  }
0x8f: {  	_ = 	snop  }
0x90: {  	s18 =	sld [smem:$0x3FD0];
	(tm) =	ssettm $0x1  }
0x91: {  	s19 =	sld [smem:$0x3FFB];
	_ =	sdelay $0x3  }
0x92: {  	_ =	strace s19  }
0x93: {  	s2 =	sld [smem:$0x3FFC];
	_ =	sdelay $0x3  }
0x94: {  	_ =	strace s2  }
0x95: {  	s2 =	sld [smem:$0x3FFD];
	_ =	sdelay $0x3  }
0x96: {  	_ =	strace s2  }
0x97: {  	_ =	strace $0x8FFFFFFF  }
0x98: {  	s20 =	sld [smem:$0x3FDB];
	_ =	sdelay $0x1  }
0x99: {  	s4 =	simm.s32 $_scs_section_size  }
0x9a: {  	s5 =	simm.s32 $_size__tile_overlayer_lowered;
	s6 =	simm.s32 $_tile_overlayer_lowered  }
0x9b: {  	s7 =	simm.s32 $0x1BFF;
	s21 =	sshll.u32 s6, $0x1;
	s4 =	sadd.s32 s4, s20  }
0x9c: {  	s22 =	simm.s32 $0x0;
	s5 =	sshll.u32 s5, $0x1;
	s6 =	sadd.s32 s21, s4  }
0x9d: {  	[timem:s22], [sflag:s7] =	dma.local [hbm:s6], s5  }
0x9e: {  	_ =	swait.ge [sflag:s7], s5  }
0x9f: {  	s5 =	ssub.s32 $0x0, s5;
	[sflag:s7] =	ssyncset.done $0x0  }
0xa0: {  	[sflag:s7] =	ssyncadd.s32 s5;
	_ =	sdelay $0x1  }
0xa1: {  	s23 =	simm.s32 $0x1B8B  }
0xa2: {  	_ =	swait.ge [sflag:s23], $0x1  }
0xa3: {  	[sflag:s23] =	ssyncset.done $0x0  }
0xa4: {  	[sflag:s23] =	ssyncadd.s32 $0xFFFFFFFF  }
0xa5: {  	s5 =	sld [smem:$0x0]  }
0xa6: {  	s6 =	sand.u32 $0xFFFFFFFE, s1  }
0xa7: {  	p0 =	sne.s32 s1, s6  }
0xa8: {  	s6 =	sshll.u32 @p0 s6, $0xE  }
0xa9: {  	s6 =	sadd.s32 @p0 $0x11B8D, s6;
	s7 =	sshll.u32 @p0 s5, $0x11  }
0xaa: {  	s6 =	sor.u32 @p0 s7, s6  }
0xab: {  	[sflag:s6] =	ssyncadd.remote.s32 @p0 $0x1;
	_ =	sdelay $0x1  }
0xac: {  	s6 =	simm.s32 @p0 $0x1B8D  }
0xad: {  	_ =	swait.eq @p0 [sflag:s6], $0x1  }
0xae: {  	[sflag:s6] =	ssyncadd.s32 @p0 $0xFFFFFFFF  }
0xaf: {  	s7 =	sshll.u32 @!p0 s1, $0xE  }
0xb0: {  	s7 =	sor.u32 @!p0 $0x4000, s7;
	s6 =	simm.s32 @!p0 $0x1B8D  }
0xb1: {  	s5 =	sshll.u32 @!p0 s5, $0x11;
	s7 =	sadd.s32 @!p0 $0x11B8D, s7;
	_ =	swait.eq @!p0 [sflag:s6], $0x1  }
0xb2: {  	s5 =	sor.u32 @!p0 s5, s7;
	[sflag:s6] =	ssyncadd.s32 @!p0 $0xFFFFFFFF  }
0xb3: {  	s25 =	simm.s32 $0x1B8E;
	s24 =	sld [smem:$0x3FFE];
	[sflag:s5] =	ssyncadd.remote.s32 @!p0 $0x1  }
0xb4: {  	s26 =	simm.s32 $execute0_lowered;
	[smem:$0x3FD2] =	sst s25  }
0xb5: {  	s6 =	sshll.u32 s26, $0x1;
	_ =	strace $0x8000004F;
	[dreg:$0x1] =	wrdreg $0xFFFFFFFF  }
0xb6: {  	s28 =	simm.s32 $_size_execute0_lowered;
	s4 =	sadd.s32 s4, s6;
	[dreg:$0x0] =	wrdreg $0x0  }
0xb7: {  	s6 =	sshll.u32 s28, $0x1;
	[dreg:$0x2] =	wrdreg s4  }
0xb8: {  	[dreg:$0x3] =	wrdreg s6  }
0xb9: {  	[dreg:$0x4] =	wrdreg $0xC0  }
0xba: {  	_ =	task [dreg:s22], $0x5FFFF  }
0xbb: {  	[dreg:$0x1] =	wrdreg $0xFFFFFFFF  }
0xbc: {  	[dreg:$0x0] =	wrdreg $0x60  }
0xbd: {  	[dreg:$0x2] =	wrdreg s18  }
0xbe: {  	[dreg:$0x3] =	wrdreg s24  }
0xbf: {  	[dreg:$0x4] =	wrdreg $0xC  }
0xc0: {  	_ =	task.clear_ibuf [dreg:s22], $0x5FFFF;
	_ =	strace $0x9000004F  }
0xc1: {  	s29 =	simm.s32 $0xC;
	_ =	strace $0x80000051  }
0xc2: {  	_ =	swait.ge [sflag:s29], $0x1  }
0xc3: {  	[sflag:s29] =	ssyncadd.s32 $0xFFFFFFFF  }
0xc4: {  	_ =	strace $0x90000051  }
0xc5: {  	_ =	sfence  }
0xc6: {  	s30 =	sld [smem:$0x0];
	_ =	sdelay $0x2  }
0xc7: {  	s31 =	sshll.u32 s1, $0xD;
	s1 =	sshrl.u32 s1, $0x2  }
0xc8: {  	s4 =	sand.u32 $0x4000, s31;
	s1 =	sadd.s32 s1, s30  }
0xc9: {  	s0 =	sor.u32 s4, s0;
	s1 =	sshll.u32 s1, $0x11  }
0xca: {  	s0 =	sor.u32 s1, s0  }
0xcb: {  	s0 =	sadd.s32 $0x8F2B, s0  }
0xcc: {  	[sflag:s0] =	ssyncadd.remote.s32 $0x1  }
0xcd: {  	_ =	sfence.sel $0xFFFF  }
0xce: {  	[dreg:$0x0] =	wrdreg $0xFFFFFFFF;
	(pc) =	sbr.abs _section_cstart, $3  }
0xcf: {  	[dreg:$0x1] =	wrdreg $0xFFFFFFFF  }
0xd0: {  	_ =	task.clear_ibuf [dreg:s22], $0x2FFFF;
	_ =	strace $0x9FFFFFFF  }
0xd1: {  	(tm) =	ssettm $0x7FFFFFFF  }
tec
execute0_lowered:
.L_overlay_start_1:
0x0: {  	(tag) =	ssettag $0x1  }
0x1: {  	s1 =	srdreg.scid  }
0x2: {  	s0 =	stileid.u32;
	s30 =	sand.u32 $0x1, s1  }
0x3: {  	s26 =	sshll.u32 s0, $0xC;
	s3 =	sshll.u32 s30, $0xB  }
0x4: {  	s2 =	rddreg [dreg:$0x0];
	s15 =	sor.u32 s3, s26  }
0x5: {  	s14 =	rddreg [dreg:$0x1];
	s3 =	simm.s32 $0x0;
	s4 =	sshrl.u32 s15, $0x3  }
0x6: {  	[smem:$0x7FF] =	sst s3;
	s4 =	sadd.s32 s4, s14  }
0x7: {  	_ =	strace $0x80000050;
	s5 =	sadd.s32 $0x349600, s4;
	s4 =	simm.s32 $0x2  }
0x8: {  	[tilespmem:s3], [sflag:$0x2] =	stream.linear.gather [hbm4b:s5+s3], $0x800, $0x38;
	[tilespmem:$0x10800] =	vst v63  }
0x9: {  	_ =	swait.ge [sflag:s4], $0x800  }
0xa: {  	[sflag:s4] =	ssyncset.done $0x0  }
0xb: {  	s6 =	simm.s32 $0x80;
	s7 =	simm.s32 $0x800;
	[sflag:s4] =	ssyncadd.s32 $0xFFFFF800  }
0xc: {  	[tilespmem:s7], [sflag:$0x1] =	stream.indirect.gather [hbm4b:s2+s6], $0x80, s3, s6, $0xb8;
	[tilespmem:$0x10800] =	vst v63  }
0xd: {  	s8 =	simm.s32 $0x4800  }
0xe: {  	[tilespmem:s8], [sflag:$0x1] =	stream.indirect.gather [hbm4b:s2+s6], $0x80, s6, s6, $0xb8;
	[tilespmem:$0x10800] =	vst v63  }
0xf: {  	s9 =	simm.s32 $0x100;
	s10 =	simm.s32 $0x8800  }
0x10: {  	[tilespmem:s10], [sflag:$0x1] =	stream.indirect.gather [hbm4b:s2+s6], $0x80, s9, s6, $0xb8;
	[tilespmem:$0x10800] =	vst v63  }
0x11: {  	s11 =	simm.s32 $0x180;
	s12 =	simm.s32 $0xC800;
	s13 =	simm.s32 $0x1  }
0x12: {  	[tilespmem:s12], [sflag:$0x1] =	stream.indirect.gather [hbm4b:s2+s6], $0x80, s11, s6, $0xb8;
	[tilespmem:$0x10800] =	vst v63  }
0x13: {  	_ =	swait.ge [sflag:s13], $0x4000  }
0x14: {  	[sflag:s13] =	ssyncset.done $0x0  }
0x15: {  	[sflag:s13] =	ssyncadd.s32 $0xFFFFC000  }
0x16: {  	_ =	swait.ge [sflag:s13], $0x4000  }
0x17: {  	[sflag:s13] =	ssyncset.done $0x0  }
0x18: {  	[sflag:s13] =	ssyncadd.s32 $0xFFFFC000  }
0x19: {  	_ =	swait.ge [sflag:s13], $0x4000  }
0x1a: {  	[sflag:s13] =	ssyncset.done $0x0  }
0x1b: {  	[sflag:s13] =	ssyncadd.s32 $0xFFFFC000  }
0x1c: {  	s15 =	sshll.u32 s15, $0x4;
	_ =	swait.ge [sflag:s13], $0x4000  }
0x1d: {  	s31 =	sadd.s32 s15, s14;
	[sflag:s13] =	ssyncset.done $0x0  }
0x1e: {  	s14 =	sadd.s32 $0x34B600, s31;
	[sflag:s13] =	ssyncadd.s32 $0xFFFFC000  }
0x1f: {  	[hbm4b:s14+s3] =	stream.linear.scatter [tilespmem:s7], [sflag:$0x2], $0x10000, $0x38;
	[tilespmem:$0x10800] =	vst v63  }
0x20: {  	_ =	swait.ge [sflag:s4], $0x10000  }
0x21: {  	[sflag:s4] =	ssyncset.done $0x0  }
0x22: {  	s15 =	simm.s32 $0x200;
	[sflag:s4] =	ssyncadd.s32 $0xFFFF0000  }
0x23: {  	[tilespmem:s7], [sflag:$0x1] =	stream.indirect.gather [hbm4b:s2+s6], $0x80, s15, s6, $0xb8;
	[tilespmem:$0x10800] =	vst v63  }
0x24: {  	s16 =	simm.s32 $0x280  }
0x25: {  	[tilespmem:s8], [sflag:$0x1] =	stream.indirect.gather [hbm4b:s2+s6], $0x80, s16, s6, $0xb8;
	[tilespmem:$0x10800] =	vst v63  }
0x26: {  	s17 =	simm.s32 $0x300  }
0x27: {  	[tilespmem:s10], [sflag:$0x1] =	stream.indirect.gather [hbm4b:s2+s6], $0x80, s17, s6, $0xb8;
	[tilespmem:$0x10800] =	vst v63  }
0x28: {  	s18 =	simm.s32 $0x380  }
0x29: {  	[tilespmem:s12], [sflag:$0x1] =	stream.indirect.gather [hbm4b:s2+s6], $0x80, s18, s6, $0xb8;
	[tilespmem:$0x10800] =	vst v63  }
0x2a: {  	_ =	swait.ge [sflag:s13], $0x4000  }
0x2b: {  	[sflag:s13] =	ssyncset.done $0x0  }
0x2c: {  	[sflag:s13] =	ssyncadd.s32 $0xFFFFC000  }
0x2d: {  	_ =	swait.ge [sflag:s13], $0x4000  }
0x2e: {  	[sflag:s13] =	ssyncset.done $0x0  }
0x2f: {  	[sflag:s13] =	ssyncadd.s32 $0xFFFFC000  }
0x30: {  	_ =	swait.ge [sflag:s13], $0x4000  }
0x31: {  	[sflag:s13] =	ssyncset.done $0x0  }
0x32: {  	[sflag:s13] =	ssyncadd.s32 $0xFFFFC000  }
0x33: {  	_ =	swait.ge [sflag:s13], $0x4000  }
0x34: {  	[sflag:s13] =	ssyncset.done $0x0  }
0x35: {  	s19 =	sadd.s32 $0x34D600, s31;
	[sflag:s13] =	ssyncadd.s32 $0xFFFFC000  }
0x36: {  	[hbm4b:s19+s3] =	stream.linear.scatter [tilespmem:s7], [sflag:$0x2], $0x10000, $0x38;
	[tilespmem:$0x10800] =	vst v63  }
0x37: {  	_ =	swait.ge [sflag:s4], $0x10000  }
0x38: {  	[sflag:s4] =	ssyncset.done $0x0  }
0x39: {  	s20 =	simm.s32 $0x400;
	[sflag:s4] =	ssyncadd.s32 $0xFFFF0000  }
0x3a: {  	[tilespmem:s7], [sflag:$0x1] =	stream.indirect.gather [hbm4b:s2+s6], $0x80, s20, s6, $0xb8;
	[tilespmem:$0x10800] =	vst v63  }
0x3b: {  	s21 =	simm.s32 $0x480  }
0x3c: {  	[tilespmem:s8], [sflag:$0x1] =	stream.indirect.gather [hbm4b:s2+s6], $0x80, s21, s6, $0xb8;
	[tilespmem:$0x10800] =	vst v63  }
0x3d: {  	s22 =	simm.s32 $0x500  }
0x3e: {  	[tilespmem:s10], [sflag:$0x1] =	stream.indirect.gather [hbm4b:s2+s6], $0x80, s22, s6, $0xb8;
	[tilespmem:$0x10800] =	vst v63  }
0x3f: {  	s23 =	simm.s32 $0x580  }
0x40: {  	[tilespmem:s12], [sflag:$0x1] =	stream.indirect.gather [hbm4b:s2+s6], $0x80, s23, s6, $0xb8;
	[tilespmem:$0x10800] =	vst v63  }
0x41: {  	_ =	swait.ge [sflag:s13], $0x4000  }
0x42: {  	[sflag:s13] =	ssyncset.done $0x0  }
0x43: {  	[sflag:s13] =	ssyncadd.s32 $0xFFFFC000  }
0x44: {  	_ =	swait.ge [sflag:s13], $0x4000  }
0x45: {  	[sflag:s13] =	ssyncset.done $0x0  }
0x46: {  	[sflag:s13] =	ssyncadd.s32 $0xFFFFC000  }
0x47: {  	_ =	swait.ge [sflag:s13], $0x4000  }
0x48: {  	[sflag:s13] =	ssyncset.done $0x0  }
0x49: {  	[sflag:s13] =	ssyncadd.s32 $0xFFFFC000  }
0x4a: {  	_ =	swait.ge [sflag:s13], $0x4000  }
0x4b: {  	[sflag:s13] =	ssyncset.done $0x0  }
0x4c: {  	s24 =	sadd.s32 $0x34F600, s31;
	[sflag:s13] =	ssyncadd.s32 $0xFFFFC000  }
0x4d: {  	[hbm4b:s24+s3] =	stream.linear.scatter [tilespmem:s7], [sflag:$0x2], $0x10000, $0x38;
	[tilespmem:$0x10800] =	vst v63  }
0x4e: {  	_ =	swait.ge [sflag:s4], $0x10000  }
0x4f: {  	[sflag:s4] =	ssyncset.done $0x0  }
0x50: {  	s25 =	simm.s32 $0x600;
	[sflag:s4] =	ssyncadd.s32 $0xFFFF0000  }
0x51: {  	[tilespmem:s7], [sflag:$0x1] =	stream.indirect.gather [hbm4b:s2+s6], $0x80, s25, s6, $0xb8;
	[tilespmem:$0x10800] =	vst v63  }
0x52: {  	s26 =	simm.s32 $0x680  }
0x53: {  	[tilespmem:s8], [sflag:$0x1] =	stream.indirect.gather [hbm4b:s2+s6], $0x80, s26, s6, $0xb8;
	[tilespmem:$0x10800] =	vst v63  }
0x54: {  	s28 =	simm.s32 $0x700  }
0x55: {  	[tilespmem:s10], [sflag:$0x1] =	stream.indirect.gather [hbm4b:s2+s6], $0x80, s28, s6, $0xb8;
	[tilespmem:$0x10800] =	vst v63  }
0x56: {  	s29 =	simm.s32 $0x780  }
0x57: {  	[tilespmem:s12], [sflag:$0x1] =	stream.indirect.gather [hbm4b:s2+s6], $0x80, s29, s6, $0xb8;
	[tilespmem:$0x10800] =	vst v63  }
0x58: {  	_ =	swait.ge [sflag:s13], $0x4000  }
0x59: {  	[sflag:s13] =	ssyncset.done $0x0  }
0x5a: {  	[sflag:s13] =	ssyncadd.s32 $0xFFFFC000  }
0x5b: {  	_ =	swait.ge [sflag:s13], $0x4000  }
0x5c: {  	[sflag:s13] =	ssyncset.done $0x0  }
0x5d: {  	s30 =	ssub.s32 $0x2, s30;
	[sflag:s13] =	ssyncadd.s32 $0xFFFFC000  }
0x5e: {  	s1 =	sshrl.u32 s30, $0x1;
	_ =	swait.ge [sflag:s13], $0x4000  }
0x5f: {  	s1 =	ssub.s32 s30, s1;
	[sflag:s13] =	ssyncset.done $0x0  }
0x60: {  	s1 =	smax.u32 s1, $0x1;
	[sflag:s13] =	ssyncadd.s32 $0xFFFFC000  }
0x61: {  	p0 =	sne.s32 s1, $0x1;
	_ =	swait.ge [sflag:s13], $0x4000  }
.Ltmp0:
0x62: {  	[sflag:s13] =	ssyncset.done $0x0;
	(pc) =	sbr.rel @!p0 .LBB2_2-.Ltmp0, $4  }
0x63: {  	s30 =	sadd.s32 $0x351600, s31;
	[sflag:s13] =	ssyncadd.s32 $0xFFFFC000  }
0x64: {  	[hbm4b:s30+s3] =	stream.linear.scatter [tilespmem:s7], [sflag:$0x2], $0x10000, $0x38;
	[tilespmem:$0x10800] =	vst v63  }
0x65: {  	_ =	swait.ge [sflag:s4], $0x10000  }
0x66: {  	s31 =	sadd.s32 $0xFFFFFFFF, s1;
	[sflag:s4] =	ssyncset.done $0x0  }
.LBB2_1:
0x67: {  	p0 =	sne.s32 s31, $0x1;
	s31 =	sadd.s32 $0xFFFFFFFF, s31;
	[sflag:s4] =	ssyncadd.s32 $0xFFFF0000  }
0x68: {  	[tilespmem:s3], [sflag:$0x2] =	stream.linear.gather [hbm4b:s5+s3], $0x800, $0x38;
	[tilespmem:$0x10800] =	vst v63  }
0x69: {  	_ =	swait.ge [sflag:s4], $0x800  }
0x6a: {  	[sflag:s4] =	ssyncset.done $0x0  }
0x6b: {  	[sflag:s4] =	ssyncadd.s32 $0xFFFFF800  }
0x6c: {  	[tilespmem:s7], [sflag:$0x1] =	stream.indirect.gather [hbm4b:s2+s6], $0x80, s3, s6, $0xb8;
	[tilespmem:$0x10800] =	vst v63  }
0x6d: {  	_ = 	snop  }
0x6e: {  	[tilespmem:s8], [sflag:$0x1] =	stream.indirect.gather [hbm4b:s2+s6], $0x80, s6, s6, $0xb8;
	[tilespmem:$0x10800] =	vst v63  }
0x6f: {  	_ = 	snop  }
0x70: {  	[tilespmem:s10], [sflag:$0x1] =	stream.indirect.gather [hbm4b:s2+s6], $0x80, s9, s6, $0xb8;
	[tilespmem:$0x10800] =	vst v63  }
0x71: {  	_ = 	snop  }
0x72: {  	[tilespmem:s12], [sflag:$0x1] =	stream.indirect.gather [hbm4b:s2+s6], $0x80, s11, s6, $0xb8;
	[tilespmem:$0x10800] =	vst v63  }
0x73: {  	_ =	swait.ge [sflag:s13], $0x4000  }
0x74: {  	[sflag:s13] =	ssyncset.done $0x0  }
0x75: {  	[sflag:s13] =	ssyncadd.s32 $0xFFFFC000  }
0x76: {  	_ =	swait.ge [sflag:s13], $0x4000  }
0x77: {  	[sflag:s13] =	ssyncset.done $0x0  }
0x78: {  	[sflag:s13] =	ssyncadd.s32 $0xFFFFC000  }
0x79: {  	_ =	swait.ge [sflag:s13], $0x4000  }
0x7a: {  	[sflag:s13] =	ssyncset.done $0x0  }
0x7b: {  	[sflag:s13] =	ssyncadd.s32 $0xFFFFC000  }
0x7c: {  	_ =	swait.ge [sflag:s13], $0x4000  }
0x7d: {  	[sflag:s13] =	ssyncset.done $0x0  }
0x7e: {  	[sflag:s13] =	ssyncadd.s32 $0xFFFFC000  }
0x7f: {  	[hbm4b:s14+s3] =	stream.linear.scatter [tilespmem:s7], [sflag:$0x2], $0x10000, $0x38;
	[tilespmem:$0x10800] =	vst v63  }
0x80: {  	_ =	swait.ge [sflag:s4], $0x10000  }
0x81: {  	[sflag:s4] =	ssyncset.done $0x0  }
0x82: {  	[sflag:s4] =	ssyncadd.s32 $0xFFFF0000  }
0x83: {  	[tilespmem:s7], [sflag:$0x1] =	stream.indirect.gather [hbm4b:s2+s6], $0x80, s15, s6, $0xb8;
	[tilespmem:$0x10800] =	vst v63  }
0x84: {  	_ = 	snop  }
0x85: {  	[tilespmem:s8], [sflag:$0x1] =	stream.indirect.gather [hbm4b:s2+s6], $0x80, s16, s6, $0xb8;
	[tilespmem:$0x10800] =	vst v63  }
0x86: {  	_ = 	snop  }
0x87: {  	[tilespmem:s10], [sflag:$0x1] =	stream.indirect.gather [hbm4b:s2+s6], $0x80, s17, s6, $0xb8;
	[tilespmem:$0x10800] =	vst v63  }
0x88: {  	_ = 	snop  }
0x89: {  	[tilespmem:s12], [sflag:$0x1] =	stream.indirect.gather [hbm4b:s2+s6], $0x80, s18, s6, $0xb8;
	[tilespmem:$0x10800] =	vst v63  }
0x8a: {  	_ =	swait.ge [sflag:s13], $0x4000  }
0x8b: {  	[sflag:s13] =	ssyncset.done $0x0  }
0x8c: {  	[sflag:s13] =	ssyncadd.s32 $0xFFFFC000  }
0x8d: {  	_ =	swait.ge [sflag:s13], $0x4000  }
0x8e: {  	[sflag:s13] =	ssyncset.done $0x0  }
0x8f: {  	[sflag:s13] =	ssyncadd.s32 $0xFFFFC000  }
0x90: {  	_ =	swait.ge [sflag:s13], $0x4000  }
0x91: {  	[sflag:s13] =	ssyncset.done $0x0  }
0x92: {  	[sflag:s13] =	ssyncadd.s32 $0xFFFFC000  }
0x93: {  	_ =	swait.ge [sflag:s13], $0x4000  }
0x94: {  	[sflag:s13] =	ssyncset.done $0x0  }
0x95: {  	[sflag:s13] =	ssyncadd.s32 $0xFFFFC000  }
0x96: {  	[hbm4b:s19+s3] =	stream.linear.scatter [tilespmem:s7], [sflag:$0x2], $0x10000, $0x38;
	[tilespmem:$0x10800] =	vst v63  }
0x97: {  	_ =	swait.ge [sflag:s4], $0x10000  }
0x98: {  	[sflag:s4] =	ssyncset.done $0x0  }
0x99: {  	[sflag:s4] =	ssyncadd.s32 $0xFFFF0000  }
0x9a: {  	[tilespmem:s7], [sflag:$0x1] =	stream.indirect.gather [hbm4b:s2+s6], $0x80, s20, s6, $0xb8;
	[tilespmem:$0x10800] =	vst v63  }
0x9b: {  	_ = 	snop  }
0x9c: {  	[tilespmem:s8], [sflag:$0x1] =	stream.indirect.gather [hbm4b:s2+s6], $0x80, s21, s6, $0xb8;
	[tilespmem:$0x10800] =	vst v63  }
0x9d: {  	_ = 	snop  }
0x9e: {  	[tilespmem:s10], [sflag:$0x1] =	stream.indirect.gather [hbm4b:s2+s6], $0x80, s22, s6, $0xb8;
	[tilespmem:$0x10800] =	vst v63  }
0x9f: {  	_ = 	snop  }
0xa0: {  	[tilespmem:s12], [sflag:$0x1] =	stream.indirect.gather [hbm4b:s2+s6], $0x80, s23, s6, $0xb8;
	[tilespmem:$0x10800] =	vst v63  }
0xa1: {  	_ =	swait.ge [sflag:s13], $0x4000  }
0xa2: {  	[sflag:s13] =	ssyncset.done $0x0  }
0xa3: {  	[sflag:s13] =	ssyncadd.s32 $0xFFFFC000  }
0xa4: {  	_ =	swait.ge [sflag:s13], $0x4000  }
0xa5: {  	[sflag:s13] =	ssyncset.done $0x0  }
0xa6: {  	[sflag:s13] =	ssyncadd.s32 $0xFFFFC000  }
0xa7: {  	_ =	swait.ge [sflag:s13], $0x4000  }
0xa8: {  	[sflag:s13] =	ssyncset.done $0x0  }
0xa9: {  	[sflag:s13] =	ssyncadd.s32 $0xFFFFC000  }
0xaa: {  	_ =	swait.ge [sflag:s13], $0x4000  }
0xab: {  	[sflag:s13] =	ssyncset.done $0x0  }
0xac: {  	[sflag:s13] =	ssyncadd.s32 $0xFFFFC000  }
0xad: {  	[hbm4b:s24+s3] =	stream.linear.scatter [tilespmem:s7], [sflag:$0x2], $0x10000, $0x38;
	[tilespmem:$0x10800] =	vst v63  }
0xae: {  	_ =	swait.ge [sflag:s4], $0x10000  }
0xaf: {  	[sflag:s4] =	ssyncset.done $0x0  }
0xb0: {  	[sflag:s4] =	ssyncadd.s32 $0xFFFF0000  }
0xb1: {  	[tilespmem:s7], [sflag:$0x1] =	stream.indirect.gather [hbm4b:s2+s6], $0x80, s25, s6, $0xb8;
	[tilespmem:$0x10800] =	vst v63  }
0xb2: {  	_ = 	snop  }
0xb3: {  	[tilespmem:s8], [sflag:$0x1] =	stream.indirect.gather [hbm4b:s2+s6], $0x80, s26, s6, $0xb8;
	[tilespmem:$0x10800] =	vst v63  }
0xb4: {  	_ = 	snop  }
0xb5: {  	[tilespmem:s10], [sflag:$0x1] =	stream.indirect.gather [hbm4b:s2+s6], $0x80, s28, s6, $0xb8;
	[tilespmem:$0x10800] =	vst v63  }
0xb6: {  	_ = 	snop  }
0xb7: {  	[tilespmem:s12], [sflag:$0x1] =	stream.indirect.gather [hbm4b:s2+s6], $0x80, s29, s6, $0xb8;
	[tilespmem:$0x10800] =	vst v63  }
0xb8: {  	_ =	swait.ge [sflag:s13], $0x4000  }
0xb9: {  	[sflag:s13] =	ssyncset.done $0x0  }
0xba: {  	[sflag:s13] =	ssyncadd.s32 $0xFFFFC000  }
0xbb: {  	_ =	swait.ge [sflag:s13], $0x4000  }
0xbc: {  	[sflag:s13] =	ssyncset.done $0x0  }
0xbd: {  	[sflag:s13] =	ssyncadd.s32 $0xFFFFC000  }
0xbe: {  	_ =	swait.ge [sflag:s13], $0x4000  }
0xbf: {  	[sflag:s13] =	ssyncset.done $0x0  }
0xc0: {  	[sflag:s13] =	ssyncadd.s32 $0xFFFFC000  }
0xc1: {  	_ =	swait.ge [sflag:s13], $0x4000  }
.Ltmp1:
0xc2: {  	[sflag:s13] =	ssyncset.done $0x0;
	(pc) =	sbr.rel @p0 .LBB2_1-.Ltmp1, $4  }
0xc3: {  	[sflag:s13] =	ssyncadd.s32 $0xFFFFC000  }
0xc4: {  	[hbm4b:s30+s3] =	stream.linear.scatter [tilespmem:s7], [sflag:$0x2], $0x10000, $0x38;
	[tilespmem:$0x10800] =	vst v63  }
0xc5: {  	_ =	swait.ge [sflag:s4], $0x10000  }
0xc6: {  	[sflag:s4] =	ssyncset.done $0x0  }
.LBB2_2:
0xc7: {  	[sflag:s4] =	ssyncadd.s32 $0xFFFF0000  }
0xc8: {  	_ =	sfence.sel $0x180000  }
0xc9: {  	[bflag:$0x0] =	sbarrier.arrive $0xFFFF  }
0xca: {  	_ =	strace $0x90000050  }
0xcb: {  	[bflag:$0x2] =	sbarrier.arrive $0xFFFF  }
0xcc: {  	p0 =	sne.s32 s0, $0x0;
	s0 =	rddreg [dreg:$0x2]  }
0xcd: {  	s0 =	sadd.s32 @!p0 $0x100000, s0  }
0xce: {  	[sflag:s0] =	ssyncadd.tile.s32 @!p0 $0x1;
	_ =	shalt  }
.Lfunc_end2:
_tile_overlayer_lowered:
.L_overlay_start_2:
0xcf: {  	(tag) =	ssettag $0x2  }
0xd0: {  	s0 =	rddreg [dreg:$0x0];
	s2 =	stileid.u32  }
0xd1: {  	s1 =	rddreg [dreg:$0x1];
	p0 =	sne.s32 s2, $0x0  }
0xd2: {  	s3 =	rddreg [dreg:$0x2];
	[bflag:$0x3] =	sbarrier.arrive $0xFFFF;
	s2 =	simm.s32 @!p0 $0x1C02  }
0xd3: {  	[timem:s3], [sflag:s2] =	dma.local @!p0 [hbm:s0], s1  }
0xd4: {  	s0 =	simm.s32 @!p0 $0x2  }
0xd5: {  	_ =	swait.ge @!p0 [sflag:s0], s1  }
0xd6: {  	s1 =	ssub.s32 @!p0 $0x0, s1;
	[sflag:s0] =	ssyncset.done @!p0 $0x0  }
0xd7: {  	[sflag:s0] =	ssyncadd.s32 @!p0 s1  }
0xd8: {  	[bflag:$0x3] =	sbarrier.arrive $0xFFFF  }
0xd9: {  	_ =	shalt  }

</sc_bundles>
